<compile_context>
chip_gen: v7x
topology: tpu7x:2x2x1
jax: 0.10.2.dev20260603
libtpu: 0.0.44.dev20260713+nightly
codegen_flags: <defaults>
</compile_context>

<pallas_src>
import functools

import jax
import jax.numpy as jnp
from jax import lax
from jax.experimental import pallas as pl
from jax.experimental.pallas import tpu as pltpu
from jax.experimental.pallas import tpu_sc as plsc

N = 10000
E = 320000
RAW = 6
NFEAT = 128
NCLASS = 64

NC = 2
NS = 16
NW = NC * NS

NZ = 10112
ZR = NZ // NS

D1 = 8
D2 = NCLASS


def _make_sc_scatter(D, c0_chunks, CH):
  ncht = E // CH
  assert ncht * CH == E and c0_chunks % NS == 0
  q0 = c0_chunks // NS
  q1, r1 = divmod(ncht - c0_chunks, NS)
  maxq = max(q0, q1 + (1 if r1 else 0))

  mesh = plsc.VectorSubcoreMesh(core_axis_name="c", subcore_axis_name="s")

  def body(feat_hbm, adj_hbm, zeros_hbm, out_hbm,
           src_v, dst_v, rows0_v, rows1_v, rows2_v, acc,
           sem_z, sem_i, sem_g0, sem_g1, sem_g2, sem_s0, sem_s1, sem_s2):
    c = lax.axis_index("c")
    s = lax.axis_index("s")

    pltpu.async_copy(zeros_hbm.at[pl.ds(s * ZR, ZR)],
                     acc.at[pl.ds(s * ZR, ZR)], sem_z)

    def stage(base, nch):
      pltpu.async_copy(adj_hbm.at[0, pl.ds(base * CH, nch * CH)],
                       src_v.at[pl.ds(0, nch * CH)], sem_i)
      pltpu.async_copy(adj_hbm.at[1, pl.ds(base * CH, nch * CH)],
                       dst_v.at[pl.ds(0, nch * CH)], sem_i)
      pltpu.make_async_copy(adj_hbm.at[0, pl.ds(base * CH, nch * CH)],
                            src_v.at[pl.ds(0, nch * CH)], sem_i).wait()
      pltpu.make_async_copy(adj_hbm.at[1, pl.ds(base * CH, nch * CH)],
                            dst_v.at[pl.ds(0, nch * CH)], sem_i).wait()

    rows = (rows0_v, rows1_v, rows2_v)
    gsem = (sem_g0, sem_g1, sem_g2)
    ssem = (sem_s0, sem_s1, sem_s2)

    def scatter_loop(nch):
      def sidx(ref, j):
        return ref.at[pl.ds(j * CH, CH)]

      pltpu.async_copy(feat_hbm.at[sidx(src_v, 0)], rows[0], gsem[0])
      pltpu.async_copy(feat_hbm.at[sidx(src_v, 1)], rows[1], gsem[1])

      def group(g, carry):
        for b in range(3):
          j = g * 3 + b
          b2 = (b + 2) % 3

          @pl.when(j < nch)
          def _():
            pltpu.make_async_copy(feat_hbm.at[sidx(src_v, j)], rows[b],
                                  gsem[b]).wait()
            pltpu.async_copy(rows[b], acc.at[sidx(dst_v, j)], ssem[b],
                             add=True)

          @pl.when(j + 2 < nch)
          def _():
            @pl.when(j >= 1)
            def _():
              pltpu.make_async_copy(rows[b2], acc.at[sidx(dst_v, j - 1)],
                                    ssem[b2]).wait()

            pltpu.async_copy(feat_hbm.at[sidx(src_v, j + 2)], rows[b2],
                             gsem[b2])
        return carry

      lax.fori_loop(0, (nch + 2) // 3, group, 0)

      for k in range(3):
        jd = nch - 1 - k
        pltpu.make_async_copy(rows[jd % 3], acc.at[sidx(dst_v, jd)],
                              ssem[jd % 3]).wait()

    c1base = c0_chunks

    @pl.when(c == 0)
    def _():
      stage(s * q0, q0)

    if r1:
      @pl.when((c == 1) & (s < r1))
      def _():
        stage(c1base + s * (q1 + 1), q1 + 1)

      @pl.when((c == 1) & (s >= r1))
      def _():
        stage(c1base + r1 * (q1 + 1) + (s - r1) * q1, q1)
    else:
      @pl.when(c == 1)
      def _():
        stage(c1base + s * q1, q1)

    pltpu.make_async_copy(zeros_hbm.at[pl.ds(s * ZR, ZR)],
                          acc.at[pl.ds(s * ZR, ZR)], sem_z).wait()
    plsc.subcore_barrier()

    @pl.when(c == 0)
    def _():
      scatter_loop(q0)

    if r1:
      @pl.when((c == 1) & (s < r1))
      def _():
        scatter_loop(q1 + 1)

      @pl.when((c == 1) & (s >= r1))
      def _():
        scatter_loop(q1)
    else:
      @pl.when(c == 1)
      def _():
        scatter_loop(q1)

    plsc.subcore_barrier()

    pltpu.sync_copy(acc.at[pl.ds(s * ZR, ZR)], out_hbm.at[c, pl.ds(s * ZR, ZR)])

  return pl.kernel(
      body,
      out_type=jax.ShapeDtypeStruct((NC, NZ, D), jnp.float32),
      mesh=mesh,
      scratch_types=[
          pltpu.VMEM((maxq * CH,), jnp.int32),
          pltpu.VMEM((maxq * CH,), jnp.int32),
          pltpu.VMEM((CH, D), jnp.float32),
          pltpu.VMEM((CH, D), jnp.float32),
          pltpu.VMEM((CH, D), jnp.float32),
          pltpu.VMEM_SHARED((NZ, D), jnp.float32),
          pltpu.SemaphoreType.DMA,
          pltpu.SemaphoreType.DMA,
          pltpu.SemaphoreType.DMA,
          pltpu.SemaphoreType.DMA,
          pltpu.SemaphoreType.DMA,
          pltpu.SemaphoreType.DMA,
          pltpu.SemaphoreType.DMA,
          pltpu.SemaphoreType.DMA,
      ],
      compiler_params=pltpu.CompilerParams(use_tc_tiling_on_sc=False),
  )


_CH1 = 1000
_CH2 = 320
_sc_scatter_8 = _make_sc_scatter(D1, 160, _CH1)
_sc_scatter_64 = _make_sc_scatter(D2, 496, _CH2)

_TC_BLK = 2000


def _tc_mid_body(gp_ref, wp8_ref, w1_ref, w2_ref, out_ref):
  g = gp_ref[0] + gp_ref[1]
  wcat = jnp.dot(wp8_ref[...], w1_ref[...],
                 preferred_element_type=jnp.float32)
  agg1 = jnp.dot(g, wcat, preferred_element_type=jnp.float32)
  x1 = jnp.maximum(agg1, 0.0)
  out_ref[...] = jnp.dot(x1, w2_ref[...], preferred_element_type=jnp.float32)


def _tc_add_body(p_ref, o_ref):
  o_ref[...] = p_ref[0] + p_ref[1]


_NPK1 = NZ * D1 // 128
_NPK2 = NZ * D2 // 128


def kernel(inputx, adj, nums, Wp, bp, W1, W2):
  del nums

  xp = jnp.concatenate(
      [inputx, jnp.ones((N, 1), jnp.float32), jnp.zeros((N, 1), jnp.float32)],
      axis=1)

  gpart = _sc_scatter_8(xp, adj, jnp.zeros((NZ, D1), jnp.float32))

  wp8 = jnp.concatenate(
      [Wp.T, bp[None, :], jnp.zeros((1, NFEAT), jnp.float32)], axis=0)

  h2 = pl.pallas_call(
      _tc_mid_body,
      grid=(N // _TC_BLK,),
      in_specs=[
          pl.BlockSpec((NC, _TC_BLK, D1), lambda i: (0, i, 0)),
          pl.BlockSpec((D1, NFEAT), lambda i: (0, 0)),
          pl.BlockSpec((NFEAT, NFEAT), lambda i: (0, 0)),
          pl.BlockSpec((NFEAT, D2), lambda i: (0, 0)),
      ],
      out_specs=pl.BlockSpec((_TC_BLK, D2), lambda i: (i, 0)),
      out_shape=jax.ShapeDtypeStruct((N, D2), jnp.float32),
  )(gpart, wp8, W1, W2)

  opart = _sc_scatter_64(h2, adj, jnp.zeros((NZ, D2), jnp.float32))

  opk = opart.reshape(NC, _NPK2, 128)
  npk = N * D2 // 128
  res = pl.pallas_call(
      _tc_add_body,
      grid=(5,),
      in_specs=[pl.BlockSpec((NC, npk // 5, 128), lambda i: (0, i, 0))],
      out_specs=pl.BlockSpec((npk // 5, 128), lambda i: (i, 0)),
      out_shape=jax.ShapeDtypeStruct((npk, 128), jnp.float32),
  )(opk)
  return res.reshape(N, D2)

# --- scband reference (transcript-rebuilt; emitter-appended) ---
"""Pipeline reference for scband-gcn-2190433321521 (READ-ONLY COPY).

The authoritative reference and input builder live on the scoring server;
editing this copy changes nothing except your own understanding.
"""

import jax, jax.numpy as jnp
import numpy as np

N = 10000
E = 320000
RAW = 6
NFEAT = 128
NHID = 128
NCLASS = 64

def setup_inputs(seed: int = 0) -> dict:
    key = jax.random.key(seed)
    k1, k2, k3, k4, k5, k6 = jax.random.split(key, 6)
    inputx = jax.random.normal(k1, (N, RAW), dtype=jnp.float32)
    adj = jax.random.randint(k2, (2, E), 0, N, dtype=jnp.int32)
    nums = jnp.zeros((3, 2), dtype=jnp.int32)
    # linear_p: nn.Linear(6, nfeat) -> weight [NFEAT, RAW], bias [NFEAT]
    Wp = jax.random.normal(k3, (NFEAT, RAW), dtype=jnp.float32) * (1.0 / np.sqrt(RAW))
    bp = jax.random.normal(k4, (NFEAT,), dtype=jnp.float32) * 0.01
    # GCNConv lin weights (bias=False): store as [in, out]
    W1 = jax.random.normal(k5, (NFEAT, NHID), dtype=jnp.float32) * (1.0 / np.sqrt(NFEAT))
    W2 = jax.random.normal(k6, (NHID, NCLASS), dtype=jnp.float32) * (1.0 / np.sqrt(NHID))
    return {"inputx": inputx, "adj": adj, "nums": nums, "Wp": Wp, "bp": bp, "W1": W1, "W2": W2}

def reference(inputx, adj, nums, Wp, bp, W1, W2):
    # nums is all zeros -> all node slices for linear_r / linear_u are empty;
    # the entire inputx goes through linear_p (x[nums[2][1]:] = linear_p(inputx[0:])).
    x = inputx @ Wp.T + bp  # [N, NFEAT]
    src = adj[0]
    dst = adj[1]
    # gc1: GCNConv(normalize=False, add_self_loops=False, bias=False):
    # out[dst] += (x @ W1)[src]
    h1 = x @ W1
    agg1 = jnp.zeros((x.shape[0], h1.shape[1]), dtype=h1.dtype).at[dst].add(h1[src])
    x1 = jax.nn.relu(agg1)
    # dropout inactive in eval mode
    h2 = x1 @ W2
    out = jnp.zeros((x.shape[0], h2.shape[1]), dtype=h2.dtype).at[dst].add(h2[src])
    return out

if __name__ == "__main__":
    import jax
    _d = setup_inputs()
    print(jax.jit(kernel)(*tuple(_d.values())))

</pallas_src>

<mosaic_0001>
#map = affine_map<(d0, d1) -> (0, 0)>
#map1 = affine_map<(d0, d1) -> (0, 0, 0)>
module attributes {stable_mosaic.version = 14 : i64} {
  func.func @body(%arg0: i32, %arg1: i32, %arg2: memref<10000x8xf32, #tpu.memory_space<hbm>>, %arg3: memref<2x320000xi32, #tpu.memory_space<hbm>>, %arg4: memref<10112x8xf32, #tpu.memory_space<hbm>>, %arg5: memref<2x10112x8xf32, #tpu.memory_space<hbm>>, %arg6: memref<10000xi32, #tpu.memory_space<vmem>>, %arg7: memref<10000xi32, #tpu.memory_space<vmem>>, %arg8: memref<1000x8xf32, #tpu.memory_space<vmem>>, %arg9: memref<1000x8xf32, #tpu.memory_space<vmem>>, %arg10: memref<1000x8xf32, #tpu.memory_space<vmem>>, %arg11: memref<10112x8xf32, #tpu.memory_space<vmem_shared>>, %arg12: memref<!tpu.dma_semaphore, #tpu.memory_space<semaphore_mem>>, %arg13: memref<!tpu.dma_semaphore, #tpu.memory_space<semaphore_mem>>, %arg14: memref<!tpu.dma_semaphore, #tpu.memory_space<semaphore_mem>>, %arg15: memref<!tpu.dma_semaphore, #tpu.memory_space<semaphore_mem>>, %arg16: memref<!tpu.dma_semaphore, #tpu.memory_space<semaphore_mem>>, %arg17: memref<!tpu.dma_semaphore, #tpu.memory_space<semaphore_mem>>, %arg18: memref<!tpu.dma_semaphore, #tpu.memory_space<semaphore_mem>>, %arg19: memref<!tpu.dma_semaphore, #tpu.memory_space<semaphore_mem>>) attributes {dimension_semantics = [#tpu.dimension_semantics<core_parallel>, #tpu.dimension_semantics<subcore_parallel>], iteration_bounds = array<i64: 2, 16>, scalar_prefetch = 0 : i64, scratch_operands = 14 : i64, tpu.core_type = #tpu.core_type<sc_vector_subcore>, window_params = [{transform_indices = #map}, {transform_indices = #map}, {transform_indices = #map}, {transform_indices = #map1}]} {
    %mul3A = arith.constant 632 : i32
    %mul3A_0 = arith.muli %arg1, %mul3A : i32
    %mul3A_1 = arith.constant 632 : i32
    %mul3A_2 = arith.muli %arg1, %mul3A_1 : i32
    %dma_start3A = arith.constant 0 : i32
    %dma_start3A_3 = tpu.memref_slice %arg11[%mul3A_2, %dma_start3A] : memref<10112x8xf32, #tpu.memory_space<vmem_shared>> -> memref<632x8xf32, #tpu.memory_space<vmem_shared>>
    %dma_start3A_4 = arith.constant 0 : i32
    %dma_start3A_5 = tpu.memref_slice %arg4[%mul3A_0, %dma_start3A_4] : memref<10112x8xf32, #tpu.memory_space<hbm>> -> memref<632x8xf32, #tpu.memory_space<hbm>>
    tpu.enqueue_dma source(%dma_start3A_5 : memref<632x8xf32, #tpu.memory_space<hbm>>) target(%dma_start3A_3 : memref<632x8xf32, #tpu.memory_space<vmem_shared>>) target_semaphore(%arg12 : memref<!tpu.dma_semaphore, #tpu.memory_space<semaphore_mem>>)
    %eq3A = arith.constant 0 : i32
    %eq3A_6 = arith.cmpi eq, %arg0, %eq3A : i32
    %convert_element_type3A = arith.extui %eq3A_6 : i1 to i32
    %cond3A = arith.constant 0 : i32
    %cond3A_7 = arith.cmpi ne, %convert_element_type3A, %cond3A : i32
    scf.if %cond3A_7 {
      %mul3A_35 = arith.constant 10 : i32
      %mul3A_36 = arith.muli %arg1, %mul3A_35 : i32
      %mul3A_37 = arith.constant 1000 : i32
      %mul3A_38 = arith.muli %mul3A_36, %mul3A_37 : i32
      %dma_start3A_39 = arith.constant 0 : i32
      %dma_start3A_40 = arith.constant 0 : i32
      %dma_start3A_41 = tpu.memref_slice %arg6[%dma_start3A_40] : memref<10000xi32, #tpu.memory_space<vmem>> -> memref<10000xi32, #tpu.memory_space<vmem>>
      %dma_start3A_42 = tpu.memref_slice %arg3[%dma_start3A_39, %mul3A_38] : memref<2x320000xi32, #tpu.memory_space<hbm>> -> memref<1x10000xi32, #tpu.memory_space<hbm>>
      %dma_start3A_43 = tpu.memref_squeeze %dma_start3A_42 : memref<1x10000xi32, #tpu.memory_space<hbm>> -> memref<10000xi32, #tpu.memory_space<hbm>>
      %dma_start3A_44 = arith.constant 0 : i32
      %dma_start3A_45 = tpu.memref_slice %arg6[%dma_start3A_44] : memref<10000xi32, #tpu.memory_space<vmem>> -> memref<10000xi32, #tpu.memory_space<vmem>>
      %dma_start3A_46 = tpu.memref_slice %arg3[%dma_start3A_39, %mul3A_38] : memref<2x320000xi32, #tpu.memory_space<hbm>> -> memref<1x10000xi32, #tpu.memory_space<hbm>>
      %dma_start3A_47 = tpu.memref_squeeze %dma_start3A_46 : memref<1x10000xi32, #tpu.memory_space<hbm>> -> memref<10000xi32, #tpu.memory_space<hbm>>
      tpu.enqueue_dma source(%dma_start3A_47 : memref<10000xi32, #tpu.memory_space<hbm>>) target(%dma_start3A_45 : memref<10000xi32, #tpu.memory_space<vmem>>) target_semaphore(%arg13 : memref<!tpu.dma_semaphore, #tpu.memory_space<semaphore_mem>>)
      %mul3A_48 = arith.constant 1000 : i32
      %mul3A_49 = arith.muli %mul3A_36, %mul3A_48 : i32
      %dma_start3A_50 = arith.constant 1 : i32
      %dma_start3A_51 = arith.constant 0 : i32
      %dma_start3A_52 = tpu.memref_slice %arg7[%dma_start3A_51] : memref<10000xi32, #tpu.memory_space<vmem>> -> memref<10000xi32, #tpu.memory_space<vmem>>
      %dma_start3A_53 = tpu.memref_slice %arg3[%dma_start3A_50, %mul3A_49] : memref<2x320000xi32, #tpu.memory_space<hbm>> -> memref<1x10000xi32, #tpu.memory_space<hbm>>
      %dma_start3A_54 = tpu.memref_squeeze %dma_start3A_53 : memref<1x10000xi32, #tpu.memory_space<hbm>> -> memref<10000xi32, #tpu.memory_space<hbm>>
      %dma_start3A_55 = arith.constant 0 : i32
      %dma_start3A_56 = tpu.memref_slice %arg7[%dma_start3A_55] : memref<10000xi32, #tpu.memory_space<vmem>> -> memref<10000xi32, #tpu.memory_space<vmem>>
      %dma_start3A_57 = tpu.memref_slice %arg3[%dma_start3A_50, %mul3A_49] : memref<2x320000xi32, #tpu.memory_space<hbm>> -> memref<1x10000xi32, #tpu.memory_space<hbm>>
      %dma_start3A_58 = tpu.memref_squeeze %dma_start3A_57 : memref<1x10000xi32, #tpu.memory_space<hbm>> -> memref<10000xi32, #tpu.memory_space<hbm>>
      tpu.enqueue_dma source(%dma_start3A_58 : memref<10000xi32, #tpu.memory_space<hbm>>) target(%dma_start3A_56 : memref<10000xi32, #tpu.memory_space<vmem>>) target_semaphore(%arg13 : memref<!tpu.dma_semaphore, #tpu.memory_space<semaphore_mem>>)
      %mul3A_59 = arith.constant 1000 : i32
      %mul3A_60 = arith.muli %mul3A_36, %mul3A_59 : i32
      %dma_wait3A_61 = arith.constant 0 : i32
      %dma_wait3A_62 = arith.constant 0 : i32
      %dma_wait3A_63 = tpu.memref_slice %arg6[%dma_wait3A_62] : memref<10000xi32, #tpu.memory_space<vmem>> -> memref<10000xi32, #tpu.memory_space<vmem>>
      %dma_wait3A_64 = tpu.memref_slice %arg3[%dma_wait3A_61, %mul3A_60] : memref<2x320000xi32, #tpu.memory_space<hbm>> -> memref<1x10000xi32, #tpu.memory_space<hbm>>
      %dma_wait3A_65 = tpu.memref_squeeze %dma_wait3A_64 : memref<1x10000xi32, #tpu.memory_space<hbm>> -> memref<10000xi32, #tpu.memory_space<hbm>>
      %dma_wait3A_66 = arith.constant 0 : i32
      %dma_wait3A_67 = tpu.memref_slice %arg6[%dma_wait3A_66] : memref<10000xi32, #tpu.memory_space<vmem>> -> memref<10000xi32, #tpu.memory_space<vmem>>
      %dma_wait3A_68 = tpu.memref_slice %arg3[%dma_wait3A_61, %mul3A_60] : memref<2x320000xi32, #tpu.memory_space<hbm>> -> memref<1x10000xi32, #tpu.memory_space<hbm>>
      %dma_wait3A_69 = tpu.memref_squeeze %dma_wait3A_68 : memref<1x10000xi32, #tpu.memory_space<hbm>> -> memref<10000xi32, #tpu.memory_space<hbm>>
      tpu.wait_dma2 semaphore(%arg13 : memref<!tpu.dma_semaphore, #tpu.memory_space<semaphore_mem>>) src(%dma_wait3A_69 : memref<10000xi32, #tpu.memory_space<hbm>>) dst(%dma_wait3A_67 : memref<10000xi32, #tpu.memory_space<vmem>>)
      %mul3A_70 = arith.constant 1000 : i32
      %mul3A_71 = arith.muli %mul3A_36, %mul3A_70 : i32
      %dma_wait3A_72 = arith.constant 1 : i32
      %dma_wait3A_73 = arith.constant 0 : i32
      %dma_wait3A_74 = tpu.memref_slice %arg7[%dma_wait3A_73] : memref<10000xi32, #tpu.memory_space<vmem>> -> memref<10000xi32, #tpu.memory_space<vmem>>
      %dma_wait3A_75 = tpu.memref_slice %arg3[%dma_wait3A_72, %mul3A_71] : memref<2x320000xi32, #tpu.memory_space<hbm>> -> memref<1x10000xi32, #tpu.memory_space<hbm>>
      %dma_wait3A_76 = tpu.memref_squeeze %dma_wait3A_75 : memref<1x10000xi32, #tpu.memory_space<hbm>> -> memref<10000xi32, #tpu.memory_space<hbm>>
      %dma_wait3A_77 = arith.constant 0 : i32
      %dma_wait3A_78 = tpu.memref_slice %arg7[%dma_wait3A_77] : memref<10000xi32, #tpu.memory_space<vmem>> -> memref<10000xi32, #tpu.memory_space<vmem>>
      %dma_wait3A_79 = tpu.memref_slice %arg3[%dma_wait3A_72, %mul3A_71] : memref<2x320000xi32, #tpu.memory_space<hbm>> -> memref<1x10000xi32, #tpu.memory_space<hbm>>
      %dma_wait3A_80 = tpu.memref_squeeze %dma_wait3A_79 : memref<1x10000xi32, #tpu.memory_space<hbm>> -> memref<10000xi32, #tpu.memory_space<hbm>>
      tpu.wait_dma2 semaphore(%arg13 : memref<!tpu.dma_semaphore, #tpu.memory_space<semaphore_mem>>) src(%dma_wait3A_80 : memref<10000xi32, #tpu.memory_space<hbm>>) dst(%dma_wait3A_78 : memref<10000xi32, #tpu.memory_space<vmem>>)
    } else {
    }
    %eq3A_8 = arith.constant 1 : i32
    %eq3A_9 = arith.cmpi eq, %arg0, %eq3A_8 : i32
    %convert_element_type3A_10 = arith.extui %eq3A_9 : i1 to i32
    %cond3A_11 = arith.constant 0 : i32
    %cond3A_12 = arith.cmpi ne, %convert_element_type3A_10, %cond3A_11 : i32
    scf.if %cond3A_12 {
      %mul3A_35 = arith.constant 10 : i32
      %mul3A_36 = arith.muli %arg1, %mul3A_35 : i32
      %add3A = arith.constant 160 : i32
      %add3A_37 = arith.addi %add3A, %mul3A_36 : i32
      %mul3A_38 = arith.constant 1000 : i32
      %mul3A_39 = arith.muli %add3A_37, %mul3A_38 : i32
      %dma_start3A_40 = arith.constant 0 : i32
      %dma_start3A_41 = arith.constant 0 : i32
      %dma_start3A_42 = tpu.memref_slice %arg6[%dma_start3A_41] : memref<10000xi32, #tpu.memory_space<vmem>> -> memref<10000xi32, #tpu.memory_space<vmem>>
      %dma_start3A_43 = tpu.memref_slice %arg3[%dma_start3A_40, %mul3A_39] : memref<2x320000xi32, #tpu.memory_space<hbm>> -> memref<1x10000xi32, #tpu.memory_space<hbm>>
      %dma_start3A_44 = tpu.memref_squeeze %dma_start3A_43 : memref<1x10000xi32, #tpu.memory_space<hbm>> -> memref<10000xi32, #tpu.memory_space<hbm>>
      %dma_start3A_45 = arith.constant 0 : i32
      %dma_start3A_46 = tpu.memref_slice %arg6[%dma_start3A_45] : memref<10000xi32, #tpu.memory_space<vmem>> -> memref<10000xi32, #tpu.memory_space<vmem>>
      %dma_start3A_47 = tpu.memref_slice %arg3[%dma_start3A_40, %mul3A_39] : memref<2x320000xi32, #tpu.memory_space<hbm>> -> memref<1x10000xi32, #tpu.memory_space<hbm>>
      %dma_start3A_48 = tpu.memref_squeeze %dma_start3A_47 : memref<1x10000xi32, #tpu.memory_space<hbm>> -> memref<10000xi32, #tpu.memory_space<hbm>>
      tpu.enqueue_dma source(%dma_start3A_48 : memref<10000xi32, #tpu.memory_space<hbm>>) target(%dma_start3A_46 : memref<10000xi32, #tpu.memory_space<vmem>>) target_semaphore(%arg13 : memref<!tpu.dma_semaphore, #tpu.memory_space<semaphore_mem>>)
      %mul3A_49 = arith.constant 1000 : i32
      %mul3A_50 = arith.muli %add3A_37, %mul3A_49 : i32
      %dma_start3A_51 = arith.constant 1 : i32
      %dma_start3A_52 = arith.constant 0 : i32
      %dma_start3A_53 = tpu.memref_slice %arg7[%dma_start3A_52] : memref<10000xi32, #tpu.memory_space<vmem>> -> memref<10000xi32, #tpu.memory_space<vmem>>
      %dma_start3A_54 = tpu.memref_slice %arg3[%dma_start3A_51, %mul3A_50] : memref<2x320000xi32, #tpu.memory_space<hbm>> -> memref<1x10000xi32, #tpu.memory_space<hbm>>
      %dma_start3A_55 = tpu.memref_squeeze %dma_start3A_54 : memref<1x10000xi32, #tpu.memory_space<hbm>> -> memref<10000xi32, #tpu.memory_space<hbm>>
      %dma_start3A_56 = arith.constant 0 : i32
      %dma_start3A_57 = tpu.memref_slice %arg7[%dma_start3A_56] : memref<10000xi32, #tpu.memory_space<vmem>> -> memref<10000xi32, #tpu.memory_space<vmem>>
      %dma_start3A_58 = tpu.memref_slice %arg3[%dma_start3A_51, %mul3A_50] : memref<2x320000xi32, #tpu.memory_space<hbm>> -> memref<1x10000xi32, #tpu.memory_space<hbm>>
      %dma_start3A_59 = tpu.memref_squeeze %dma_start3A_58 : memref<1x10000xi32, #tpu.memory_space<hbm>> -> memref<10000xi32, #tpu.memory_space<hbm>>
      tpu.enqueue_dma source(%dma_start3A_59 : memref<10000xi32, #tpu.memory_space<hbm>>) target(%dma_start3A_57 : memref<10000xi32, #tpu.memory_space<vmem>>) target_semaphore(%arg13 : memref<!tpu.dma_semaphore, #tpu.memory_space<semaphore_mem>>)
      %mul3A_60 = arith.constant 1000 : i32
      %mul3A_61 = arith.muli %add3A_37, %mul3A_60 : i32
      %dma_wait3A_62 = arith.constant 0 : i32
      %dma_wait3A_63 = arith.constant 0 : i32
      %dma_wait3A_64 = tpu.memref_slice %arg6[%dma_wait3A_63] : memref<10000xi32, #tpu.memory_space<vmem>> -> memref<10000xi32, #tpu.memory_space<vmem>>
      %dma_wait3A_65 = tpu.memref_slice %arg3[%dma_wait3A_62, %mul3A_61] : memref<2x320000xi32, #tpu.memory_space<hbm>> -> memref<1x10000xi32, #tpu.memory_space<hbm>>
      %dma_wait3A_66 = tpu.memref_squeeze %dma_wait3A_65 : memref<1x10000xi32, #tpu.memory_space<hbm>> -> memref<10000xi32, #tpu.memory_space<hbm>>
      %dma_wait3A_67 = arith.constant 0 : i32
      %dma_wait3A_68 = tpu.memref_slice %arg6[%dma_wait3A_67] : memref<10000xi32, #tpu.memory_space<vmem>> -> memref<10000xi32, #tpu.memory_space<vmem>>
      %dma_wait3A_69 = tpu.memref_slice %arg3[%dma_wait3A_62, %mul3A_61] : memref<2x320000xi32, #tpu.memory_space<hbm>> -> memref<1x10000xi32, #tpu.memory_space<hbm>>
      %dma_wait3A_70 = tpu.memref_squeeze %dma_wait3A_69 : memref<1x10000xi32, #tpu.memory_space<hbm>> -> memref<10000xi32, #tpu.memory_space<hbm>>
      tpu.wait_dma2 semaphore(%arg13 : memref<!tpu.dma_semaphore, #tpu.memory_space<semaphore_mem>>) src(%dma_wait3A_70 : memref<10000xi32, #tpu.memory_space<hbm>>) dst(%dma_wait3A_68 : memref<10000xi32, #tpu.memory_space<vmem>>)
      %mul3A_71 = arith.constant 1000 : i32
      %mul3A_72 = arith.muli %add3A_37, %mul3A_71 : i32
      %dma_wait3A_73 = arith.constant 1 : i32
      %dma_wait3A_74 = arith.constant 0 : i32
      %dma_wait3A_75 = tpu.memref_slice %arg7[%dma_wait3A_74] : memref<10000xi32, #tpu.memory_space<vmem>> -> memref<10000xi32, #tpu.memory_space<vmem>>
      %dma_wait3A_76 = tpu.memref_slice %arg3[%dma_wait3A_73, %mul3A_72] : memref<2x320000xi32, #tpu.memory_space<hbm>> -> memref<1x10000xi32, #tpu.memory_space<hbm>>
      %dma_wait3A_77 = tpu.memref_squeeze %dma_wait3A_76 : memref<1x10000xi32, #tpu.memory_space<hbm>> -> memref<10000xi32, #tpu.memory_space<hbm>>
      %dma_wait3A_78 = arith.constant 0 : i32
      %dma_wait3A_79 = tpu.memref_slice %arg7[%dma_wait3A_78] : memref<10000xi32, #tpu.memory_space<vmem>> -> memref<10000xi32, #tpu.memory_space<vmem>>
      %dma_wait3A_80 = tpu.memref_slice %arg3[%dma_wait3A_73, %mul3A_72] : memref<2x320000xi32, #tpu.memory_space<hbm>> -> memref<1x10000xi32, #tpu.memory_space<hbm>>
      %dma_wait3A_81 = tpu.memref_squeeze %dma_wait3A_80 : memref<1x10000xi32, #tpu.memory_space<hbm>> -> memref<10000xi32, #tpu.memory_space<hbm>>
      tpu.wait_dma2 semaphore(%arg13 : memref<!tpu.dma_semaphore, #tpu.memory_space<semaphore_mem>>) src(%dma_wait3A_81 : memref<10000xi32, #tpu.memory_space<hbm>>) dst(%dma_wait3A_79 : memref<10000xi32, #tpu.memory_space<vmem>>)
    } else {
    }
    %mul3A_13 = arith.constant 632 : i32
    %mul3A_14 = arith.muli %arg1, %mul3A_13 : i32
    %mul3A_15 = arith.constant 632 : i32
    %mul3A_16 = arith.muli %arg1, %mul3A_15 : i32
    %dma_wait3A = arith.constant 0 : i32
    %dma_wait3A_17 = tpu.memref_slice %arg11[%mul3A_16, %dma_wait3A] : memref<10112x8xf32, #tpu.memory_space<vmem_shared>> -> memref<632x8xf32, #tpu.memory_space<vmem_shared>>
    %dma_wait3A_18 = arith.constant 0 : i32
    %dma_wait3A_19 = tpu.memref_slice %arg4[%mul3A_14, %dma_wait3A_18] : memref<10112x8xf32, #tpu.memory_space<hbm>> -> memref<632x8xf32, #tpu.memory_space<hbm>>
    tpu.wait_dma2 semaphore(%arg12 : memref<!tpu.dma_semaphore, #tpu.memory_space<semaphore_mem>>) src(%dma_wait3A_19 : memref<632x8xf32, #tpu.memory_space<hbm>>) dst(%dma_wait3A_17 : memref<632x8xf32, #tpu.memory_space<vmem_shared>>)
    %barrier3A = arith.constant 0 : index
    tpu.barrier barrier_id(%barrier3A)
    %eq3A_20 = arith.constant 0 : i32
    %eq3A_21 = arith.cmpi eq, %arg0, %eq3A_20 : i32
    %convert_element_type3A_22 = arith.extui %eq3A_21 : i1 to i32
    %cond3A_23 = arith.constant 0 : i32
    %cond3A_24 = arith.cmpi ne, %convert_element_type3A_22, %cond3A_23 : i32
    scf.if %cond3A_24 {
      %dma_start3A_35 = arith.constant 0 : i32
      %dma_start3A_36 = tpu.memref_slice %arg6[%dma_start3A_35] : memref<10000xi32, #tpu.memory_space<vmem>> -> memref<1000xi32, #tpu.memory_space<vmem>>
      %dma_start3A_37 = arith.constant 0 : i32
      %dma_start3A_38 = arith.constant 0 : i32
      %dma_start3A_39 = tpu.memref_slice %arg2[%dma_start3A_37, %dma_start3A_38] : memref<10000x8xf32, #tpu.memory_space<hbm>> -> memref<10000x8xf32, #tpu.memory_space<hbm>>
      tpu.enqueue_indirect_dma source(%dma_start3A_39 : memref<10000x8xf32, #tpu.memory_space<hbm>>) target(%arg8 : memref<1000x8xf32, #tpu.memory_space<vmem>>) offsets(%dma_start3A_36 : memref<1000xi32, #tpu.memory_space<vmem>>) semaphore(%arg14 : memref<!tpu.dma_semaphore, #tpu.memory_space<semaphore_mem>>)
      %dma_start3A_40 = arith.constant 1000 : i32
      %dma_start3A_41 = tpu.memref_slice %arg6[%dma_start3A_40] : memref<10000xi32, #tpu.memory_space<vmem>> -> memref<1000xi32, #tpu.memory_space<vmem>>
      %dma_start3A_42 = arith.constant 0 : i32
      %dma_start3A_43 = arith.constant 0 : i32
      %dma_start3A_44 = tpu.memref_slice %arg2[%dma_start3A_42, %dma_start3A_43] : memref<10000x8xf32, #tpu.memory_space<hbm>> -> memref<10000x8xf32, #tpu.memory_space<hbm>>
      tpu.enqueue_indirect_dma source(%dma_start3A_44 : memref<10000x8xf32, #tpu.memory_space<hbm>>) target(%arg9 : memref<1000x8xf32, #tpu.memory_space<vmem>>) offsets(%dma_start3A_41 : memref<1000xi32, #tpu.memory_space<vmem>>) semaphore(%arg15 : memref<!tpu.dma_semaphore, #tpu.memory_space<semaphore_mem>>)
      %scan3A = arith.constant 0 : i32
      %scan3A_45 = arith.constant 0 : i32
      %scan3A_46 = arith.constant 4 : i32
      %scan3A_47 = arith.addi %scan3A_45, %scan3A_46 : i32
      %scan3A_48 = arith.constant 1 : i32
      scf.for %scan3A_65 = %scan3A_45 to %scan3A_47 step %scan3A_48  : i32 {
        %mul3A_66 = arith.constant 3 : i32
        %mul3A_67 = arith.muli %scan3A_65, %mul3A_66 : i32
        %add3A = arith.constant 0 : i32
        %add3A_68 = arith.addi %mul3A_67, %add3A : i32
        %lt3A = arith.constant 10 : i32
        %lt3A_69 = arith.cmpi slt, %add3A_68, %lt3A : i32
        %convert_element_type3A_70 = arith.extui %lt3A_69 : i1 to i32
        %cond3A_71 = arith.constant 0 : i32
        %cond3A_72 = arith.cmpi ne, %convert_element_type3A_70, %cond3A_71 : i32
        scf.if %cond3A_72 {
          %mul3A_112 = arith.constant 1000 : i32
          %mul3A_113 = arith.muli %add3A_68, %mul3A_112 : i32
          %dma_wait3A_114 = tpu.memref_slice %arg6[%mul3A_113] : memref<10000xi32, #tpu.memory_space<vmem>> -> memref<1000xi32, #tpu.memory_space<vmem>>
          %dma_wait3A_115 = arith.constant 0 : i32
          %dma_wait3A_116 = arith.constant 0 : i32
          %dma_wait3A_117 = tpu.memref_slice %arg2[%dma_wait3A_115, %dma_wait3A_116] : memref<10000x8xf32, #tpu.memory_space<hbm>> -> memref<10000x8xf32, #tpu.memory_space<hbm>>
          tpu.wait_indirect_dma semaphore(%arg14 : memref<!tpu.dma_semaphore, #tpu.memory_space<semaphore_mem>>) src(%dma_wait3A_117 : memref<10000x8xf32, #tpu.memory_space<hbm>>) dst(%arg8 : memref<1000x8xf32, #tpu.memory_space<vmem>>)
          %mul3A_118 = arith.constant 1000 : i32
          %mul3A_119 = arith.muli %add3A_68, %mul3A_118 : i32
          %dma_start3A_120 = tpu.memref_slice %arg7[%mul3A_119] : memref<10000xi32, #tpu.memory_space<vmem>> -> memref<1000xi32, #tpu.memory_space<vmem>>
          %dma_start3A_121 = arith.constant 0 : i32
          %dma_start3A_122 = arith.constant 0 : i32
          %dma_start3A_123 = tpu.memref_slice %arg11[%dma_start3A_121, %dma_start3A_122] : memref<10112x8xf32, #tpu.memory_space<vmem_shared>> -> memref<10112x8xf32, #tpu.memory_space<vmem_shared>>
          tpu.enqueue_indirect_dma source(%arg8 : memref<1000x8xf32, #tpu.memory_space<vmem>>) target(%dma_start3A_123 : memref<10112x8xf32, #tpu.memory_space<vmem_shared>>) offsets(%dma_start3A_120 : memref<1000xi32, #tpu.memory_space<vmem>>) semaphore(%arg17 : memref<!tpu.dma_semaphore, #tpu.memory_space<semaphore_mem>>) {add = true}
        } else {
        }
        %add3A_73 = arith.constant 2 : i32
        %add3A_74 = arith.addi %add3A_68, %add3A_73 : i32
        %lt3A_75 = arith.constant 10 : i32
        %lt3A_76 = arith.cmpi slt, %add3A_74, %lt3A_75 : i32
        %convert_element_type3A_77 = arith.extui %lt3A_76 : i1 to i32
        %cond3A_78 = arith.constant 0 : i32
        %cond3A_79 = arith.cmpi ne, %convert_element_type3A_77, %cond3A_78 : i32
        scf.if %cond3A_79 {
          %ge3A = arith.constant 1 : i32
          %ge3A_112 = arith.cmpi sge, %add3A_68, %ge3A : i32
          %convert_element_type3A_113 = arith.extui %ge3A_112 : i1 to i32
          %cond3A_114 = arith.constant 0 : i32
          %cond3A_115 = arith.cmpi ne, %convert_element_type3A_113, %cond3A_114 : i32
          scf.if %cond3A_115 {
            %sub3A = arith.constant 1 : i32
            %sub3A_124 = arith.subi %add3A_68, %sub3A : i32
            %mul3A_125 = arith.constant 1000 : i32
            %mul3A_126 = arith.muli %sub3A_124, %mul3A_125 : i32
            %dma_wait3A_127 = tpu.memref_slice %arg7[%mul3A_126] : memref<10000xi32, #tpu.memory_space<vmem>> -> memref<1000xi32, #tpu.memory_space<vmem>>
            %dma_wait3A_128 = arith.constant 0 : i32
            %dma_wait3A_129 = arith.constant 0 : i32
            %dma_wait3A_130 = tpu.memref_slice %arg11[%dma_wait3A_128, %dma_wait3A_129] : memref<10112x8xf32, #tpu.memory_space<vmem_shared>> -> memref<10112x8xf32, #tpu.memory_space<vmem_shared>>
            tpu.wait_indirect_dma semaphore(%arg19 : memref<!tpu.dma_semaphore, #tpu.memory_space<semaphore_mem>>) src(%arg10 : memref<1000x8xf32, #tpu.memory_space<vmem>>) dst(%dma_wait3A_130 : memref<10112x8xf32, #tpu.memory_space<vmem_shared>>)
          } else {
          }
          %add3A_116 = arith.constant 2 : i32
          %add3A_117 = arith.addi %add3A_68, %add3A_116 : i32
          %mul3A_118 = arith.constant 1000 : i32
          %mul3A_119 = arith.muli %add3A_117, %mul3A_118 : i32
          %dma_start3A_120 = tpu.memref_slice %arg6[%mul3A_119] : memref<10000xi32, #tpu.memory_space<vmem>> -> memref<1000xi32, #tpu.memory_space<vmem>>
          %dma_start3A_121 = arith.constant 0 : i32
          %dma_start3A_122 = arith.constant 0 : i32
          %dma_start3A_123 = tpu.memref_slice %arg2[%dma_start3A_121, %dma_start3A_122] : memref<10000x8xf32, #tpu.memory_space<hbm>> -> memref<10000x8xf32, #tpu.memory_space<hbm>>
          tpu.enqueue_indirect_dma source(%dma_start3A_123 : memref<10000x8xf32, #tpu.memory_space<hbm>>) target(%arg10 : memref<1000x8xf32, #tpu.memory_space<vmem>>) offsets(%dma_start3A_120 : memref<1000xi32, #tpu.memory_space<vmem>>) semaphore(%arg16 : memref<!tpu.dma_semaphore, #tpu.memory_space<semaphore_mem>>)
        } else {
        }
        %mul3A_80 = arith.constant 3 : i32
        %mul3A_81 = arith.muli %scan3A_65, %mul3A_80 : i32
        %add3A_82 = arith.constant 1 : i32
        %add3A_83 = arith.addi %mul3A_81, %add3A_82 : i32
        %lt3A_84 = arith.constant 10 : i32
        %lt3A_85 = arith.cmpi slt, %add3A_83, %lt3A_84 : i32
        %convert_element_type3A_86 = arith.extui %lt3A_85 : i1 to i32
        %cond3A_87 = arith.constant 0 : i32
        %cond3A_88 = arith.cmpi ne, %convert_element_type3A_86, %cond3A_87 : i32
        scf.if %cond3A_88 {
          %mul3A_112 = arith.constant 1000 : i32
          %mul3A_113 = arith.muli %add3A_83, %mul3A_112 : i32
          %dma_wait3A_114 = tpu.memref_slice %arg6[%mul3A_113] : memref<10000xi32, #tpu.memory_space<vmem>> -> memref<1000xi32, #tpu.memory_space<vmem>>
          %dma_wait3A_115 = arith.constant 0 : i32
          %dma_wait3A_116 = arith.constant 0 : i32
          %dma_wait3A_117 = tpu.memref_slice %arg2[%dma_wait3A_115, %dma_wait3A_116] : memref<10000x8xf32, #tpu.memory_space<hbm>> -> memref<10000x8xf32, #tpu.memory_space<hbm>>
          tpu.wait_indirect_dma semaphore(%arg15 : memref<!tpu.dma_semaphore, #tpu.memory_space<semaphore_mem>>) src(%dma_wait3A_117 : memref<10000x8xf32, #tpu.memory_space<hbm>>) dst(%arg9 : memref<1000x8xf32, #tpu.memory_space<vmem>>)
          %mul3A_118 = arith.constant 1000 : i32
          %mul3A_119 = arith.muli %add3A_83, %mul3A_118 : i32
          %dma_start3A_120 = tpu.memref_slice %arg7[%mul3A_119] : memref<10000xi32, #tpu.memory_space<vmem>> -> memref<1000xi32, #tpu.memory_space<vmem>>
          %dma_start3A_121 = arith.constant 0 : i32
          %dma_start3A_122 = arith.constant 0 : i32
          %dma_start3A_123 = tpu.memref_slice %arg11[%dma_start3A_121, %dma_start3A_122] : memref<10112x8xf32, #tpu.memory_space<vmem_shared>> -> memref<10112x8xf32, #tpu.memory_space<vmem_shared>>
          tpu.enqueue_indirect_dma source(%arg9 : memref<1000x8xf32, #tpu.memory_space<vmem>>) target(%dma_start3A_123 : memref<10112x8xf32, #tpu.memory_space<vmem_shared>>) offsets(%dma_start3A_120 : memref<1000xi32, #tpu.memory_space<vmem>>) semaphore(%arg18 : memref<!tpu.dma_semaphore, #tpu.memory_space<semaphore_mem>>) {add = true}
        } else {
        }
        %add3A_89 = arith.constant 2 : i32
        %add3A_90 = arith.addi %add3A_83, %add3A_89 : i32
        %lt3A_91 = arith.constant 10 : i32
        %lt3A_92 = arith.cmpi slt, %add3A_90, %lt3A_91 : i32
        %convert_element_type3A_93 = arith.extui %lt3A_92 : i1 to i32
        %cond3A_94 = arith.constant 0 : i32
        %cond3A_95 = arith.cmpi ne, %convert_element_type3A_93, %cond3A_94 : i32
        scf.if %cond3A_95 {
          %ge3A = arith.constant 1 : i32
          %ge3A_112 = arith.cmpi sge, %add3A_83, %ge3A : i32
          %convert_element_type3A_113 = arith.extui %ge3A_112 : i1 to i32
          %cond3A_114 = arith.constant 0 : i32
          %cond3A_115 = arith.cmpi ne, %convert_element_type3A_113, %cond3A_114 : i32
          scf.if %cond3A_115 {
            %sub3A = arith.constant 1 : i32
            %sub3A_124 = arith.subi %add3A_83, %sub3A : i32
            %mul3A_125 = arith.constant 1000 : i32
            %mul3A_126 = arith.muli %sub3A_124, %mul3A_125 : i32
            %dma_wait3A_127 = tpu.memref_slice %arg7[%mul3A_126] : memref<10000xi32, #tpu.memory_space<vmem>> -> memref<1000xi32, #tpu.memory_space<vmem>>
            %dma_wait3A_128 = arith.constant 0 : i32
            %dma_wait3A_129 = arith.constant 0 : i32
            %dma_wait3A_130 = tpu.memref_slice %arg11[%dma_wait3A_128, %dma_wait3A_129] : memref<10112x8xf32, #tpu.memory_space<vmem_shared>> -> memref<10112x8xf32, #tpu.memory_space<vmem_shared>>
            tpu.wait_indirect_dma semaphore(%arg17 : memref<!tpu.dma_semaphore, #tpu.memory_space<semaphore_mem>>) src(%arg8 : memref<1000x8xf32, #tpu.memory_space<vmem>>) dst(%dma_wait3A_130 : memref<10112x8xf32, #tpu.memory_space<vmem_shared>>)
          } else {
          }
          %add3A_116 = arith.constant 2 : i32
          %add3A_117 = arith.addi %add3A_83, %add3A_116 : i32
          %mul3A_118 = arith.constant 1000 : i32
          %mul3A_119 = arith.muli %add3A_117, %mul3A_118 : i32
          %dma_start3A_120 = tpu.memref_slice %arg6[%mul3A_119] : memref<10000xi32, #tpu.memory_space<vmem>> -> memref<1000xi32, #tpu.memory_space<vmem>>
          %dma_start3A_121 = arith.constant 0 : i32
          %dma_start3A_122 = arith.constant 0 : i32
          %dma_start3A_123 = tpu.memref_slice %arg2[%dma_start3A_121, %dma_start3A_122] : memref<10000x8xf32, #tpu.memory_space<hbm>> -> memref<10000x8xf32, #tpu.memory_space<hbm>>
          tpu.enqueue_indirect_dma source(%dma_start3A_123 : memref<10000x8xf32, #tpu.memory_space<hbm>>) target(%arg8 : memref<1000x8xf32, #tpu.memory_space<vmem>>) offsets(%dma_start3A_120 : memref<1000xi32, #tpu.memory_space<vmem>>) semaphore(%arg14 : memref<!tpu.dma_semaphore, #tpu.memory_space<semaphore_mem>>)
        } else {
        }
        %mul3A_96 = arith.constant 3 : i32
        %mul3A_97 = arith.muli %scan3A_65, %mul3A_96 : i32
        %add3A_98 = arith.constant 2 : i32
        %add3A_99 = arith.addi %mul3A_97, %add3A_98 : i32
        %lt3A_100 = arith.constant 10 : i32
        %lt3A_101 = arith.cmpi slt, %add3A_99, %lt3A_100 : i32
        %convert_element_type3A_102 = arith.extui %lt3A_101 : i1 to i32
        %cond3A_103 = arith.constant 0 : i32
        %cond3A_104 = arith.cmpi ne, %convert_element_type3A_102, %cond3A_103 : i32
        scf.if %cond3A_104 {
          %mul3A_112 = arith.constant 1000 : i32
          %mul3A_113 = arith.muli %add3A_99, %mul3A_112 : i32
          %dma_wait3A_114 = tpu.memref_slice %arg6[%mul3A_113] : memref<10000xi32, #tpu.memory_space<vmem>> -> memref<1000xi32, #tpu.memory_space<vmem>>
          %dma_wait3A_115 = arith.constant 0 : i32
          %dma_wait3A_116 = arith.constant 0 : i32
          %dma_wait3A_117 = tpu.memref_slice %arg2[%dma_wait3A_115, %dma_wait3A_116] : memref<10000x8xf32, #tpu.memory_space<hbm>> -> memref<10000x8xf32, #tpu.memory_space<hbm>>
          tpu.wait_indirect_dma semaphore(%arg16 : memref<!tpu.dma_semaphore, #tpu.memory_space<semaphore_mem>>) src(%dma_wait3A_117 : memref<10000x8xf32, #tpu.memory_space<hbm>>) dst(%arg10 : memref<1000x8xf32, #tpu.memory_space<vmem>>)
          %mul3A_118 = arith.constant 1000 : i32
          %mul3A_119 = arith.muli %add3A_99, %mul3A_118 : i32
          %dma_start3A_120 = tpu.memref_slice %arg7[%mul3A_119] : memref<10000xi32, #tpu.memory_space<vmem>> -> memref<1000xi32, #tpu.memory_space<vmem>>
          %dma_start3A_121 = arith.constant 0 : i32
          %dma_start3A_122 = arith.constant 0 : i32
          %dma_start3A_123 = tpu.memref_slice %arg11[%dma_start3A_121, %dma_start3A_122] : memref<10112x8xf32, #tpu.memory_space<vmem_shared>> -> memref<10112x8xf32, #tpu.memory_space<vmem_shared>>
          tpu.enqueue_indirect_dma source(%arg10 : memref<1000x8xf32, #tpu.memory_space<vmem>>) target(%dma_start3A_123 : memref<10112x8xf32, #tpu.memory_space<vmem_shared>>) offsets(%dma_start3A_120 : memref<1000xi32, #tpu.memory_space<vmem>>) semaphore(%arg19 : memref<!tpu.dma_semaphore, #tpu.memory_space<semaphore_mem>>) {add = true}
        } else {
        }
        %add3A_105 = arith.constant 2 : i32
        %add3A_106 = arith.addi %add3A_99, %add3A_105 : i32
        %lt3A_107 = arith.constant 10 : i32
        %lt3A_108 = arith.cmpi slt, %add3A_106, %lt3A_107 : i32
        %convert_element_type3A_109 = arith.extui %lt3A_108 : i1 to i32
        %cond3A_110 = arith.constant 0 : i32
        %cond3A_111 = arith.cmpi ne, %convert_element_type3A_109, %cond3A_110 : i32
        scf.if %cond3A_111 {
          %ge3A = arith.constant 1 : i32
          %ge3A_112 = arith.cmpi sge, %add3A_99, %ge3A : i32
          %convert_element_type3A_113 = arith.extui %ge3A_112 : i1 to i32
          %cond3A_114 = arith.constant 0 : i32
          %cond3A_115 = arith.cmpi ne, %convert_element_type3A_113, %cond3A_114 : i32
          scf.if %cond3A_115 {
            %sub3A = arith.constant 1 : i32
            %sub3A_124 = arith.subi %add3A_99, %sub3A : i32
            %mul3A_125 = arith.constant 1000 : i32
            %mul3A_126 = arith.muli %sub3A_124, %mul3A_125 : i32
            %dma_wait3A_127 = tpu.memref_slice %arg7[%mul3A_126] : memref<10000xi32, #tpu.memory_space<vmem>> -> memref<1000xi32, #tpu.memory_space<vmem>>
            %dma_wait3A_128 = arith.constant 0 : i32
            %dma_wait3A_129 = arith.constant 0 : i32
            %dma_wait3A_130 = tpu.memref_slice %arg11[%dma_wait3A_128, %dma_wait3A_129] : memref<10112x8xf32, #tpu.memory_space<vmem_shared>> -> memref<10112x8xf32, #tpu.memory_space<vmem_shared>>
            tpu.wait_indirect_dma semaphore(%arg18 : memref<!tpu.dma_semaphore, #tpu.memory_space<semaphore_mem>>) src(%arg9 : memref<1000x8xf32, #tpu.memory_space<vmem>>) dst(%dma_wait3A_130 : memref<10112x8xf32, #tpu.memory_space<vmem_shared>>)
          } else {
          }
          %add3A_116 = arith.constant 2 : i32
          %add3A_117 = arith.addi %add3A_99, %add3A_116 : i32
          %mul3A_118 = arith.constant 1000 : i32
          %mul3A_119 = arith.muli %add3A_117, %mul3A_118 : i32
          %dma_start3A_120 = tpu.memref_slice %arg6[%mul3A_119] : memref<10000xi32, #tpu.memory_space<vmem>> -> memref<1000xi32, #tpu.memory_space<vmem>>
          %dma_start3A_121 = arith.constant 0 : i32
          %dma_start3A_122 = arith.constant 0 : i32
          %dma_start3A_123 = tpu.memref_slice %arg2[%dma_start3A_121, %dma_start3A_122] : memref<10000x8xf32, #tpu.memory_space<hbm>> -> memref<10000x8xf32, #tpu.memory_space<hbm>>
          tpu.enqueue_indirect_dma source(%dma_start3A_123 : memref<10000x8xf32, #tpu.memory_space<hbm>>) target(%arg9 : memref<1000x8xf32, #tpu.memory_space<vmem>>) offsets(%dma_start3A_120 : memref<1000xi32, #tpu.memory_space<vmem>>) semaphore(%arg15 : memref<!tpu.dma_semaphore, #tpu.memory_space<semaphore_mem>>)
        } else {
        }
      }
      %scan3A_49 = arith.constant 4 : i32
      %dma_wait3A_50 = arith.constant 9000 : i32
      %dma_wait3A_51 = tpu.memref_slice %arg7[%dma_wait3A_50] : memref<10000xi32, #tpu.memory_space<vmem>> -> memref<1000xi32, #tpu.memory_space<vmem>>
      %dma_wait3A_52 = arith.constant 0 : i32
      %dma_wait3A_53 = arith.constant 0 : i32
      %dma_wait3A_54 = tpu.memref_slice %arg11[%dma_wait3A_52, %dma_wait3A_53] : memref<10112x8xf32, #tpu.memory_space<vmem_shared>> -> memref<10112x8xf32, #tpu.memory_space<vmem_shared>>
      tpu.wait_indirect_dma semaphore(%arg17 : memref<!tpu.dma_semaphore, #tpu.memory_space<semaphore_mem>>) src(%arg8 : memref<1000x8xf32, #tpu.memory_space<vmem>>) dst(%dma_wait3A_54 : memref<10112x8xf32, #tpu.memory_space<vmem_shared>>)
      %dma_wait3A_55 = arith.constant 8000 : i32
      %dma_wait3A_56 = tpu.memref_slice %arg7[%dma_wait3A_55] : memref<10000xi32, #tpu.memory_space<vmem>> -> memref<1000xi32, #tpu.memory_space<vmem>>
      %dma_wait3A_57 = arith.constant 0 : i32
      %dma_wait3A_58 = arith.constant 0 : i32
      %dma_wait3A_59 = tpu.memref_slice %arg11[%dma_wait3A_57, %dma_wait3A_58] : memref<10112x8xf32, #tpu.memory_space<vmem_shared>> -> memref<10112x8xf32, #tpu.memory_space<vmem_shared>>
      tpu.wait_indirect_dma semaphore(%arg19 : memref<!tpu.dma_semaphore, #tpu.memory_space<semaphore_mem>>) src(%arg10 : memref<1000x8xf32, #tpu.memory_space<vmem>>) dst(%dma_wait3A_59 : memref<10112x8xf32, #tpu.memory_space<vmem_shared>>)
      %dma_wait3A_60 = arith.constant 7000 : i32
      %dma_wait3A_61 = tpu.memref_slice %arg7[%dma_wait3A_60] : memref<10000xi32, #tpu.memory_space<vmem>> -> memref<1000xi32, #tpu.memory_space<vmem>>
      %dma_wait3A_62 = arith.constant 0 : i32
      %dma_wait3A_63 = arith.constant 0 : i32
      %dma_wait3A_64 = tpu.memref_slice %arg11[%dma_wait3A_62, %dma_wait3A_63] : memref<10112x8xf32, #tpu.memory_space<vmem_shared>> -> memref<10112x8xf32, #tpu.memory_space<vmem_shared>>
      tpu.wait_indirect_dma semaphore(%arg18 : memref<!tpu.dma_semaphore, #tpu.memory_space<semaphore_mem>>) src(%arg9 : memref<1000x8xf32, #tpu.memory_space<vmem>>) dst(%dma_wait3A_64 : memref<10112x8xf32, #tpu.memory_space<vmem_shared>>)
    } else {
    }
    %eq3A_25 = arith.constant 1 : i32
    %eq3A_26 = arith.cmpi eq, %arg0, %eq3A_25 : i32
    %convert_element_type3A_27 = arith.extui %eq3A_26 : i1 to i32
    %cond3A_28 = arith.constant 0 : i32
    %cond3A_29 = arith.cmpi ne, %convert_element_type3A_27, %cond3A_28 : i32
    scf.if %cond3A_29 {
      %dma_start3A_35 = arith.constant 0 : i32
      %dma_start3A_36 = tpu.memref_slice %arg6[%dma_start3A_35] : memref<10000xi32, #tpu.memory_space<vmem>> -> memref<1000xi32, #tpu.memory_space<vmem>>
      %dma_start3A_37 = arith.constant 0 : i32
      %dma_start3A_38 = arith.constant 0 : i32
      %dma_start3A_39 = tpu.memref_slice %arg2[%dma_start3A_37, %dma_start3A_38] : memref<10000x8xf32, #tpu.memory_space<hbm>> -> memref<10000x8xf32, #tpu.memory_space<hbm>>
      tpu.enqueue_indirect_dma source(%dma_start3A_39 : memref<10000x8xf32, #tpu.memory_space<hbm>>) target(%arg8 : memref<1000x8xf32, #tpu.memory_space<vmem>>) offsets(%dma_start3A_36 : memref<1000xi32, #tpu.memory_space<vmem>>) semaphore(%arg14 : memref<!tpu.dma_semaphore, #tpu.memory_space<semaphore_mem>>)
      %dma_start3A_40 = arith.constant 1000 : i32
      %dma_start3A_41 = tpu.memref_slice %arg6[%dma_start3A_40] : memref<10000xi32, #tpu.memory_space<vmem>> -> memref<1000xi32, #tpu.memory_space<vmem>>
      %dma_start3A_42 = arith.constant 0 : i32
      %dma_start3A_43 = arith.constant 0 : i32
      %dma_start3A_44 = tpu.memref_slice %arg2[%dma_start3A_42, %dma_start3A_43] : memref<10000x8xf32, #tpu.memory_space<hbm>> -> memref<10000x8xf32, #tpu.memory_space<hbm>>
      tpu.enqueue_indirect_dma source(%dma_start3A_44 : memref<10000x8xf32, #tpu.memory_space<hbm>>) target(%arg9 : memref<1000x8xf32, #tpu.memory_space<vmem>>) offsets(%dma_start3A_41 : memref<1000xi32, #tpu.memory_space<vmem>>) semaphore(%arg15 : memref<!tpu.dma_semaphore, #tpu.memory_space<semaphore_mem>>)
      %scan3A = arith.constant 0 : i32
      %scan3A_45 = arith.constant 0 : i32
      %scan3A_46 = arith.constant 4 : i32
      %scan3A_47 = arith.addi %scan3A_45, %scan3A_46 : i32
      %scan3A_48 = arith.constant 1 : i32
      scf.for %scan3A_65 = %scan3A_45 to %scan3A_47 step %scan3A_48  : i32 {
        %mul3A_66 = arith.constant 3 : i32
        %mul3A_67 = arith.muli %scan3A_65, %mul3A_66 : i32
        %add3A = arith.constant 0 : i32
        %add3A_68 = arith.addi %mul3A_67, %add3A : i32
        %lt3A = arith.constant 10 : i32
        %lt3A_69 = arith.cmpi slt, %add3A_68, %lt3A : i32
        %convert_element_type3A_70 = arith.extui %lt3A_69 : i1 to i32
        %cond3A_71 = arith.constant 0 : i32
        %cond3A_72 = arith.cmpi ne, %convert_element_type3A_70, %cond3A_71 : i32
        scf.if %cond3A_72 {
          %mul3A_112 = arith.constant 1000 : i32
          %mul3A_113 = arith.muli %add3A_68, %mul3A_112 : i32
          %dma_wait3A_114 = tpu.memref_slice %arg6[%mul3A_113] : memref<10000xi32, #tpu.memory_space<vmem>> -> memref<1000xi32, #tpu.memory_space<vmem>>
          %dma_wait3A_115 = arith.constant 0 : i32
          %dma_wait3A_116 = arith.constant 0 : i32
          %dma_wait3A_117 = tpu.memref_slice %arg2[%dma_wait3A_115, %dma_wait3A_116] : memref<10000x8xf32, #tpu.memory_space<hbm>> -> memref<10000x8xf32, #tpu.memory_space<hbm>>
          tpu.wait_indirect_dma semaphore(%arg14 : memref<!tpu.dma_semaphore, #tpu.memory_space<semaphore_mem>>) src(%dma_wait3A_117 : memref<10000x8xf32, #tpu.memory_space<hbm>>) dst(%arg8 : memref<1000x8xf32, #tpu.memory_space<vmem>>)
          %mul3A_118 = arith.constant 1000 : i32
          %mul3A_119 = arith.muli %add3A_68, %mul3A_118 : i32
          %dma_start3A_120 = tpu.memref_slice %arg7[%mul3A_119] : memref<10000xi32, #tpu.memory_space<vmem>> -> memref<1000xi32, #tpu.memory_space<vmem>>
          %dma_start3A_121 = arith.constant 0 : i32
          %dma_start3A_122 = arith.constant 0 : i32
          %dma_start3A_123 = tpu.memref_slice %arg11[%dma_start3A_121, %dma_start3A_122] : memref<10112x8xf32, #tpu.memory_space<vmem_shared>> -> memref<10112x8xf32, #tpu.memory_space<vmem_shared>>
          tpu.enqueue_indirect_dma source(%arg8 : memref<1000x8xf32, #tpu.memory_space<vmem>>) target(%dma_start3A_123 : memref<10112x8xf32, #tpu.memory_space<vmem_shared>>) offsets(%dma_start3A_120 : memref<1000xi32, #tpu.memory_space<vmem>>) semaphore(%arg17 : memref<!tpu.dma_semaphore, #tpu.memory_space<semaphore_mem>>) {add = true}
        } else {
        }
        %add3A_73 = arith.constant 2 : i32
        %add3A_74 = arith.addi %add3A_68, %add3A_73 : i32
        %lt3A_75 = arith.constant 10 : i32
        %lt3A_76 = arith.cmpi slt, %add3A_74, %lt3A_75 : i32
        %convert_element_type3A_77 = arith.extui %lt3A_76 : i1 to i32
        %cond3A_78 = arith.constant 0 : i32
        %cond3A_79 = arith.cmpi ne, %convert_element_type3A_77, %cond3A_78 : i32
        scf.if %cond3A_79 {
          %ge3A = arith.constant 1 : i32
          %ge3A_112 = arith.cmpi sge, %add3A_68, %ge3A : i32
          %convert_element_type3A_113 = arith.extui %ge3A_112 : i1 to i32
          %cond3A_114 = arith.constant 0 : i32
          %cond3A_115 = arith.cmpi ne, %convert_element_type3A_113, %cond3A_114 : i32
          scf.if %cond3A_115 {
            %sub3A = arith.constant 1 : i32
            %sub3A_124 = arith.subi %add3A_68, %sub3A : i32
            %mul3A_125 = arith.constant 1000 : i32
            %mul3A_126 = arith.muli %sub3A_124, %mul3A_125 : i32
            %dma_wait3A_127 = tpu.memref_slice %arg7[%mul3A_126] : memref<10000xi32, #tpu.memory_space<vmem>> -> memref<1000xi32, #tpu.memory_space<vmem>>
            %dma_wait3A_128 = arith.constant 0 : i32
            %dma_wait3A_129 = arith.constant 0 : i32
            %dma_wait3A_130 = tpu.memref_slice %arg11[%dma_wait3A_128, %dma_wait3A_129] : memref<10112x8xf32, #tpu.memory_space<vmem_shared>> -> memref<10112x8xf32, #tpu.memory_space<vmem_shared>>
            tpu.wait_indirect_dma semaphore(%arg19 : memref<!tpu.dma_semaphore, #tpu.memory_space<semaphore_mem>>) src(%arg10 : memref<1000x8xf32, #tpu.memory_space<vmem>>) dst(%dma_wait3A_130 : memref<10112x8xf32, #tpu.memory_space<vmem_shared>>)
          } else {
          }
          %add3A_116 = arith.constant 2 : i32
          %add3A_117 = arith.addi %add3A_68, %add3A_116 : i32
          %mul3A_118 = arith.constant 1000 : i32
          %mul3A_119 = arith.muli %add3A_117, %mul3A_118 : i32
          %dma_start3A_120 = tpu.memref_slice %arg6[%mul3A_119] : memref<10000xi32, #tpu.memory_space<vmem>> -> memref<1000xi32, #tpu.memory_space<vmem>>
          %dma_start3A_121 = arith.constant 0 : i32
          %dma_start3A_122 = arith.constant 0 : i32
          %dma_start3A_123 = tpu.memref_slice %arg2[%dma_start3A_121, %dma_start3A_122] : memref<10000x8xf32, #tpu.memory_space<hbm>> -> memref<10000x8xf32, #tpu.memory_space<hbm>>
          tpu.enqueue_indirect_dma source(%dma_start3A_123 : memref<10000x8xf32, #tpu.memory_space<hbm>>) target(%arg10 : memref<1000x8xf32, #tpu.memory_space<vmem>>) offsets(%dma_start3A_120 : memref<1000xi32, #tpu.memory_space<vmem>>) semaphore(%arg16 : memref<!tpu.dma_semaphore, #tpu.memory_space<semaphore_mem>>)
        } else {
        }
        %mul3A_80 = arith.constant 3 : i32
        %mul3A_81 = arith.muli %scan3A_65, %mul3A_80 : i32
        %add3A_82 = arith.constant 1 : i32
        %add3A_83 = arith.addi %mul3A_81, %add3A_82 : i32
        %lt3A_84 = arith.constant 10 : i32
        %lt3A_85 = arith.cmpi slt, %add3A_83, %lt3A_84 : i32
        %convert_element_type3A_86 = arith.extui %lt3A_85 : i1 to i32
        %cond3A_87 = arith.constant 0 : i32
        %cond3A_88 = arith.cmpi ne, %convert_element_type3A_86, %cond3A_87 : i32
        scf.if %cond3A_88 {
          %mul3A_112 = arith.constant 1000 : i32
          %mul3A_113 = arith.muli %add3A_83, %mul3A_112 : i32
          %dma_wait3A_114 = tpu.memref_slice %arg6[%mul3A_113] : memref<10000xi32, #tpu.memory_space<vmem>> -> memref<1000xi32, #tpu.memory_space<vmem>>
          %dma_wait3A_115 = arith.constant 0 : i32
          %dma_wait3A_116 = arith.constant 0 : i32
          %dma_wait3A_117 = tpu.memref_slice %arg2[%dma_wait3A_115, %dma_wait3A_116] : memref<10000x8xf32, #tpu.memory_space<hbm>> -> memref<10000x8xf32, #tpu.memory_space<hbm>>
          tpu.wait_indirect_dma semaphore(%arg15 : memref<!tpu.dma_semaphore, #tpu.memory_space<semaphore_mem>>) src(%dma_wait3A_117 : memref<10000x8xf32, #tpu.memory_space<hbm>>) dst(%arg9 : memref<1000x8xf32, #tpu.memory_space<vmem>>)
          %mul3A_118 = arith.constant 1000 : i32
          %mul3A_119 = arith.muli %add3A_83, %mul3A_118 : i32
          %dma_start3A_120 = tpu.memref_slice %arg7[%mul3A_119] : memref<10000xi32, #tpu.memory_space<vmem>> -> memref<1000xi32, #tpu.memory_space<vmem>>
          %dma_start3A_121 = arith.constant 0 : i32
          %dma_start3A_122 = arith.constant 0 : i32
          %dma_start3A_123 = tpu.memref_slice %arg11[%dma_start3A_121, %dma_start3A_122] : memref<10112x8xf32, #tpu.memory_space<vmem_shared>> -> memref<10112x8xf32, #tpu.memory_space<vmem_shared>>
          tpu.enqueue_indirect_dma source(%arg9 : memref<1000x8xf32, #tpu.memory_space<vmem>>) target(%dma_start3A_123 : memref<10112x8xf32, #tpu.memory_space<vmem_shared>>) offsets(%dma_start3A_120 : memref<1000xi32, #tpu.memory_space<vmem>>) semaphore(%arg18 : memref<!tpu.dma_semaphore, #tpu.memory_space<semaphore_mem>>) {add = true}
        } else {
        }
        %add3A_89 = arith.constant 2 : i32
        %add3A_90 = arith.addi %add3A_83, %add3A_89 : i32
        %lt3A_91 = arith.constant 10 : i32
        %lt3A_92 = arith.cmpi slt, %add3A_90, %lt3A_91 : i32
        %convert_element_type3A_93 = arith.extui %lt3A_92 : i1 to i32
        %cond3A_94 = arith.constant 0 : i32
        %cond3A_95 = arith.cmpi ne, %convert_element_type3A_93, %cond3A_94 : i32
        scf.if %cond3A_95 {
          %ge3A = arith.constant 1 : i32
          %ge3A_112 = arith.cmpi sge, %add3A_83, %ge3A : i32
          %convert_element_type3A_113 = arith.extui %ge3A_112 : i1 to i32
          %cond3A_114 = arith.constant 0 : i32
          %cond3A_115 = arith.cmpi ne, %convert_element_type3A_113, %cond3A_114 : i32
          scf.if %cond3A_115 {
            %sub3A = arith.constant 1 : i32
            %sub3A_124 = arith.subi %add3A_83, %sub3A : i32
            %mul3A_125 = arith.constant 1000 : i32
            %mul3A_126 = arith.muli %sub3A_124, %mul3A_125 : i32
            %dma_wait3A_127 = tpu.memref_slice %arg7[%mul3A_126] : memref<10000xi32, #tpu.memory_space<vmem>> -> memref<1000xi32, #tpu.memory_space<vmem>>
            %dma_wait3A_128 = arith.constant 0 : i32
            %dma_wait3A_129 = arith.constant 0 : i32
            %dma_wait3A_130 = tpu.memref_slice %arg11[%dma_wait3A_128, %dma_wait3A_129] : memref<10112x8xf32, #tpu.memory_space<vmem_shared>> -> memref<10112x8xf32, #tpu.memory_space<vmem_shared>>
            tpu.wait_indirect_dma semaphore(%arg17 : memref<!tpu.dma_semaphore, #tpu.memory_space<semaphore_mem>>) src(%arg8 : memref<1000x8xf32, #tpu.memory_space<vmem>>) dst(%dma_wait3A_130 : memref<10112x8xf32, #tpu.memory_space<vmem_shared>>)
          } else {
          }
          %add3A_116 = arith.constant 2 : i32
          %add3A_117 = arith.addi %add3A_83, %add3A_116 : i32
          %mul3A_118 = arith.constant 1000 : i32
          %mul3A_119 = arith.muli %add3A_117, %mul3A_118 : i32
          %dma_start3A_120 = tpu.memref_slice %arg6[%mul3A_119] : memref<10000xi32, #tpu.memory_space<vmem>> -> memref<1000xi32, #tpu.memory_space<vmem>>
          %dma_start3A_121 = arith.constant 0 : i32
          %dma_start3A_122 = arith.constant 0 : i32
          %dma_start3A_123 = tpu.memref_slice %arg2[%dma_start3A_121, %dma_start3A_122] : memref<10000x8xf32, #tpu.memory_space<hbm>> -> memref<10000x8xf32, #tpu.memory_space<hbm>>
          tpu.enqueue_indirect_dma source(%dma_start3A_123 : memref<10000x8xf32, #tpu.memory_space<hbm>>) target(%arg8 : memref<1000x8xf32, #tpu.memory_space<vmem>>) offsets(%dma_start3A_120 : memref<1000xi32, #tpu.memory_space<vmem>>) semaphore(%arg14 : memref<!tpu.dma_semaphore, #tpu.memory_space<semaphore_mem>>)
        } else {
        }
        %mul3A_96 = arith.constant 3 : i32
        %mul3A_97 = arith.muli %scan3A_65, %mul3A_96 : i32
        %add3A_98 = arith.constant 2 : i32
        %add3A_99 = arith.addi %mul3A_97, %add3A_98 : i32
        %lt3A_100 = arith.constant 10 : i32
        %lt3A_101 = arith.cmpi slt, %add3A_99, %lt3A_100 : i32
        %convert_element_type3A_102 = arith.extui %lt3A_101 : i1 to i32
        %cond3A_103 = arith.constant 0 : i32
        %cond3A_104 = arith.cmpi ne, %convert_element_type3A_102, %cond3A_103 : i32
        scf.if %cond3A_104 {
          %mul3A_112 = arith.constant 1000 : i32
          %mul3A_113 = arith.muli %add3A_99, %mul3A_112 : i32
          %dma_wait3A_114 = tpu.memref_slice %arg6[%mul3A_113] : memref<10000xi32, #tpu.memory_space<vmem>> -> memref<1000xi32, #tpu.memory_space<vmem>>
          %dma_wait3A_115 = arith.constant 0 : i32
          %dma_wait3A_116 = arith.constant 0 : i32
          %dma_wait3A_117 = tpu.memref_slice %arg2[%dma_wait3A_115, %dma_wait3A_116] : memref<10000x8xf32, #tpu.memory_space<hbm>> -> memref<10000x8xf32, #tpu.memory_space<hbm>>
          tpu.wait_indirect_dma semaphore(%arg16 : memref<!tpu.dma_semaphore, #tpu.memory_space<semaphore_mem>>) src(%dma_wait3A_117 : memref<10000x8xf32, #tpu.memory_space<hbm>>) dst(%arg10 : memref<1000x8xf32, #tpu.memory_space<vmem>>)
          %mul3A_118 = arith.constant 1000 : i32
          %mul3A_119 = arith.muli %add3A_99, %mul3A_118 : i32
          %dma_start3A_120 = tpu.memref_slice %arg7[%mul3A_119] : memref<10000xi32, #tpu.memory_space<vmem>> -> memref<1000xi32, #tpu.memory_space<vmem>>
          %dma_start3A_121 = arith.constant 0 : i32
          %dma_start3A_122 = arith.constant 0 : i32
          %dma_start3A_123 = tpu.memref_slice %arg11[%dma_start3A_121, %dma_start3A_122] : memref<10112x8xf32, #tpu.memory_space<vmem_shared>> -> memref<10112x8xf32, #tpu.memory_space<vmem_shared>>
          tpu.enqueue_indirect_dma source(%arg10 : memref<1000x8xf32, #tpu.memory_space<vmem>>) target(%dma_start3A_123 : memref<10112x8xf32, #tpu.memory_space<vmem_shared>>) offsets(%dma_start3A_120 : memref<1000xi32, #tpu.memory_space<vmem>>) semaphore(%arg19 : memref<!tpu.dma_semaphore, #tpu.memory_space<semaphore_mem>>) {add = true}
        } else {
        }
        %add3A_105 = arith.constant 2 : i32
        %add3A_106 = arith.addi %add3A_99, %add3A_105 : i32
        %lt3A_107 = arith.constant 10 : i32
        %lt3A_108 = arith.cmpi slt, %add3A_106, %lt3A_107 : i32
        %convert_element_type3A_109 = arith.extui %lt3A_108 : i1 to i32
        %cond3A_110 = arith.constant 0 : i32
        %cond3A_111 = arith.cmpi ne, %convert_element_type3A_109, %cond3A_110 : i32
        scf.if %cond3A_111 {
          %ge3A = arith.constant 1 : i32
          %ge3A_112 = arith.cmpi sge, %add3A_99, %ge3A : i32
          %convert_element_type3A_113 = arith.extui %ge3A_112 : i1 to i32
          %cond3A_114 = arith.constant 0 : i32
          %cond3A_115 = arith.cmpi ne, %convert_element_type3A_113, %cond3A_114 : i32
          scf.if %cond3A_115 {
            %sub3A = arith.constant 1 : i32
            %sub3A_124 = arith.subi %add3A_99, %sub3A : i32
            %mul3A_125 = arith.constant 1000 : i32
            %mul3A_126 = arith.muli %sub3A_124, %mul3A_125 : i32
            %dma_wait3A_127 = tpu.memref_slice %arg7[%mul3A_126] : memref<10000xi32, #tpu.memory_space<vmem>> -> memref<1000xi32, #tpu.memory_space<vmem>>
            %dma_wait3A_128 = arith.constant 0 : i32
            %dma_wait3A_129 = arith.constant 0 : i32
            %dma_wait3A_130 = tpu.memref_slice %arg11[%dma_wait3A_128, %dma_wait3A_129] : memref<10112x8xf32, #tpu.memory_space<vmem_shared>> -> memref<10112x8xf32, #tpu.memory_space<vmem_shared>>
            tpu.wait_indirect_dma semaphore(%arg18 : memref<!tpu.dma_semaphore, #tpu.memory_space<semaphore_mem>>) src(%arg9 : memref<1000x8xf32, #tpu.memory_space<vmem>>) dst(%dma_wait3A_130 : memref<10112x8xf32, #tpu.memory_space<vmem_shared>>)
          } else {
          }
          %add3A_116 = arith.constant 2 : i32
          %add3A_117 = arith.addi %add3A_99, %add3A_116 : i32
          %mul3A_118 = arith.constant 1000 : i32
          %mul3A_119 = arith.muli %add3A_117, %mul3A_118 : i32
          %dma_start3A_120 = tpu.memref_slice %arg6[%mul3A_119] : memref<10000xi32, #tpu.memory_space<vmem>> -> memref<1000xi32, #tpu.memory_space<vmem>>
          %dma_start3A_121 = arith.constant 0 : i32
          %dma_start3A_122 = arith.constant 0 : i32
          %dma_start3A_123 = tpu.memref_slice %arg2[%dma_start3A_121, %dma_start3A_122] : memref<10000x8xf32, #tpu.memory_space<hbm>> -> memref<10000x8xf32, #tpu.memory_space<hbm>>
          tpu.enqueue_indirect_dma source(%dma_start3A_123 : memref<10000x8xf32, #tpu.memory_space<hbm>>) target(%arg9 : memref<1000x8xf32, #tpu.memory_space<vmem>>) offsets(%dma_start3A_120 : memref<1000xi32, #tpu.memory_space<vmem>>) semaphore(%arg15 : memref<!tpu.dma_semaphore, #tpu.memory_space<semaphore_mem>>)
        } else {
        }
      }
      %scan3A_49 = arith.constant 4 : i32
      %dma_wait3A_50 = arith.constant 9000 : i32
      %dma_wait3A_51 = tpu.memref_slice %arg7[%dma_wait3A_50] : memref<10000xi32, #tpu.memory_space<vmem>> -> memref<1000xi32, #tpu.memory_space<vmem>>
      %dma_wait3A_52 = arith.constant 0 : i32
      %dma_wait3A_53 = arith.constant 0 : i32
      %dma_wait3A_54 = tpu.memref_slice %arg11[%dma_wait3A_52, %dma_wait3A_53] : memref<10112x8xf32, #tpu.memory_space<vmem_shared>> -> memref<10112x8xf32, #tpu.memory_space<vmem_shared>>
      tpu.wait_indirect_dma semaphore(%arg17 : memref<!tpu.dma_semaphore, #tpu.memory_space<semaphore_mem>>) src(%arg8 : memref<1000x8xf32, #tpu.memory_space<vmem>>) dst(%dma_wait3A_54 : memref<10112x8xf32, #tpu.memory_space<vmem_shared>>)
      %dma_wait3A_55 = arith.constant 8000 : i32
      %dma_wait3A_56 = tpu.memref_slice %arg7[%dma_wait3A_55] : memref<10000xi32, #tpu.memory_space<vmem>> -> memref<1000xi32, #tpu.memory_space<vmem>>
      %dma_wait3A_57 = arith.constant 0 : i32
      %dma_wait3A_58 = arith.constant 0 : i32
      %dma_wait3A_59 = tpu.memref_slice %arg11[%dma_wait3A_57, %dma_wait3A_58] : memref<10112x8xf32, #tpu.memory_space<vmem_shared>> -> memref<10112x8xf32, #tpu.memory_space<vmem_shared>>
      tpu.wait_indirect_dma semaphore(%arg19 : memref<!tpu.dma_semaphore, #tpu.memory_space<semaphore_mem>>) src(%arg10 : memref<1000x8xf32, #tpu.memory_space<vmem>>) dst(%dma_wait3A_59 : memref<10112x8xf32, #tpu.memory_space<vmem_shared>>)
      %dma_wait3A_60 = arith.constant 7000 : i32
      %dma_wait3A_61 = tpu.memref_slice %arg7[%dma_wait3A_60] : memref<10000xi32, #tpu.memory_space<vmem>> -> memref<1000xi32, #tpu.memory_space<vmem>>
      %dma_wait3A_62 = arith.constant 0 : i32
      %dma_wait3A_63 = arith.constant 0 : i32
      %dma_wait3A_64 = tpu.memref_slice %arg11[%dma_wait3A_62, %dma_wait3A_63] : memref<10112x8xf32, #tpu.memory_space<vmem_shared>> -> memref<10112x8xf32, #tpu.memory_space<vmem_shared>>
      tpu.wait_indirect_dma semaphore(%arg18 : memref<!tpu.dma_semaphore, #tpu.memory_space<semaphore_mem>>) src(%arg9 : memref<1000x8xf32, #tpu.memory_space<vmem>>) dst(%dma_wait3A_64 : memref<10112x8xf32, #tpu.memory_space<vmem_shared>>)
    } else {
    }
    %barrier3A_30 = arith.constant 0 : index
    tpu.barrier barrier_id(%barrier3A_30)
    %mul3A_31 = arith.constant 632 : i32
    %mul3A_32 = arith.muli %arg1, %mul3A_31 : i32
    %mul3A_33 = arith.constant 632 : i32
    %mul3A_34 = arith.muli %arg1, %mul3A_33 : i32
    "tpu.region"() ({
      %run_scoped3A = tpu.sem_alloc : memref<!tpu.dma_semaphore, #tpu.memory_space<semaphore_mem>>
      %dma_start3A_35 = arith.constant 0 : i32
      %dma_start3A_36 = tpu.memref_slice %arg5[%arg0, %mul3A_34, %dma_start3A_35] : memref<2x10112x8xf32, #tpu.memory_space<hbm>> -> memref<1x632x8xf32, #tpu.memory_space<hbm>>
      %dma_start3A_37 = tpu.memref_squeeze %dma_start3A_36 : memref<1x632x8xf32, #tpu.memory_space<hbm>> -> memref<632x8xf32, #tpu.memory_space<hbm>>
      %dma_start3A_38 = arith.constant 0 : i32
      %dma_start3A_39 = tpu.memref_slice %arg11[%mul3A_32, %dma_start3A_38] : memref<10112x8xf32, #tpu.memory_space<vmem_shared>> -> memref<632x8xf32, #tpu.memory_space<vmem_shared>>
      tpu.enqueue_dma source(%dma_start3A_39 : memref<632x8xf32, #tpu.memory_space<vmem_shared>>) target(%dma_start3A_37 : memref<632x8xf32, #tpu.memory_space<hbm>>) target_semaphore(%run_scoped3A : memref<!tpu.dma_semaphore, #tpu.memory_space<semaphore_mem>>)
      %dma_wait3A_40 = arith.constant 0 : i32
      %dma_wait3A_41 = tpu.memref_slice %arg5[%arg0, %mul3A_34, %dma_wait3A_40] : memref<2x10112x8xf32, #tpu.memory_space<hbm>> -> memref<1x632x8xf32, #tpu.memory_space<hbm>>
      %dma_wait3A_42 = tpu.memref_squeeze %dma_wait3A_41 : memref<1x632x8xf32, #tpu.memory_space<hbm>> -> memref<632x8xf32, #tpu.memory_space<hbm>>
      %dma_wait3A_43 = arith.constant 0 : i32
      %dma_wait3A_44 = tpu.memref_slice %arg11[%mul3A_32, %dma_wait3A_43] : memref<10112x8xf32, #tpu.memory_space<vmem_shared>> -> memref<632x8xf32, #tpu.memory_space<vmem_shared>>
      tpu.wait_dma2 semaphore(%run_scoped3A : memref<!tpu.dma_semaphore, #tpu.memory_space<semaphore_mem>>) src(%dma_wait3A_44 : memref<632x8xf32, #tpu.memory_space<vmem_shared>>) dst(%dma_wait3A_42 : memref<632x8xf32, #tpu.memory_space<hbm>>)
      tpu.yield
    }) : () -> ()
    return
  }
}

#map = affine_map<(d0, d1) -> (0, 0)>
#map1 = affine_map<(d0, d1) -> (0, 0, 0)>
module attributes {stable_mosaic.version = 14 : i64} {
  func.func @body(%arg0: i32, %arg1: i32, %arg2: memref<10000x64xf32, #tpu.memory_space<hbm>>, %arg3: memref<2x320000xi32, #tpu.memory_space<hbm>>, %arg4: memref<10112x64xf32, #tpu.memory_space<hbm>>, %arg5: memref<2x10112x64xf32, #tpu.memory_space<hbm>>, %arg6: memref<10240xi32, #tpu.memory_space<vmem>>, %arg7: memref<10240xi32, #tpu.memory_space<vmem>>, %arg8: memref<320x64xf32, #tpu.memory_space<vmem>>, %arg9: memref<320x64xf32, #tpu.memory_space<vmem>>, %arg10: memref<320x64xf32, #tpu.memory_space<vmem>>, %arg11: memref<10112x64xf32, #tpu.memory_space<vmem_shared>>, %arg12: memref<!tpu.dma_semaphore, #tpu.memory_space<semaphore_mem>>, %arg13: memref<!tpu.dma_semaphore, #tpu.memory_space<semaphore_mem>>, %arg14: memref<!tpu.dma_semaphore, #tpu.memory_space<semaphore_mem>>, %arg15: memref<!tpu.dma_semaphore, #tpu.memory_space<semaphore_mem>>, %arg16: memref<!tpu.dma_semaphore, #tpu.memory_space<semaphore_mem>>, %arg17: memref<!tpu.dma_semaphore, #tpu.memory_space<semaphore_mem>>, %arg18: memref<!tpu.dma_semaphore, #tpu.memory_space<semaphore_mem>>, %arg19: memref<!tpu.dma_semaphore, #tpu.memory_space<semaphore_mem>>) attributes {dimension_semantics = [#tpu.dimension_semantics<core_parallel>, #tpu.dimension_semantics<subcore_parallel>], iteration_bounds = array<i64: 2, 16>, scalar_prefetch = 0 : i64, scratch_operands = 14 : i64, tpu.core_type = #tpu.core_type<sc_vector_subcore>, window_params = [{transform_indices = #map}, {transform_indices = #map}, {transform_indices = #map}, {transform_indices = #map1}]} {
    %mul3A = arith.constant 632 : i32
    %mul3A_0 = arith.muli %arg1, %mul3A : i32
    %mul3A_1 = arith.constant 632 : i32
    %mul3A_2 = arith.muli %arg1, %mul3A_1 : i32
    %dma_start3A = arith.constant 0 : i32
    %dma_start3A_3 = tpu.memref_slice %arg11[%mul3A_2, %dma_start3A] : memref<10112x64xf32, #tpu.memory_space<vmem_shared>> -> memref<632x64xf32, #tpu.memory_space<vmem_shared>>
    %dma_start3A_4 = arith.constant 0 : i32
    %dma_start3A_5 = tpu.memref_slice %arg4[%mul3A_0, %dma_start3A_4] : memref<10112x64xf32, #tpu.memory_space<hbm>> -> memref<632x64xf32, #tpu.memory_space<hbm>>
    tpu.enqueue_dma source(%dma_start3A_5 : memref<632x64xf32, #tpu.memory_space<hbm>>) target(%dma_start3A_3 : memref<632x64xf32, #tpu.memory_space<vmem_shared>>) target_semaphore(%arg12 : memref<!tpu.dma_semaphore, #tpu.memory_space<semaphore_mem>>)
    %eq3A = arith.constant 0 : i32
    %eq3A_6 = arith.cmpi eq, %arg0, %eq3A : i32
    %convert_element_type3A = arith.extui %eq3A_6 : i1 to i32
    %cond3A = arith.constant 0 : i32
    %cond3A_7 = arith.cmpi ne, %convert_element_type3A, %cond3A : i32
    scf.if %cond3A_7 {
      %mul3A_54 = arith.constant 31 : i32
      %mul3A_55 = arith.muli %arg1, %mul3A_54 : i32
      %mul3A_56 = arith.constant 320 : i32
      %mul3A_57 = arith.muli %mul3A_55, %mul3A_56 : i32
      %dma_start3A_58 = arith.constant 0 : i32
      %dma_start3A_59 = arith.constant 0 : i32
      %dma_start3A_60 = tpu.memref_slice %arg6[%dma_start3A_59] : memref<10240xi32, #tpu.memory_space<vmem>> -> memref<9920xi32, #tpu.memory_space<vmem>>
      %dma_start3A_61 = tpu.memref_slice %arg3[%dma_start3A_58, %mul3A_57] : memref<2x320000xi32, #tpu.memory_space<hbm>> -> memref<1x9920xi32, #tpu.memory_space<hbm>>
      %dma_start3A_62 = tpu.memref_squeeze %dma_start3A_61 : memref<1x9920xi32, #tpu.memory_space<hbm>> -> memref<9920xi32, #tpu.memory_space<hbm>>
      %dma_start3A_63 = arith.constant 0 : i32
      %dma_start3A_64 = tpu.memref_slice %arg6[%dma_start3A_63] : memref<10240xi32, #tpu.memory_space<vmem>> -> memref<9920xi32, #tpu.memory_space<vmem>>
      %dma_start3A_65 = tpu.memref_slice %arg3[%dma_start3A_58, %mul3A_57] : memref<2x320000xi32, #tpu.memory_space<hbm>> -> memref<1x9920xi32, #tpu.memory_space<hbm>>
      %dma_start3A_66 = tpu.memref_squeeze %dma_start3A_65 : memref<1x9920xi32, #tpu.memory_space<hbm>> -> memref<9920xi32, #tpu.memory_space<hbm>>
      tpu.enqueue_dma source(%dma_start3A_66 : memref<9920xi32, #tpu.memory_space<hbm>>) target(%dma_start3A_64 : memref<9920xi32, #tpu.memory_space<vmem>>) target_semaphore(%arg13 : memref<!tpu.dma_semaphore, #tpu.memory_space<semaphore_mem>>)
      %mul3A_67 = arith.constant 320 : i32
      %mul3A_68 = arith.muli %mul3A_55, %mul3A_67 : i32
      %dma_start3A_69 = arith.constant 1 : i32
      %dma_start3A_70 = arith.constant 0 : i32
      %dma_start3A_71 = tpu.memref_slice %arg7[%dma_start3A_70] : memref<10240xi32, #tpu.memory_space<vmem>> -> memref<9920xi32, #tpu.memory_space<vmem>>
      %dma_start3A_72 = tpu.memref_slice %arg3[%dma_start3A_69, %mul3A_68] : memref<2x320000xi32, #tpu.memory_space<hbm>> -> memref<1x9920xi32, #tpu.memory_space<hbm>>
      %dma_start3A_73 = tpu.memref_squeeze %dma_start3A_72 : memref<1x9920xi32, #tpu.memory_space<hbm>> -> memref<9920xi32, #tpu.memory_space<hbm>>
      %dma_start3A_74 = arith.constant 0 : i32
      %dma_start3A_75 = tpu.memref_slice %arg7[%dma_start3A_74] : memref<10240xi32, #tpu.memory_space<vmem>> -> memref<9920xi32, #tpu.memory_space<vmem>>
      %dma_start3A_76 = tpu.memref_slice %arg3[%dma_start3A_69, %mul3A_68] : memref<2x320000xi32, #tpu.memory_space<hbm>> -> memref<1x9920xi32, #tpu.memory_space<hbm>>
      %dma_start3A_77 = tpu.memref_squeeze %dma_start3A_76 : memref<1x9920xi32, #tpu.memory_space<hbm>> -> memref<9920xi32, #tpu.memory_space<hbm>>
      tpu.enqueue_dma source(%dma_start3A_77 : memref<9920xi32, #tpu.memory_space<hbm>>) target(%dma_start3A_75 : memref<9920xi32, #tpu.memory_space<vmem>>) target_semaphore(%arg13 : memref<!tpu.dma_semaphore, #tpu.memory_space<semaphore_mem>>)
      %mul3A_78 = arith.constant 320 : i32
      %mul3A_79 = arith.muli %mul3A_55, %mul3A_78 : i32
      %dma_wait3A_80 = arith.constant 0 : i32
      %dma_wait3A_81 = arith.constant 0 : i32
      %dma_wait3A_82 = tpu.memref_slice %arg6[%dma_wait3A_81] : memref<10240xi32, #tpu.memory_space<vmem>> -> memref<9920xi32, #tpu.memory_space<vmem>>
      %dma_wait3A_83 = tpu.memref_slice %arg3[%dma_wait3A_80, %mul3A_79] : memref<2x320000xi32, #tpu.memory_space<hbm>> -> memref<1x9920xi32, #tpu.memory_space<hbm>>
      %dma_wait3A_84 = tpu.memref_squeeze %dma_wait3A_83 : memref<1x9920xi32, #tpu.memory_space<hbm>> -> memref<9920xi32, #tpu.memory_space<hbm>>
      %dma_wait3A_85 = arith.constant 0 : i32
      %dma_wait3A_86 = tpu.memref_slice %arg6[%dma_wait3A_85] : memref<10240xi32, #tpu.memory_space<vmem>> -> memref<9920xi32, #tpu.memory_space<vmem>>
      %dma_wait3A_87 = tpu.memref_slice %arg3[%dma_wait3A_80, %mul3A_79] : memref<2x320000xi32, #tpu.memory_space<hbm>> -> memref<1x9920xi32, #tpu.memory_space<hbm>>
      %dma_wait3A_88 = tpu.memref_squeeze %dma_wait3A_87 : memref<1x9920xi32, #tpu.memory_space<hbm>> -> memref<9920xi32, #tpu.memory_space<hbm>>
      tpu.wait_dma2 semaphore(%arg13 : memref<!tpu.dma_semaphore, #tpu.memory_space<semaphore_mem>>) src(%dma_wait3A_88 : memref<9920xi32, #tpu.memory_space<hbm>>) dst(%dma_wait3A_86 : memref<9920xi32, #tpu.memory_space<vmem>>)
      %mul3A_89 = arith.constant 320 : i32
      %mul3A_90 = arith.muli %mul3A_55, %mul3A_89 : i32
      %dma_wait3A_91 = arith.constant 1 : i32
      %dma_wait3A_92 = arith.constant 0 : i32
      %dma_wait3A_93 = tpu.memref_slice %arg7[%dma_wait3A_92] : memref<10240xi32, #tpu.memory_space<vmem>> -> memref<9920xi32, #tpu.memory_space<vmem>>
      %dma_wait3A_94 = tpu.memref_slice %arg3[%dma_wait3A_91, %mul3A_90] : memref<2x320000xi32, #tpu.memory_space<hbm>> -> memref<1x9920xi32, #tpu.memory_space<hbm>>
      %dma_wait3A_95 = tpu.memref_squeeze %dma_wait3A_94 : memref<1x9920xi32, #tpu.memory_space<hbm>> -> memref<9920xi32, #tpu.memory_space<hbm>>
      %dma_wait3A_96 = arith.constant 0 : i32
      %dma_wait3A_97 = tpu.memref_slice %arg7[%dma_wait3A_96] : memref<10240xi32, #tpu.memory_space<vmem>> -> memref<9920xi32, #tpu.memory_space<vmem>>
      %dma_wait3A_98 = tpu.memref_slice %arg3[%dma_wait3A_91, %mul3A_90] : memref<2x320000xi32, #tpu.memory_space<hbm>> -> memref<1x9920xi32, #tpu.memory_space<hbm>>
      %dma_wait3A_99 = tpu.memref_squeeze %dma_wait3A_98 : memref<1x9920xi32, #tpu.memory_space<hbm>> -> memref<9920xi32, #tpu.memory_space<hbm>>
      tpu.wait_dma2 semaphore(%arg13 : memref<!tpu.dma_semaphore, #tpu.memory_space<semaphore_mem>>) src(%dma_wait3A_99 : memref<9920xi32, #tpu.memory_space<hbm>>) dst(%dma_wait3A_97 : memref<9920xi32, #tpu.memory_space<vmem>>)
    } else {
    }
    %eq3A_8 = arith.constant 1 : i32
    %eq3A_9 = arith.cmpi eq, %arg0, %eq3A_8 : i32
    %lt3A = arith.constant 8 : i32
    %lt3A_10 = arith.cmpi slt, %arg1, %lt3A : i32
    %and3A = arith.andi %eq3A_9, %lt3A_10 : i1
    %convert_element_type3A_11 = arith.extui %and3A : i1 to i32
    %cond3A_12 = arith.constant 0 : i32
    %cond3A_13 = arith.cmpi ne, %convert_element_type3A_11, %cond3A_12 : i32
    scf.if %cond3A_13 {
      %mul3A_54 = arith.constant 32 : i32
      %mul3A_55 = arith.muli %arg1, %mul3A_54 : i32
      %add3A = arith.constant 496 : i32
      %add3A_56 = arith.addi %add3A, %mul3A_55 : i32
      %mul3A_57 = arith.constant 320 : i32
      %mul3A_58 = arith.muli %add3A_56, %mul3A_57 : i32
      %dma_start3A_59 = arith.constant 0 : i32
      %dma_start3A_60 = arith.constant 0 : i32
      %dma_start3A_61 = tpu.memref_slice %arg6[%dma_start3A_60] : memref<10240xi32, #tpu.memory_space<vmem>> -> memref<10240xi32, #tpu.memory_space<vmem>>
      %dma_start3A_62 = tpu.memref_slice %arg3[%dma_start3A_59, %mul3A_58] : memref<2x320000xi32, #tpu.memory_space<hbm>> -> memref<1x10240xi32, #tpu.memory_space<hbm>>
      %dma_start3A_63 = tpu.memref_squeeze %dma_start3A_62 : memref<1x10240xi32, #tpu.memory_space<hbm>> -> memref<10240xi32, #tpu.memory_space<hbm>>
      %dma_start3A_64 = arith.constant 0 : i32
      %dma_start3A_65 = tpu.memref_slice %arg6[%dma_start3A_64] : memref<10240xi32, #tpu.memory_space<vmem>> -> memref<10240xi32, #tpu.memory_space<vmem>>
      %dma_start3A_66 = tpu.memref_slice %arg3[%dma_start3A_59, %mul3A_58] : memref<2x320000xi32, #tpu.memory_space<hbm>> -> memref<1x10240xi32, #tpu.memory_space<hbm>>
      %dma_start3A_67 = tpu.memref_squeeze %dma_start3A_66 : memref<1x10240xi32, #tpu.memory_space<hbm>> -> memref<10240xi32, #tpu.memory_space<hbm>>
      tpu.enqueue_dma source(%dma_start3A_67 : memref<10240xi32, #tpu.memory_space<hbm>>) target(%dma_start3A_65 : memref<10240xi32, #tpu.memory_space<vmem>>) target_semaphore(%arg13 : memref<!tpu.dma_semaphore, #tpu.memory_space<semaphore_mem>>)
      %mul3A_68 = arith.constant 320 : i32
      %mul3A_69 = arith.muli %add3A_56, %mul3A_68 : i32
      %dma_start3A_70 = arith.constant 1 : i32
      %dma_start3A_71 = arith.constant 0 : i32
      %dma_start3A_72 = tpu.memref_slice %arg7[%dma_start3A_71] : memref<10240xi32, #tpu.memory_space<vmem>> -> memref<10240xi32, #tpu.memory_space<vmem>>
      %dma_start3A_73 = tpu.memref_slice %arg3[%dma_start3A_70, %mul3A_69] : memref<2x320000xi32, #tpu.memory_space<hbm>> -> memref<1x10240xi32, #tpu.memory_space<hbm>>
      %dma_start3A_74 = tpu.memref_squeeze %dma_start3A_73 : memref<1x10240xi32, #tpu.memory_space<hbm>> -> memref<10240xi32, #tpu.memory_space<hbm>>
      %dma_start3A_75 = arith.constant 0 : i32
      %dma_start3A_76 = tpu.memref_slice %arg7[%dma_start3A_75] : memref<10240xi32, #tpu.memory_space<vmem>> -> memref<10240xi32, #tpu.memory_space<vmem>>
      %dma_start3A_77 = tpu.memref_slice %arg3[%dma_start3A_70, %mul3A_69] : memref<2x320000xi32, #tpu.memory_space<hbm>> -> memref<1x10240xi32, #tpu.memory_space<hbm>>
      %dma_start3A_78 = tpu.memref_squeeze %dma_start3A_77 : memref<1x10240xi32, #tpu.memory_space<hbm>> -> memref<10240xi32, #tpu.memory_space<hbm>>
      tpu.enqueue_dma source(%dma_start3A_78 : memref<10240xi32, #tpu.memory_space<hbm>>) target(%dma_start3A_76 : memref<10240xi32, #tpu.memory_space<vmem>>) target_semaphore(%arg13 : memref<!tpu.dma_semaphore, #tpu.memory_space<semaphore_mem>>)
      %mul3A_79 = arith.constant 320 : i32
      %mul3A_80 = arith.muli %add3A_56, %mul3A_79 : i32
      %dma_wait3A_81 = arith.constant 0 : i32
      %dma_wait3A_82 = arith.constant 0 : i32
      %dma_wait3A_83 = tpu.memref_slice %arg6[%dma_wait3A_82] : memref<10240xi32, #tpu.memory_space<vmem>> -> memref<10240xi32, #tpu.memory_space<vmem>>
      %dma_wait3A_84 = tpu.memref_slice %arg3[%dma_wait3A_81, %mul3A_80] : memref<2x320000xi32, #tpu.memory_space<hbm>> -> memref<1x10240xi32, #tpu.memory_space<hbm>>
      %dma_wait3A_85 = tpu.memref_squeeze %dma_wait3A_84 : memref<1x10240xi32, #tpu.memory_space<hbm>> -> memref<10240xi32, #tpu.memory_space<hbm>>
      %dma_wait3A_86 = arith.constant 0 : i32
      %dma_wait3A_87 = tpu.memref_slice %arg6[%dma_wait3A_86] : memref<10240xi32, #tpu.memory_space<vmem>> -> memref<10240xi32, #tpu.memory_space<vmem>>
      %dma_wait3A_88 = tpu.memref_slice %arg3[%dma_wait3A_81, %mul3A_80] : memref<2x320000xi32, #tpu.memory_space<hbm>> -> memref<1x10240xi32, #tpu.memory_space<hbm>>
      %dma_wait3A_89 = tpu.memref_squeeze %dma_wait3A_88 : memref<1x10240xi32, #tpu.memory_space<hbm>> -> memref<10240xi32, #tpu.memory_space<hbm>>
      tpu.wait_dma2 semaphore(%arg13 : memref<!tpu.dma_semaphore, #tpu.memory_space<semaphore_mem>>) src(%dma_wait3A_89 : memref<10240xi32, #tpu.memory_space<hbm>>) dst(%dma_wait3A_87 : memref<10240xi32, #tpu.memory_space<vmem>>)
      %mul3A_90 = arith.constant 320 : i32
      %mul3A_91 = arith.muli %add3A_56, %mul3A_90 : i32
      %dma_wait3A_92 = arith.constant 1 : i32
      %dma_wait3A_93 = arith.constant 0 : i32
      %dma_wait3A_94 = tpu.memref_slice %arg7[%dma_wait3A_93] : memref<10240xi32, #tpu.memory_space<vmem>> -> memref<10240xi32, #tpu.memory_space<vmem>>
      %dma_wait3A_95 = tpu.memref_slice %arg3[%dma_wait3A_92, %mul3A_91] : memref<2x320000xi32, #tpu.memory_space<hbm>> -> memref<1x10240xi32, #tpu.memory_space<hbm>>
      %dma_wait3A_96 = tpu.memref_squeeze %dma_wait3A_95 : memref<1x10240xi32, #tpu.memory_space<hbm>> -> memref<10240xi32, #tpu.memory_space<hbm>>
      %dma_wait3A_97 = arith.constant 0 : i32
      %dma_wait3A_98 = tpu.memref_slice %arg7[%dma_wait3A_97] : memref<10240xi32, #tpu.memory_space<vmem>> -> memref<10240xi32, #tpu.memory_space<vmem>>
      %dma_wait3A_99 = tpu.memref_slice %arg3[%dma_wait3A_92, %mul3A_91] : memref<2x320000xi32, #tpu.memory_space<hbm>> -> memref<1x10240xi32, #tpu.memory_space<hbm>>
      %dma_wait3A_100 = tpu.memref_squeeze %dma_wait3A_99 : memref<1x10240xi32, #tpu.memory_space<hbm>> -> memref<10240xi32, #tpu.memory_space<hbm>>
      tpu.wait_dma2 semaphore(%arg13 : memref<!tpu.dma_semaphore, #tpu.memory_space<semaphore_mem>>) src(%dma_wait3A_100 : memref<10240xi32, #tpu.memory_space<hbm>>) dst(%dma_wait3A_98 : memref<10240xi32, #tpu.memory_space<vmem>>)
    } else {
    }
    %eq3A_14 = arith.constant 1 : i32
    %eq3A_15 = arith.cmpi eq, %arg0, %eq3A_14 : i32
    %ge3A = arith.constant 8 : i32
    %ge3A_16 = arith.cmpi sge, %arg1, %ge3A : i32
    %and3A_17 = arith.andi %eq3A_15, %ge3A_16 : i1
    %convert_element_type3A_18 = arith.extui %and3A_17 : i1 to i32
    %cond3A_19 = arith.constant 0 : i32
    %cond3A_20 = arith.cmpi ne, %convert_element_type3A_18, %cond3A_19 : i32
    scf.if %cond3A_20 {
      %sub3A = arith.constant 8 : i32
      %sub3A_54 = arith.subi %arg1, %sub3A : i32
      %mul3A_55 = arith.constant 31 : i32
      %mul3A_56 = arith.muli %sub3A_54, %mul3A_55 : i32
      %add3A = arith.constant 752 : i32
      %add3A_57 = arith.addi %add3A, %mul3A_56 : i32
      %mul3A_58 = arith.constant 320 : i32
      %mul3A_59 = arith.muli %add3A_57, %mul3A_58 : i32
      %dma_start3A_60 = arith.constant 0 : i32
      %dma_start3A_61 = arith.constant 0 : i32
      %dma_start3A_62 = tpu.memref_slice %arg6[%dma_start3A_61] : memref<10240xi32, #tpu.memory_space<vmem>> -> memref<9920xi32, #tpu.memory_space<vmem>>
      %dma_start3A_63 = tpu.memref_slice %arg3[%dma_start3A_60, %mul3A_59] : memref<2x320000xi32, #tpu.memory_space<hbm>> -> memref<1x9920xi32, #tpu.memory_space<hbm>>
      %dma_start3A_64 = tpu.memref_squeeze %dma_start3A_63 : memref<1x9920xi32, #tpu.memory_space<hbm>> -> memref<9920xi32, #tpu.memory_space<hbm>>
      %dma_start3A_65 = arith.constant 0 : i32
      %dma_start3A_66 = tpu.memref_slice %arg6[%dma_start3A_65] : memref<10240xi32, #tpu.memory_space<vmem>> -> memref<9920xi32, #tpu.memory_space<vmem>>
      %dma_start3A_67 = tpu.memref_slice %arg3[%dma_start3A_60, %mul3A_59] : memref<2x320000xi32, #tpu.memory_space<hbm>> -> memref<1x9920xi32, #tpu.memory_space<hbm>>
      %dma_start3A_68 = tpu.memref_squeeze %dma_start3A_67 : memref<1x9920xi32, #tpu.memory_space<hbm>> -> memref<9920xi32, #tpu.memory_space<hbm>>
      tpu.enqueue_dma source(%dma_start3A_68 : memref<9920xi32, #tpu.memory_space<hbm>>) target(%dma_start3A_66 : memref<9920xi32, #tpu.memory_space<vmem>>) target_semaphore(%arg13 : memref<!tpu.dma_semaphore, #tpu.memory_space<semaphore_mem>>)
      %mul3A_69 = arith.constant 320 : i32
      %mul3A_70 = arith.muli %add3A_57, %mul3A_69 : i32
      %dma_start3A_71 = arith.constant 1 : i32
      %dma_start3A_72 = arith.constant 0 : i32
      %dma_start3A_73 = tpu.memref_slice %arg7[%dma_start3A_72] : memref<10240xi32, #tpu.memory_space<vmem>> -> memref<9920xi32, #tpu.memory_space<vmem>>
      %dma_start3A_74 = tpu.memref_slice %arg3[%dma_start3A_71, %mul3A_70] : memref<2x320000xi32, #tpu.memory_space<hbm>> -> memref<1x9920xi32, #tpu.memory_space<hbm>>
      %dma_start3A_75 = tpu.memref_squeeze %dma_start3A_74 : memref<1x9920xi32, #tpu.memory_space<hbm>> -> memref<9920xi32, #tpu.memory_space<hbm>>
      %dma_start3A_76 = arith.constant 0 : i32
      %dma_start3A_77 = tpu.memref_slice %arg7[%dma_start3A_76] : memref<10240xi32, #tpu.memory_space<vmem>> -> memref<9920xi32, #tpu.memory_space<vmem>>
      %dma_start3A_78 = tpu.memref_slice %arg3[%dma_start3A_71, %mul3A_70] : memref<2x320000xi32, #tpu.memory_space<hbm>> -> memref<1x9920xi32, #tpu.memory_space<hbm>>
      %dma_start3A_79 = tpu.memref_squeeze %dma_start3A_78 : memref<1x9920xi32, #tpu.memory_space<hbm>> -> memref<9920xi32, #tpu.memory_space<hbm>>
      tpu.enqueue_dma source(%dma_start3A_79 : memref<9920xi32, #tpu.memory_space<hbm>>) target(%dma_start3A_77 : memref<9920xi32, #tpu.memory_space<vmem>>) target_semaphore(%arg13 : memref<!tpu.dma_semaphore, #tpu.memory_space<semaphore_mem>>)
      %mul3A_80 = arith.constant 320 : i32
      %mul3A_81 = arith.muli %add3A_57, %mul3A_80 : i32
      %dma_wait3A_82 = arith.constant 0 : i32
      %dma_wait3A_83 = arith.constant 0 : i32
      %dma_wait3A_84 = tpu.memref_slice %arg6[%dma_wait3A_83] : memref<10240xi32, #tpu.memory_space<vmem>> -> memref<9920xi32, #tpu.memory_space<vmem>>
      %dma_wait3A_85 = tpu.memref_slice %arg3[%dma_wait3A_82, %mul3A_81] : memref<2x320000xi32, #tpu.memory_space<hbm>> -> memref<1x9920xi32, #tpu.memory_space<hbm>>
      %dma_wait3A_86 = tpu.memref_squeeze %dma_wait3A_85 : memref<1x9920xi32, #tpu.memory_space<hbm>> -> memref<9920xi32, #tpu.memory_space<hbm>>
      %dma_wait3A_87 = arith.constant 0 : i32
      %dma_wait3A_88 = tpu.memref_slice %arg6[%dma_wait3A_87] : memref<10240xi32, #tpu.memory_space<vmem>> -> memref<9920xi32, #tpu.memory_space<vmem>>
      %dma_wait3A_89 = tpu.memref_slice %arg3[%dma_wait3A_82, %mul3A_81] : memref<2x320000xi32, #tpu.memory_space<hbm>> -> memref<1x9920xi32, #tpu.memory_space<hbm>>
      %dma_wait3A_90 = tpu.memref_squeeze %dma_wait3A_89 : memref<1x9920xi32, #tpu.memory_space<hbm>> -> memref<9920xi32, #tpu.memory_space<hbm>>
      tpu.wait_dma2 semaphore(%arg13 : memref<!tpu.dma_semaphore, #tpu.memory_space<semaphore_mem>>) src(%dma_wait3A_90 : memref<9920xi32, #tpu.memory_space<hbm>>) dst(%dma_wait3A_88 : memref<9920xi32, #tpu.memory_space<vmem>>)
      %mul3A_91 = arith.constant 320 : i32
      %mul3A_92 = arith.muli %add3A_57, %mul3A_91 : i32
      %dma_wait3A_93 = arith.constant 1 : i32
      %dma_wait3A_94 = arith.constant 0 : i32
      %dma_wait3A_95 = tpu.memref_slice %arg7[%dma_wait3A_94] : memref<10240xi32, #tpu.memory_space<vmem>> -> memref<9920xi32, #tpu.memory_space<vmem>>
      %dma_wait3A_96 = tpu.memref_slice %arg3[%dma_wait3A_93, %mul3A_92] : memref<2x320000xi32, #tpu.memory_space<hbm>> -> memref<1x9920xi32, #tpu.memory_space<hbm>>
      %dma_wait3A_97 = tpu.memref_squeeze %dma_wait3A_96 : memref<1x9920xi32, #tpu.memory_space<hbm>> -> memref<9920xi32, #tpu.memory_space<hbm>>
      %dma_wait3A_98 = arith.constant 0 : i32
      %dma_wait3A_99 = tpu.memref_slice %arg7[%dma_wait3A_98] : memref<10240xi32, #tpu.memory_space<vmem>> -> memref<9920xi32, #tpu.memory_space<vmem>>
      %dma_wait3A_100 = tpu.memref_slice %arg3[%dma_wait3A_93, %mul3A_92] : memref<2x320000xi32, #tpu.memory_space<hbm>> -> memref<1x9920xi32, #tpu.memory_space<hbm>>
      %dma_wait3A_101 = tpu.memref_squeeze %dma_wait3A_100 : memref<1x9920xi32, #tpu.memory_space<hbm>> -> memref<9920xi32, #tpu.memory_space<hbm>>
      tpu.wait_dma2 semaphore(%arg13 : memref<!tpu.dma_semaphore, #tpu.memory_space<semaphore_mem>>) src(%dma_wait3A_101 : memref<9920xi32, #tpu.memory_space<hbm>>) dst(%dma_wait3A_99 : memref<9920xi32, #tpu.memory_space<vmem>>)
    } else {
    }
    %mul3A_21 = arith.constant 632 : i32
    %mul3A_22 = arith.muli %arg1, %mul3A_21 : i32
    %mul3A_23 = arith.constant 632 : i32
    %mul3A_24 = arith.muli %arg1, %mul3A_23 : i32
    %dma_wait3A = arith.constant 0 : i32
    %dma_wait3A_25 = tpu.memref_slice %arg11[%mul3A_24, %dma_wait3A] : memref<10112x64xf32, #tpu.memory_space<vmem_shared>> -> memref<632x64xf32, #tpu.memory_space<vmem_shared>>
    %dma_wait3A_26 = arith.constant 0 : i32
    %dma_wait3A_27 = tpu.memref_slice %arg4[%mul3A_22, %dma_wait3A_26] : memref<10112x64xf32, #tpu.memory_space<hbm>> -> memref<632x64xf32, #tpu.memory_space<hbm>>
    tpu.wait_dma2 semaphore(%arg12 : memref<!tpu.dma_semaphore, #tpu.memory_space<semaphore_mem>>) src(%dma_wait3A_27 : memref<632x64xf32, #tpu.memory_space<hbm>>) dst(%dma_wait3A_25 : memref<632x64xf32, #tpu.memory_space<vmem_shared>>)
    %barrier3A = arith.constant 0 : index
    tpu.barrier barrier_id(%barrier3A)
    %eq3A_28 = arith.constant 0 : i32
    %eq3A_29 = arith.cmpi eq, %arg0, %eq3A_28 : i32
    %convert_element_type3A_30 = arith.extui %eq3A_29 : i1 to i32
    %cond3A_31 = arith.constant 0 : i32
    %cond3A_32 = arith.cmpi ne, %convert_element_type3A_30, %cond3A_31 : i32
    scf.if %cond3A_32 {
      %dma_start3A_54 = arith.constant 0 : i32
      %dma_start3A_55 = tpu.memref_slice %arg6[%dma_start3A_54] : memref<10240xi32, #tpu.memory_space<vmem>> -> memref<320xi32, #tpu.memory_space<vmem>>
      %dma_start3A_56 = arith.constant 0 : i32
      %dma_start3A_57 = arith.constant 0 : i32
      %dma_start3A_58 = tpu.memref_slice %arg2[%dma_start3A_56, %dma_start3A_57] : memref<10000x64xf32, #tpu.memory_space<hbm>> -> memref<10000x64xf32, #tpu.memory_space<hbm>>
      tpu.enqueue_indirect_dma source(%dma_start3A_58 : memref<10000x64xf32, #tpu.memory_space<hbm>>) target(%arg8 : memref<320x64xf32, #tpu.memory_space<vmem>>) offsets(%dma_start3A_55 : memref<320xi32, #tpu.memory_space<vmem>>) semaphore(%arg14 : memref<!tpu.dma_semaphore, #tpu.memory_space<semaphore_mem>>)
      %dma_start3A_59 = arith.constant 320 : i32
      %dma_start3A_60 = tpu.memref_slice %arg6[%dma_start3A_59] : memref<10240xi32, #tpu.memory_space<vmem>> -> memref<320xi32, #tpu.memory_space<vmem>>
      %dma_start3A_61 = arith.constant 0 : i32
      %dma_start3A_62 = arith.constant 0 : i32
      %dma_start3A_63 = tpu.memref_slice %arg2[%dma_start3A_61, %dma_start3A_62] : memref<10000x64xf32, #tpu.memory_space<hbm>> -> memref<10000x64xf32, #tpu.memory_space<hbm>>
      tpu.enqueue_indirect_dma source(%dma_start3A_63 : memref<10000x64xf32, #tpu.memory_space<hbm>>) target(%arg9 : memref<320x64xf32, #tpu.memory_space<vmem>>) offsets(%dma_start3A_60 : memref<320xi32, #tpu.memory_space<vmem>>) semaphore(%arg15 : memref<!tpu.dma_semaphore, #tpu.memory_space<semaphore_mem>>)
      %scan3A = arith.constant 0 : i32
      %scan3A_64 = arith.constant 0 : i32
      %scan3A_65 = arith.constant 11 : i32
      %scan3A_66 = arith.addi %scan3A_64, %scan3A_65 : i32
      %scan3A_67 = arith.constant 1 : i32
      scf.for %scan3A_84 = %scan3A_64 to %scan3A_66 step %scan3A_67  : i32 {
        %mul3A_85 = arith.constant 3 : i32
        %mul3A_86 = arith.muli %scan3A_84, %mul3A_85 : i32
        %add3A = arith.constant 0 : i32
        %add3A_87 = arith.addi %mul3A_86, %add3A : i32
        %lt3A_88 = arith.constant 31 : i32
        %lt3A_89 = arith.cmpi slt, %add3A_87, %lt3A_88 : i32
        %convert_element_type3A_90 = arith.extui %lt3A_89 : i1 to i32
        %cond3A_91 = arith.constant 0 : i32
        %cond3A_92 = arith.cmpi ne, %convert_element_type3A_90, %cond3A_91 : i32
        scf.if %cond3A_92 {
          %mul3A_132 = arith.constant 320 : i32
          %mul3A_133 = arith.muli %add3A_87, %mul3A_132 : i32
          %dma_wait3A_134 = tpu.memref_slice %arg6[%mul3A_133] : memref<10240xi32, #tpu.memory_space<vmem>> -> memref<320xi32, #tpu.memory_space<vmem>>
          %dma_wait3A_135 = arith.constant 0 : i32
          %dma_wait3A_136 = arith.constant 0 : i32
          %dma_wait3A_137 = tpu.memref_slice %arg2[%dma_wait3A_135, %dma_wait3A_136] : memref<10000x64xf32, #tpu.memory_space<hbm>> -> memref<10000x64xf32, #tpu.memory_space<hbm>>
          tpu.wait_indirect_dma semaphore(%arg14 : memref<!tpu.dma_semaphore, #tpu.memory_space<semaphore_mem>>) src(%dma_wait3A_137 : memref<10000x64xf32, #tpu.memory_space<hbm>>) dst(%arg8 : memref<320x64xf32, #tpu.memory_space<vmem>>)
          %mul3A_138 = arith.constant 320 : i32
          %mul3A_139 = arith.muli %add3A_87, %mul3A_138 : i32
          %dma_start3A_140 = tpu.memref_slice %arg7[%mul3A_139] : memref<10240xi32, #tpu.memory_space<vmem>> -> memref<320xi32, #tpu.memory_space<vmem>>
          %dma_start3A_141 = arith.constant 0 : i32
          %dma_start3A_142 = arith.constant 0 : i32
          %dma_start3A_143 = tpu.memref_slice %arg11[%dma_start3A_141, %dma_start3A_142] : memref<10112x64xf32, #tpu.memory_space<vmem_shared>> -> memref<10112x64xf32, #tpu.memory_space<vmem_shared>>
          tpu.enqueue_indirect_dma source(%arg8 : memref<320x64xf32, #tpu.memory_space<vmem>>) target(%dma_start3A_143 : memref<10112x64xf32, #tpu.memory_space<vmem_shared>>) offsets(%dma_start3A_140 : memref<320xi32, #tpu.memory_space<vmem>>) semaphore(%arg17 : memref<!tpu.dma_semaphore, #tpu.memory_space<semaphore_mem>>) {add = true}
        } else {
        }
        %add3A_93 = arith.constant 2 : i32
        %add3A_94 = arith.addi %add3A_87, %add3A_93 : i32
        %lt3A_95 = arith.constant 31 : i32
        %lt3A_96 = arith.cmpi slt, %add3A_94, %lt3A_95 : i32
        %convert_element_type3A_97 = arith.extui %lt3A_96 : i1 to i32
        %cond3A_98 = arith.constant 0 : i32
        %cond3A_99 = arith.cmpi ne, %convert_element_type3A_97, %cond3A_98 : i32
        scf.if %cond3A_99 {
          %ge3A_132 = arith.constant 1 : i32
          %ge3A_133 = arith.cmpi sge, %add3A_87, %ge3A_132 : i32
          %convert_element_type3A_134 = arith.extui %ge3A_133 : i1 to i32
          %cond3A_135 = arith.constant 0 : i32
          %cond3A_136 = arith.cmpi ne, %convert_element_type3A_134, %cond3A_135 : i32
          scf.if %cond3A_136 {
            %sub3A = arith.constant 1 : i32
            %sub3A_145 = arith.subi %add3A_87, %sub3A : i32
            %mul3A_146 = arith.constant 320 : i32
            %mul3A_147 = arith.muli %sub3A_145, %mul3A_146 : i32
            %dma_wait3A_148 = tpu.memref_slice %arg7[%mul3A_147] : memref<10240xi32, #tpu.memory_space<vmem>> -> memref<320xi32, #tpu.memory_space<vmem>>
            %dma_wait3A_149 = arith.constant 0 : i32
            %dma_wait3A_150 = arith.constant 0 : i32
            %dma_wait3A_151 = tpu.memref_slice %arg11[%dma_wait3A_149, %dma_wait3A_150] : memref<10112x64xf32, #tpu.memory_space<vmem_shared>> -> memref<10112x64xf32, #tpu.memory_space<vmem_shared>>
            tpu.wait_indirect_dma semaphore(%arg19 : memref<!tpu.dma_semaphore, #tpu.memory_space<semaphore_mem>>) src(%arg10 : memref<320x64xf32, #tpu.memory_space<vmem>>) dst(%dma_wait3A_151 : memref<10112x64xf32, #tpu.memory_space<vmem_shared>>)
          } else {
          }
          %add3A_137 = arith.constant 2 : i32
          %add3A_138 = arith.addi %add3A_87, %add3A_137 : i32
          %mul3A_139 = arith.constant 320 : i32
          %mul3A_140 = arith.muli %add3A_138, %mul3A_139 : i32
          %dma_start3A_141 = tpu.memref_slice %arg6[%mul3A_140] : memref<10240xi32, #tpu.memory_space<vmem>> -> memref<320xi32, #tpu.memory_space<vmem>>
          %dma_start3A_142 = arith.constant 0 : i32
          %dma_start3A_143 = arith.constant 0 : i32
          %dma_start3A_144 = tpu.memref_slice %arg2[%dma_start3A_142, %dma_start3A_143] : memref<10000x64xf32, #tpu.memory_space<hbm>> -> memref<10000x64xf32, #tpu.memory_space<hbm>>
          tpu.enqueue_indirect_dma source(%dma_start3A_144 : memref<10000x64xf32, #tpu.memory_space<hbm>>) target(%arg10 : memref<320x64xf32, #tpu.memory_space<vmem>>) offsets(%dma_start3A_141 : memref<320xi32, #tpu.memory_space<vmem>>) semaphore(%arg16 : memref<!tpu.dma_semaphore, #tpu.memory_space<semaphore_mem>>)
        } else {
        }
        %mul3A_100 = arith.constant 3 : i32
        %mul3A_101 = arith.muli %scan3A_84, %mul3A_100 : i32
        %add3A_102 = arith.constant 1 : i32
        %add3A_103 = arith.addi %mul3A_101, %add3A_102 : i32
        %lt3A_104 = arith.constant 31 : i32
        %lt3A_105 = arith.cmpi slt, %add3A_103, %lt3A_104 : i32
        %convert_element_type3A_106 = arith.extui %lt3A_105 : i1 to i32
        %cond3A_107 = arith.constant 0 : i32
        %cond3A_108 = arith.cmpi ne, %convert_element_type3A_106, %cond3A_107 : i32
        scf.if %cond3A_108 {
          %mul3A_132 = arith.constant 320 : i32
          %mul3A_133 = arith.muli %add3A_103, %mul3A_132 : i32
          %dma_wait3A_134 = tpu.memref_slice %arg6[%mul3A_133] : memref<10240xi32, #tpu.memory_space<vmem>> -> memref<320xi32, #tpu.memory_space<vmem>>
          %dma_wait3A_135 = arith.constant 0 : i32
          %dma_wait3A_136 = arith.constant 0 : i32
          %dma_wait3A_137 = tpu.memref_slice %arg2[%dma_wait3A_135, %dma_wait3A_136] : memref<10000x64xf32, #tpu.memory_space<hbm>> -> memref<10000x64xf32, #tpu.memory_space<hbm>>
          tpu.wait_indirect_dma semaphore(%arg15 : memref<!tpu.dma_semaphore, #tpu.memory_space<semaphore_mem>>) src(%dma_wait3A_137 : memref<10000x64xf32, #tpu.memory_space<hbm>>) dst(%arg9 : memref<320x64xf32, #tpu.memory_space<vmem>>)
          %mul3A_138 = arith.constant 320 : i32
          %mul3A_139 = arith.muli %add3A_103, %mul3A_138 : i32
          %dma_start3A_140 = tpu.memref_slice %arg7[%mul3A_139] : memref<10240xi32, #tpu.memory_space<vmem>> -> memref<320xi32, #tpu.memory_space<vmem>>
          %dma_start3A_141 = arith.constant 0 : i32
          %dma_start3A_142 = arith.constant 0 : i32
          %dma_start3A_143 = tpu.memref_slice %arg11[%dma_start3A_141, %dma_start3A_142] : memref<10112x64xf32, #tpu.memory_space<vmem_shared>> -> memref<10112x64xf32, #tpu.memory_space<vmem_shared>>
          tpu.enqueue_indirect_dma source(%arg9 : memref<320x64xf32, #tpu.memory_space<vmem>>) target(%dma_start3A_143 : memref<10112x64xf32, #tpu.memory_space<vmem_shared>>) offsets(%dma_start3A_140 : memref<320xi32, #tpu.memory_space<vmem>>) semaphore(%arg18 : memref<!tpu.dma_semaphore, #tpu.memory_space<semaphore_mem>>) {add = true}
        } else {
        }
        %add3A_109 = arith.constant 2 : i32
        %add3A_110 = arith.addi %add3A_103, %add3A_109 : i32
        %lt3A_111 = arith.constant 31 : i32
        %lt3A_112 = arith.cmpi slt, %add3A_110, %lt3A_111 : i32
        %convert_element_type3A_113 = arith.extui %lt3A_112 : i1 to i32
        %cond3A_114 = arith.constant 0 : i32
        %cond3A_115 = arith.cmpi ne, %convert_element_type3A_113, %cond3A_114 : i32
        scf.if %cond3A_115 {
          %ge3A_132 = arith.constant 1 : i32
          %ge3A_133 = arith.cmpi sge, %add3A_103, %ge3A_132 : i32
          %convert_element_type3A_134 = arith.extui %ge3A_133 : i1 to i32
          %cond3A_135 = arith.constant 0 : i32
          %cond3A_136 = arith.cmpi ne, %convert_element_type3A_134, %cond3A_135 : i32
          scf.if %cond3A_136 {
            %sub3A = arith.constant 1 : i32
            %sub3A_145 = arith.subi %add3A_103, %sub3A : i32
            %mul3A_146 = arith.constant 320 : i32
            %mul3A_147 = arith.muli %sub3A_145, %mul3A_146 : i32
            %dma_wait3A_148 = tpu.memref_slice %arg7[%mul3A_147] : memref<10240xi32, #tpu.memory_space<vmem>> -> memref<320xi32, #tpu.memory_space<vmem>>
            %dma_wait3A_149 = arith.constant 0 : i32
            %dma_wait3A_150 = arith.constant 0 : i32
            %dma_wait3A_151 = tpu.memref_slice %arg11[%dma_wait3A_149, %dma_wait3A_150] : memref<10112x64xf32, #tpu.memory_space<vmem_shared>> -> memref<10112x64xf32, #tpu.memory_space<vmem_shared>>
            tpu.wait_indirect_dma semaphore(%arg17 : memref<!tpu.dma_semaphore, #tpu.memory_space<semaphore_mem>>) src(%arg8 : memref<320x64xf32, #tpu.memory_space<vmem>>) dst(%dma_wait3A_151 : memref<10112x64xf32, #tpu.memory_space<vmem_shared>>)
          } else {
          }
          %add3A_137 = arith.constant 2 : i32
          %add3A_138 = arith.addi %add3A_103, %add3A_137 : i32
          %mul3A_139 = arith.constant 320 : i32
          %mul3A_140 = arith.muli %add3A_138, %mul3A_139 : i32
          %dma_start3A_141 = tpu.memref_slice %arg6[%mul3A_140] : memref<10240xi32, #tpu.memory_space<vmem>> -> memref<320xi32, #tpu.memory_space<vmem>>
          %dma_start3A_142 = arith.constant 0 : i32
          %dma_start3A_143 = arith.constant 0 : i32
          %dma_start3A_144 = tpu.memref_slice %arg2[%dma_start3A_142, %dma_start3A_143] : memref<10000x64xf32, #tpu.memory_space<hbm>> -> memref<10000x64xf32, #tpu.memory_space<hbm>>
          tpu.enqueue_indirect_dma source(%dma_start3A_144 : memref<10000x64xf32, #tpu.memory_space<hbm>>) target(%arg8 : memref<320x64xf32, #tpu.memory_space<vmem>>) offsets(%dma_start3A_141 : memref<320xi32, #tpu.memory_space<vmem>>) semaphore(%arg14 : memref<!tpu.dma_semaphore, #tpu.memory_space<semaphore_mem>>)
        } else {
        }
        %mul3A_116 = arith.constant 3 : i32
        %mul3A_117 = arith.muli %scan3A_84, %mul3A_116 : i32
        %add3A_118 = arith.constant 2 : i32
        %add3A_119 = arith.addi %mul3A_117, %add3A_118 : i32
        %lt3A_120 = arith.constant 31 : i32
        %lt3A_121 = arith.cmpi slt, %add3A_119, %lt3A_120 : i32
        %convert_element_type3A_122 = arith.extui %lt3A_121 : i1 to i32
        %cond3A_123 = arith.constant 0 : i32
        %cond3A_124 = arith.cmpi ne, %convert_element_type3A_122, %cond3A_123 : i32
        scf.if %cond3A_124 {
          %mul3A_132 = arith.constant 320 : i32
          %mul3A_133 = arith.muli %add3A_119, %mul3A_132 : i32
          %dma_wait3A_134 = tpu.memref_slice %arg6[%mul3A_133] : memref<10240xi32, #tpu.memory_space<vmem>> -> memref<320xi32, #tpu.memory_space<vmem>>
          %dma_wait3A_135 = arith.constant 0 : i32
          %dma_wait3A_136 = arith.constant 0 : i32
          %dma_wait3A_137 = tpu.memref_slice %arg2[%dma_wait3A_135, %dma_wait3A_136] : memref<10000x64xf32, #tpu.memory_space<hbm>> -> memref<10000x64xf32, #tpu.memory_space<hbm>>
          tpu.wait_indirect_dma semaphore(%arg16 : memref<!tpu.dma_semaphore, #tpu.memory_space<semaphore_mem>>) src(%dma_wait3A_137 : memref<10000x64xf32, #tpu.memory_space<hbm>>) dst(%arg10 : memref<320x64xf32, #tpu.memory_space<vmem>>)
          %mul3A_138 = arith.constant 320 : i32
          %mul3A_139 = arith.muli %add3A_119, %mul3A_138 : i32
          %dma_start3A_140 = tpu.memref_slice %arg7[%mul3A_139] : memref<10240xi32, #tpu.memory_space<vmem>> -> memref<320xi32, #tpu.memory_space<vmem>>
          %dma_start3A_141 = arith.constant 0 : i32
          %dma_start3A_142 = arith.constant 0 : i32
          %dma_start3A_143 = tpu.memref_slice %arg11[%dma_start3A_141, %dma_start3A_142] : memref<10112x64xf32, #tpu.memory_space<vmem_shared>> -> memref<10112x64xf32, #tpu.memory_space<vmem_shared>>
          tpu.enqueue_indirect_dma source(%arg10 : memref<320x64xf32, #tpu.memory_space<vmem>>) target(%dma_start3A_143 : memref<10112x64xf32, #tpu.memory_space<vmem_shared>>) offsets(%dma_start3A_140 : memref<320xi32, #tpu.memory_space<vmem>>) semaphore(%arg19 : memref<!tpu.dma_semaphore, #tpu.memory_space<semaphore_mem>>) {add = true}
        } else {
        }
        %add3A_125 = arith.constant 2 : i32
        %add3A_126 = arith.addi %add3A_119, %add3A_125 : i32
        %lt3A_127 = arith.constant 31 : i32
        %lt3A_128 = arith.cmpi slt, %add3A_126, %lt3A_127 : i32
        %convert_element_type3A_129 = arith.extui %lt3A_128 : i1 to i32
        %cond3A_130 = arith.constant 0 : i32
        %cond3A_131 = arith.cmpi ne, %convert_element_type3A_129, %cond3A_130 : i32
        scf.if %cond3A_131 {
          %ge3A_132 = arith.constant 1 : i32
          %ge3A_133 = arith.cmpi sge, %add3A_119, %ge3A_132 : i32
          %convert_element_type3A_134 = arith.extui %ge3A_133 : i1 to i32
          %cond3A_135 = arith.constant 0 : i32
          %cond3A_136 = arith.cmpi ne, %convert_element_type3A_134, %cond3A_135 : i32
          scf.if %cond3A_136 {
            %sub3A = arith.constant 1 : i32
            %sub3A_145 = arith.subi %add3A_119, %sub3A : i32
            %mul3A_146 = arith.constant 320 : i32
            %mul3A_147 = arith.muli %sub3A_145, %mul3A_146 : i32
            %dma_wait3A_148 = tpu.memref_slice %arg7[%mul3A_147] : memref<10240xi32, #tpu.memory_space<vmem>> -> memref<320xi32, #tpu.memory_space<vmem>>
            %dma_wait3A_149 = arith.constant 0 : i32
            %dma_wait3A_150 = arith.constant 0 : i32
            %dma_wait3A_151 = tpu.memref_slice %arg11[%dma_wait3A_149, %dma_wait3A_150] : memref<10112x64xf32, #tpu.memory_space<vmem_shared>> -> memref<10112x64xf32, #tpu.memory_space<vmem_shared>>
            tpu.wait_indirect_dma semaphore(%arg18 : memref<!tpu.dma_semaphore, #tpu.memory_space<semaphore_mem>>) src(%arg9 : memref<320x64xf32, #tpu.memory_space<vmem>>) dst(%dma_wait3A_151 : memref<10112x64xf32, #tpu.memory_space<vmem_shared>>)
          } else {
          }
          %add3A_137 = arith.constant 2 : i32
          %add3A_138 = arith.addi %add3A_119, %add3A_137 : i32
          %mul3A_139 = arith.constant 320 : i32
          %mul3A_140 = arith.muli %add3A_138, %mul3A_139 : i32
          %dma_start3A_141 = tpu.memref_slice %arg6[%mul3A_140] : memref<10240xi32, #tpu.memory_space<vmem>> -> memref<320xi32, #tpu.memory_space<vmem>>
          %dma_start3A_142 = arith.constant 0 : i32
          %dma_start3A_143 = arith.constant 0 : i32
          %dma_start3A_144 = tpu.memref_slice %arg2[%dma_start3A_142, %dma_start3A_143] : memref<10000x64xf32, #tpu.memory_space<hbm>> -> memref<10000x64xf32, #tpu.memory_space<hbm>>
          tpu.enqueue_indirect_dma source(%dma_start3A_144 : memref<10000x64xf32, #tpu.memory_space<hbm>>) target(%arg9 : memref<320x64xf32, #tpu.memory_space<vmem>>) offsets(%dma_start3A_141 : memref<320xi32, #tpu.memory_space<vmem>>) semaphore(%arg15 : memref<!tpu.dma_semaphore, #tpu.memory_space<semaphore_mem>>)
        } else {
        }
      }
      %scan3A_68 = arith.constant 11 : i32
      %dma_wait3A_69 = arith.constant 9600 : i32
      %dma_wait3A_70 = tpu.memref_slice %arg7[%dma_wait3A_69] : memref<10240xi32, #tpu.memory_space<vmem>> -> memref<320xi32, #tpu.memory_space<vmem>>
      %dma_wait3A_71 = arith.constant 0 : i32
      %dma_wait3A_72 = arith.constant 0 : i32
      %dma_wait3A_73 = tpu.memref_slice %arg11[%dma_wait3A_71, %dma_wait3A_72] : memref<10112x64xf32, #tpu.memory_space<vmem_shared>> -> memref<10112x64xf32, #tpu.memory_space<vmem_shared>>
      tpu.wait_indirect_dma semaphore(%arg17 : memref<!tpu.dma_semaphore, #tpu.memory_space<semaphore_mem>>) src(%arg8 : memref<320x64xf32, #tpu.memory_space<vmem>>) dst(%dma_wait3A_73 : memref<10112x64xf32, #tpu.memory_space<vmem_shared>>)
      %dma_wait3A_74 = arith.constant 9280 : i32
      %dma_wait3A_75 = tpu.memref_slice %arg7[%dma_wait3A_74] : memref<10240xi32, #tpu.memory_space<vmem>> -> memref<320xi32, #tpu.memory_space<vmem>>
      %dma_wait3A_76 = arith.constant 0 : i32
      %dma_wait3A_77 = arith.constant 0 : i32
      %dma_wait3A_78 = tpu.memref_slice %arg11[%dma_wait3A_76, %dma_wait3A_77] : memref<10112x64xf32, #tpu.memory_space<vmem_shared>> -> memref<10112x64xf32, #tpu.memory_space<vmem_shared>>
      tpu.wait_indirect_dma semaphore(%arg19 : memref<!tpu.dma_semaphore, #tpu.memory_space<semaphore_mem>>) src(%arg10 : memref<320x64xf32, #tpu.memory_space<vmem>>) dst(%dma_wait3A_78 : memref<10112x64xf32, #tpu.memory_space<vmem_shared>>)
      %dma_wait3A_79 = arith.constant 8960 : i32
      %dma_wait3A_80 = tpu.memref_slice %arg7[%dma_wait3A_79] : memref<10240xi32, #tpu.memory_space<vmem>> -> memref<320xi32, #tpu.memory_space<vmem>>
      %dma_wait3A_81 = arith.constant 0 : i32
      %dma_wait3A_82 = arith.constant 0 : i32
      %dma_wait3A_83 = tpu.memref_slice %arg11[%dma_wait3A_81, %dma_wait3A_82] : memref<10112x64xf32, #tpu.memory_space<vmem_shared>> -> memref<10112x64xf32, #tpu.memory_space<vmem_shared>>
      tpu.wait_indirect_dma semaphore(%arg18 : memref<!tpu.dma_semaphore, #tpu.memory_space<semaphore_mem>>) src(%arg9 : memref<320x64xf32, #tpu.memory_space<vmem>>) dst(%dma_wait3A_83 : memref<10112x64xf32, #tpu.memory_space<vmem_shared>>)
    } else {
    }
    %eq3A_33 = arith.constant 1 : i32
    %eq3A_34 = arith.cmpi eq, %arg0, %eq3A_33 : i32
    %lt3A_35 = arith.constant 8 : i32
    %lt3A_36 = arith.cmpi slt, %arg1, %lt3A_35 : i32
    %and3A_37 = arith.andi %eq3A_34, %lt3A_36 : i1
    %convert_element_type3A_38 = arith.extui %and3A_37 : i1 to i32
    %cond3A_39 = arith.constant 0 : i32
    %cond3A_40 = arith.cmpi ne, %convert_element_type3A_38, %cond3A_39 : i32
    scf.if %cond3A_40 {
      %dma_start3A_54 = arith.constant 0 : i32
      %dma_start3A_55 = tpu.memref_slice %arg6[%dma_start3A_54] : memref<10240xi32, #tpu.memory_space<vmem>> -> memref<320xi32, #tpu.memory_space<vmem>>
      %dma_start3A_56 = arith.constant 0 : i32
      %dma_start3A_57 = arith.constant 0 : i32
      %dma_start3A_58 = tpu.memref_slice %arg2[%dma_start3A_56, %dma_start3A_57] : memref<10000x64xf32, #tpu.memory_space<hbm>> -> memref<10000x64xf32, #tpu.memory_space<hbm>>
      tpu.enqueue_indirect_dma source(%dma_start3A_58 : memref<10000x64xf32, #tpu.memory_space<hbm>>) target(%arg8 : memref<320x64xf32, #tpu.memory_space<vmem>>) offsets(%dma_start3A_55 : memref<320xi32, #tpu.memory_space<vmem>>) semaphore(%arg14 : memref<!tpu.dma_semaphore, #tpu.memory_space<semaphore_mem>>)
      %dma_start3A_59 = arith.constant 320 : i32
      %dma_start3A_60 = tpu.memref_slice %arg6[%dma_start3A_59] : memref<10240xi32, #tpu.memory_space<vmem>> -> memref<320xi32, #tpu.memory_space<vmem>>
      %dma_start3A_61 = arith.constant 0 : i32
      %dma_start3A_62 = arith.constant 0 : i32
      %dma_start3A_63 = tpu.memref_slice %arg2[%dma_start3A_61, %dma_start3A_62] : memref<10000x64xf32, #tpu.memory_space<hbm>> -> memref<10000x64xf32, #tpu.memory_space<hbm>>
      tpu.enqueue_indirect_dma source(%dma_start3A_63 : memref<10000x64xf32, #tpu.memory_space<hbm>>) target(%arg9 : memref<320x64xf32, #tpu.memory_space<vmem>>) offsets(%dma_start3A_60 : memref<320xi32, #tpu.memory_space<vmem>>) semaphore(%arg15 : memref<!tpu.dma_semaphore, #tpu.memory_space<semaphore_mem>>)
      %scan3A = arith.constant 0 : i32
      %scan3A_64 = arith.constant 0 : i32
      %scan3A_65 = arith.constant 11 : i32
      %scan3A_66 = arith.addi %scan3A_64, %scan3A_65 : i32
      %scan3A_67 = arith.constant 1 : i32
      scf.for %scan3A_84 = %scan3A_64 to %scan3A_66 step %scan3A_67  : i32 {
        %mul3A_85 = arith.constant 3 : i32
        %mul3A_86 = arith.muli %scan3A_84, %mul3A_85 : i32
        %add3A = arith.constant 0 : i32
        %add3A_87 = arith.addi %mul3A_86, %add3A : i32
        %lt3A_88 = arith.constant 32 : i32
        %lt3A_89 = arith.cmpi slt, %add3A_87, %lt3A_88 : i32
        %convert_element_type3A_90 = arith.extui %lt3A_89 : i1 to i32
        %cond3A_91 = arith.constant 0 : i32
        %cond3A_92 = arith.cmpi ne, %convert_element_type3A_90, %cond3A_91 : i32
        scf.if %cond3A_92 {
          %mul3A_132 = arith.constant 320 : i32
          %mul3A_133 = arith.muli %add3A_87, %mul3A_132 : i32
          %dma_wait3A_134 = tpu.memref_slice %arg6[%mul3A_133] : memref<10240xi32, #tpu.memory_space<vmem>> -> memref<320xi32, #tpu.memory_space<vmem>>
          %dma_wait3A_135 = arith.constant 0 : i32
          %dma_wait3A_136 = arith.constant 0 : i32
          %dma_wait3A_137 = tpu.memref_slice %arg2[%dma_wait3A_135, %dma_wait3A_136] : memref<10000x64xf32, #tpu.memory_space<hbm>> -> memref<10000x64xf32, #tpu.memory_space<hbm>>
          tpu.wait_indirect_dma semaphore(%arg14 : memref<!tpu.dma_semaphore, #tpu.memory_space<semaphore_mem>>) src(%dma_wait3A_137 : memref<10000x64xf32, #tpu.memory_space<hbm>>) dst(%arg8 : memref<320x64xf32, #tpu.memory_space<vmem>>)
          %mul3A_138 = arith.constant 320 : i32
          %mul3A_139 = arith.muli %add3A_87, %mul3A_138 : i32
          %dma_start3A_140 = tpu.memref_slice %arg7[%mul3A_139] : memref<10240xi32, #tpu.memory_space<vmem>> -> memref<320xi32, #tpu.memory_space<vmem>>
          %dma_start3A_141 = arith.constant 0 : i32
          %dma_start3A_142 = arith.constant 0 : i32
          %dma_start3A_143 = tpu.memref_slice %arg11[%dma_start3A_141, %dma_start3A_142] : memref<10112x64xf32, #tpu.memory_space<vmem_shared>> -> memref<10112x64xf32, #tpu.memory_space<vmem_shared>>
          tpu.enqueue_indirect_dma source(%arg8 : memref<320x64xf32, #tpu.memory_space<vmem>>) target(%dma_start3A_143 : memref<10112x64xf32, #tpu.memory_space<vmem_shared>>) offsets(%dma_start3A_140 : memref<320xi32, #tpu.memory_space<vmem>>) semaphore(%arg17 : memref<!tpu.dma_semaphore, #tpu.memory_space<semaphore_mem>>) {add = true}
        } else {
        }
        %add3A_93 = arith.constant 2 : i32
        %add3A_94 = arith.addi %add3A_87, %add3A_93 : i32
        %lt3A_95 = arith.constant 32 : i32
        %lt3A_96 = arith.cmpi slt, %add3A_94, %lt3A_95 : i32
        %convert_element_type3A_97 = arith.extui %lt3A_96 : i1 to i32
        %cond3A_98 = arith.constant 0 : i32
        %cond3A_99 = arith.cmpi ne, %convert_element_type3A_97, %cond3A_98 : i32
        scf.if %cond3A_99 {
          %ge3A_132 = arith.constant 1 : i32
          %ge3A_133 = arith.cmpi sge, %add3A_87, %ge3A_132 : i32
          %convert_element_type3A_134 = arith.extui %ge3A_133 : i1 to i32
          %cond3A_135 = arith.constant 0 : i32
          %cond3A_136 = arith.cmpi ne, %convert_element_type3A_134, %cond3A_135 : i32
          scf.if %cond3A_136 {
            %sub3A = arith.constant 1 : i32
            %sub3A_145 = arith.subi %add3A_87, %sub3A : i32
            %mul3A_146 = arith.constant 320 : i32
            %mul3A_147 = arith.muli %sub3A_145, %mul3A_146 : i32
            %dma_wait3A_148 = tpu.memref_slice %arg7[%mul3A_147] : memref<10240xi32, #tpu.memory_space<vmem>> -> memref<320xi32, #tpu.memory_space<vmem>>
            %dma_wait3A_149 = arith.constant 0 : i32
            %dma_wait3A_150 = arith.constant 0 : i32
            %dma_wait3A_151 = tpu.memref_slice %arg11[%dma_wait3A_149, %dma_wait3A_150] : memref<10112x64xf32, #tpu.memory_space<vmem_shared>> -> memref<10112x64xf32, #tpu.memory_space<vmem_shared>>
            tpu.wait_indirect_dma semaphore(%arg19 : memref<!tpu.dma_semaphore, #tpu.memory_space<semaphore_mem>>) src(%arg10 : memref<320x64xf32, #tpu.memory_space<vmem>>) dst(%dma_wait3A_151 : memref<10112x64xf32, #tpu.memory_space<vmem_shared>>)
          } else {
          }
          %add3A_137 = arith.constant 2 : i32
          %add3A_138 = arith.addi %add3A_87, %add3A_137 : i32
          %mul3A_139 = arith.constant 320 : i32
          %mul3A_140 = arith.muli %add3A_138, %mul3A_139 : i32
          %dma_start3A_141 = tpu.memref_slice %arg6[%mul3A_140] : memref<10240xi32, #tpu.memory_space<vmem>> -> memref<320xi32, #tpu.memory_space<vmem>>
          %dma_start3A_142 = arith.constant 0 : i32
          %dma_start3A_143 = arith.constant 0 : i32
          %dma_start3A_144 = tpu.memref_slice %arg2[%dma_start3A_142, %dma_start3A_143] : memref<10000x64xf32, #tpu.memory_space<hbm>> -> memref<10000x64xf32, #tpu.memory_space<hbm>>
          tpu.enqueue_indirect_dma source(%dma_start3A_144 : memref<10000x64xf32, #tpu.memory_space<hbm>>) target(%arg10 : memref<320x64xf32, #tpu.memory_space<vmem>>) offsets(%dma_start3A_141 : memref<320xi32, #tpu.memory_space<vmem>>) semaphore(%arg16 : memref<!tpu.dma_semaphore, #tpu.memory_space<semaphore_mem>>)
        } else {
        }
        %mul3A_100 = arith.constant 3 : i32
        %mul3A_101 = arith.muli %scan3A_84, %mul3A_100 : i32
        %add3A_102 = arith.constant 1 : i32
        %add3A_103 = arith.addi %mul3A_101, %add3A_102 : i32
        %lt3A_104 = arith.constant 32 : i32
        %lt3A_105 = arith.cmpi slt, %add3A_103, %lt3A_104 : i32
        %convert_element_type3A_106 = arith.extui %lt3A_105 : i1 to i32
        %cond3A_107 = arith.constant 0 : i32
        %cond3A_108 = arith.cmpi ne, %convert_element_type3A_106, %cond3A_107 : i32
        scf.if %cond3A_108 {
          %mul3A_132 = arith.constant 320 : i32
          %mul3A_133 = arith.muli %add3A_103, %mul3A_132 : i32
          %dma_wait3A_134 = tpu.memref_slice %arg6[%mul3A_133] : memref<10240xi32, #tpu.memory_space<vmem>> -> memref<320xi32, #tpu.memory_space<vmem>>
          %dma_wait3A_135 = arith.constant 0 : i32
          %dma_wait3A_136 = arith.constant 0 : i32
          %dma_wait3A_137 = tpu.memref_slice %arg2[%dma_wait3A_135, %dma_wait3A_136] : memref<10000x64xf32, #tpu.memory_space<hbm>> -> memref<10000x64xf32, #tpu.memory_space<hbm>>
          tpu.wait_indirect_dma semaphore(%arg15 : memref<!tpu.dma_semaphore, #tpu.memory_space<semaphore_mem>>) src(%dma_wait3A_137 : memref<10000x64xf32, #tpu.memory_space<hbm>>) dst(%arg9 : memref<320x64xf32, #tpu.memory_space<vmem>>)
          %mul3A_138 = arith.constant 320 : i32
          %mul3A_139 = arith.muli %add3A_103, %mul3A_138 : i32
          %dma_start3A_140 = tpu.memref_slice %arg7[%mul3A_139] : memref<10240xi32, #tpu.memory_space<vmem>> -> memref<320xi32, #tpu.memory_space<vmem>>
          %dma_start3A_141 = arith.constant 0 : i32
          %dma_start3A_142 = arith.constant 0 : i32
          %dma_start3A_143 = tpu.memref_slice %arg11[%dma_start3A_141, %dma_start3A_142] : memref<10112x64xf32, #tpu.memory_space<vmem_shared>> -> memref<10112x64xf32, #tpu.memory_space<vmem_shared>>
          tpu.enqueue_indirect_dma source(%arg9 : memref<320x64xf32, #tpu.memory_space<vmem>>) target(%dma_start3A_143 : memref<10112x64xf32, #tpu.memory_space<vmem_shared>>) offsets(%dma_start3A_140 : memref<320xi32, #tpu.memory_space<vmem>>) semaphore(%arg18 : memref<!tpu.dma_semaphore, #tpu.memory_space<semaphore_mem>>) {add = true}
        } else {
        }
        %add3A_109 = arith.constant 2 : i32
        %add3A_110 = arith.addi %add3A_103, %add3A_109 : i32
        %lt3A_111 = arith.constant 32 : i32
        %lt3A_112 = arith.cmpi slt, %add3A_110, %lt3A_111 : i32
        %convert_element_type3A_113 = arith.extui %lt3A_112 : i1 to i32
        %cond3A_114 = arith.constant 0 : i32
        %cond3A_115 = arith.cmpi ne, %convert_element_type3A_113, %cond3A_114 : i32
        scf.if %cond3A_115 {
          %ge3A_132 = arith.constant 1 : i32
          %ge3A_133 = arith.cmpi sge, %add3A_103, %ge3A_132 : i32
          %convert_element_type3A_134 = arith.extui %ge3A_133 : i1 to i32
          %cond3A_135 = arith.constant 0 : i32
          %cond3A_136 = arith.cmpi ne, %convert_element_type3A_134, %cond3A_135 : i32
          scf.if %cond3A_136 {
            %sub3A = arith.constant 1 : i32
            %sub3A_145 = arith.subi %add3A_103, %sub3A : i32
            %mul3A_146 = arith.constant 320 : i32
            %mul3A_147 = arith.muli %sub3A_145, %mul3A_146 : i32
            %dma_wait3A_148 = tpu.memref_slice %arg7[%mul3A_147] : memref<10240xi32, #tpu.memory_space<vmem>> -> memref<320xi32, #tpu.memory_space<vmem>>
            %dma_wait3A_149 = arith.constant 0 : i32
            %dma_wait3A_150 = arith.constant 0 : i32
            %dma_wait3A_151 = tpu.memref_slice %arg11[%dma_wait3A_149, %dma_wait3A_150] : memref<10112x64xf32, #tpu.memory_space<vmem_shared>> -> memref<10112x64xf32, #tpu.memory_space<vmem_shared>>
            tpu.wait_indirect_dma semaphore(%arg17 : memref<!tpu.dma_semaphore, #tpu.memory_space<semaphore_mem>>) src(%arg8 : memref<320x64xf32, #tpu.memory_space<vmem>>) dst(%dma_wait3A_151 : memref<10112x64xf32, #tpu.memory_space<vmem_shared>>)
          } else {
          }
          %add3A_137 = arith.constant 2 : i32
          %add3A_138 = arith.addi %add3A_103, %add3A_137 : i32
          %mul3A_139 = arith.constant 320 : i32
          %mul3A_140 = arith.muli %add3A_138, %mul3A_139 : i32
          %dma_start3A_141 = tpu.memref_slice %arg6[%mul3A_140] : memref<10240xi32, #tpu.memory_space<vmem>> -> memref<320xi32, #tpu.memory_space<vmem>>
          %dma_start3A_142 = arith.constant 0 : i32
          %dma_start3A_143 = arith.constant 0 : i32
          %dma_start3A_144 = tpu.memref_slice %arg2[%dma_start3A_142, %dma_start3A_143] : memref<10000x64xf32, #tpu.memory_space<hbm>> -> memref<10000x64xf32, #tpu.memory_space<hbm>>
          tpu.enqueue_indirect_dma source(%dma_start3A_144 : memref<10000x64xf32, #tpu.memory_space<hbm>>) target(%arg8 : memref<320x64xf32, #tpu.memory_space<vmem>>) offsets(%dma_start3A_141 : memref<320xi32, #tpu.memory_space<vmem>>) semaphore(%arg14 : memref<!tpu.dma_semaphore, #tpu.memory_space<semaphore_mem>>)
        } else {
        }
        %mul3A_116 = arith.constant 3 : i32
        %mul3A_117 = arith.muli %scan3A_84, %mul3A_116 : i32
        %add3A_118 = arith.constant 2 : i32
        %add3A_119 = arith.addi %mul3A_117, %add3A_118 : i32
        %lt3A_120 = arith.constant 32 : i32
        %lt3A_121 = arith.cmpi slt, %add3A_119, %lt3A_120 : i32
        %convert_element_type3A_122 = arith.extui %lt3A_121 : i1 to i32
        %cond3A_123 = arith.constant 0 : i32
        %cond3A_124 = arith.cmpi ne, %convert_element_type3A_122, %cond3A_123 : i32
        scf.if %cond3A_124 {
          %mul3A_132 = arith.constant 320 : i32
          %mul3A_133 = arith.muli %add3A_119, %mul3A_132 : i32
          %dma_wait3A_134 = tpu.memref_slice %arg6[%mul3A_133] : memref<10240xi32, #tpu.memory_space<vmem>> -> memref<320xi32, #tpu.memory_space<vmem>>
          %dma_wait3A_135 = arith.constant 0 : i32
          %dma_wait3A_136 = arith.constant 0 : i32
          %dma_wait3A_137 = tpu.memref_slice %arg2[%dma_wait3A_135, %dma_wait3A_136] : memref<10000x64xf32, #tpu.memory_space<hbm>> -> memref<10000x64xf32, #tpu.memory_space<hbm>>
          tpu.wait_indirect_dma semaphore(%arg16 : memref<!tpu.dma_semaphore, #tpu.memory_space<semaphore_mem>>) src(%dma_wait3A_137 : memref<10000x64xf32, #tpu.memory_space<hbm>>) dst(%arg10 : memref<320x64xf32, #tpu.memory_space<vmem>>)
          %mul3A_138 = arith.constant 320 : i32
          %mul3A_139 = arith.muli %add3A_119, %mul3A_138 : i32
          %dma_start3A_140 = tpu.memref_slice %arg7[%mul3A_139] : memref<10240xi32, #tpu.memory_space<vmem>> -> memref<320xi32, #tpu.memory_space<vmem>>
          %dma_start3A_141 = arith.constant 0 : i32
          %dma_start3A_142 = arith.constant 0 : i32
          %dma_start3A_143 = tpu.memref_slice %arg11[%dma_start3A_141, %dma_start3A_142] : memref<10112x64xf32, #tpu.memory_space<vmem_shared>> -> memref<10112x64xf32, #tpu.memory_space<vmem_shared>>
          tpu.enqueue_indirect_dma source(%arg10 : memref<320x64xf32, #tpu.memory_space<vmem>>) target(%dma_start3A_143 : memref<10112x64xf32, #tpu.memory_space<vmem_shared>>) offsets(%dma_start3A_140 : memref<320xi32, #tpu.memory_space<vmem>>) semaphore(%arg19 : memref<!tpu.dma_semaphore, #tpu.memory_space<semaphore_mem>>) {add = true}
        } else {
        }
        %add3A_125 = arith.constant 2 : i32
        %add3A_126 = arith.addi %add3A_119, %add3A_125 : i32
        %lt3A_127 = arith.constant 32 : i32
        %lt3A_128 = arith.cmpi slt, %add3A_126, %lt3A_127 : i32
        %convert_element_type3A_129 = arith.extui %lt3A_128 : i1 to i32
        %cond3A_130 = arith.constant 0 : i32
        %cond3A_131 = arith.cmpi ne, %convert_element_type3A_129, %cond3A_130 : i32
        scf.if %cond3A_131 {
          %ge3A_132 = arith.constant 1 : i32
          %ge3A_133 = arith.cmpi sge, %add3A_119, %ge3A_132 : i32
          %convert_element_type3A_134 = arith.extui %ge3A_133 : i1 to i32
          %cond3A_135 = arith.constant 0 : i32
          %cond3A_136 = arith.cmpi ne, %convert_element_type3A_134, %cond3A_135 : i32
          scf.if %cond3A_136 {
            %sub3A = arith.constant 1 : i32
            %sub3A_145 = arith.subi %add3A_119, %sub3A : i32
            %mul3A_146 = arith.constant 320 : i32
            %mul3A_147 = arith.muli %sub3A_145, %mul3A_146 : i32
            %dma_wait3A_148 = tpu.memref_slice %arg7[%mul3A_147] : memref<10240xi32, #tpu.memory_space<vmem>> -> memref<320xi32, #tpu.memory_space<vmem>>
            %dma_wait3A_149 = arith.constant 0 : i32
            %dma_wait3A_150 = arith.constant 0 : i32
            %dma_wait3A_151 = tpu.memref_slice %arg11[%dma_wait3A_149, %dma_wait3A_150] : memref<10112x64xf32, #tpu.memory_space<vmem_shared>> -> memref<10112x64xf32, #tpu.memory_space<vmem_shared>>
            tpu.wait_indirect_dma semaphore(%arg18 : memref<!tpu.dma_semaphore, #tpu.memory_space<semaphore_mem>>) src(%arg9 : memref<320x64xf32, #tpu.memory_space<vmem>>) dst(%dma_wait3A_151 : memref<10112x64xf32, #tpu.memory_space<vmem_shared>>)
          } else {
          }
          %add3A_137 = arith.constant 2 : i32
          %add3A_138 = arith.addi %add3A_119, %add3A_137 : i32
          %mul3A_139 = arith.constant 320 : i32
          %mul3A_140 = arith.muli %add3A_138, %mul3A_139 : i32
          %dma_start3A_141 = tpu.memref_slice %arg6[%mul3A_140] : memref<10240xi32, #tpu.memory_space<vmem>> -> memref<320xi32, #tpu.memory_space<vmem>>
          %dma_start3A_142 = arith.constant 0 : i32
          %dma_start3A_143 = arith.constant 0 : i32
          %dma_start3A_144 = tpu.memref_slice %arg2[%dma_start3A_142, %dma_start3A_143] : memref<10000x64xf32, #tpu.memory_space<hbm>> -> memref<10000x64xf32, #tpu.memory_space<hbm>>
          tpu.enqueue_indirect_dma source(%dma_start3A_144 : memref<10000x64xf32, #tpu.memory_space<hbm>>) target(%arg9 : memref<320x64xf32, #tpu.memory_space<vmem>>) offsets(%dma_start3A_141 : memref<320xi32, #tpu.memory_space<vmem>>) semaphore(%arg15 : memref<!tpu.dma_semaphore, #tpu.memory_space<semaphore_mem>>)
        } else {
        }
      }
      %scan3A_68 = arith.constant 11 : i32
      %dma_wait3A_69 = arith.constant 9920 : i32
      %dma_wait3A_70 = tpu.memref_slice %arg7[%dma_wait3A_69] : memref<10240xi32, #tpu.memory_space<vmem>> -> memref<320xi32, #tpu.memory_space<vmem>>
      %dma_wait3A_71 = arith.constant 0 : i32
      %dma_wait3A_72 = arith.constant 0 : i32
      %dma_wait3A_73 = tpu.memref_slice %arg11[%dma_wait3A_71, %dma_wait3A_72] : memref<10112x64xf32, #tpu.memory_space<vmem_shared>> -> memref<10112x64xf32, #tpu.memory_space<vmem_shared>>
      tpu.wait_indirect_dma semaphore(%arg18 : memref<!tpu.dma_semaphore, #tpu.memory_space<semaphore_mem>>) src(%arg9 : memref<320x64xf32, #tpu.memory_space<vmem>>) dst(%dma_wait3A_73 : memref<10112x64xf32, #tpu.memory_space<vmem_shared>>)
      %dma_wait3A_74 = arith.constant 9600 : i32
      %dma_wait3A_75 = tpu.memref_slice %arg7[%dma_wait3A_74] : memref<10240xi32, #tpu.memory_space<vmem>> -> memref<320xi32, #tpu.memory_space<vmem>>
      %dma_wait3A_76 = arith.constant 0 : i32
      %dma_wait3A_77 = arith.constant 0 : i32
      %dma_wait3A_78 = tpu.memref_slice %arg11[%dma_wait3A_76, %dma_wait3A_77] : memref<10112x64xf32, #tpu.memory_space<vmem_shared>> -> memref<10112x64xf32, #tpu.memory_space<vmem_shared>>
      tpu.wait_indirect_dma semaphore(%arg17 : memref<!tpu.dma_semaphore, #tpu.memory_space<semaphore_mem>>) src(%arg8 : memref<320x64xf32, #tpu.memory_space<vmem>>) dst(%dma_wait3A_78 : memref<10112x64xf32, #tpu.memory_space<vmem_shared>>)
      %dma_wait3A_79 = arith.constant 9280 : i32
      %dma_wait3A_80 = tpu.memref_slice %arg7[%dma_wait3A_79] : memref<10240xi32, #tpu.memory_space<vmem>> -> memref<320xi32, #tpu.memory_space<vmem>>
      %dma_wait3A_81 = arith.constant 0 : i32
      %dma_wait3A_82 = arith.constant 0 : i32
      %dma_wait3A_83 = tpu.memref_slice %arg11[%dma_wait3A_81, %dma_wait3A_82] : memref<10112x64xf32, #tpu.memory_space<vmem_shared>> -> memref<10112x64xf32, #tpu.memory_space<vmem_shared>>
      tpu.wait_indirect_dma semaphore(%arg19 : memref<!tpu.dma_semaphore, #tpu.memory_space<semaphore_mem>>) src(%arg10 : memref<320x64xf32, #tpu.memory_space<vmem>>) dst(%dma_wait3A_83 : memref<10112x64xf32, #tpu.memory_space<vmem_shared>>)
    } else {
    }
    %eq3A_41 = arith.constant 1 : i32
    %eq3A_42 = arith.cmpi eq, %arg0, %eq3A_41 : i32
    %ge3A_43 = arith.constant 8 : i32
    %ge3A_44 = arith.cmpi sge, %arg1, %ge3A_43 : i32
    %and3A_45 = arith.andi %eq3A_42, %ge3A_44 : i1
    %convert_element_type3A_46 = arith.extui %and3A_45 : i1 to i32
    %cond3A_47 = arith.constant 0 : i32
    %cond3A_48 = arith.cmpi ne, %convert_element_type3A_46, %cond3A_47 : i32
    scf.if %cond3A_48 {
      %dma_start3A_54 = arith.constant 0 : i32
      %dma_start3A_55 = tpu.memref_slice %arg6[%dma_start3A_54] : memref<10240xi32, #tpu.memory_space<vmem>> -> memref<320xi32, #tpu.memory_space<vmem>>
      %dma_start3A_56 = arith.constant 0 : i32
      %dma_start3A_57 = arith.constant 0 : i32
      %dma_start3A_58 = tpu.memref_slice %arg2[%dma_start3A_56, %dma_start3A_57] : memref<10000x64xf32, #tpu.memory_space<hbm>> -> memref<10000x64xf32, #tpu.memory_space<hbm>>
      tpu.enqueue_indirect_dma source(%dma_start3A_58 : memref<10000x64xf32, #tpu.memory_space<hbm>>) target(%arg8 : memref<320x64xf32, #tpu.memory_space<vmem>>) offsets(%dma_start3A_55 : memref<320xi32, #tpu.memory_space<vmem>>) semaphore(%arg14 : memref<!tpu.dma_semaphore, #tpu.memory_space<semaphore_mem>>)
      %dma_start3A_59 = arith.constant 320 : i32
      %dma_start3A_60 = tpu.memref_slice %arg6[%dma_start3A_59] : memref<10240xi32, #tpu.memory_space<vmem>> -> memref<320xi32, #tpu.memory_space<vmem>>
      %dma_start3A_61 = arith.constant 0 : i32
      %dma_start3A_62 = arith.constant 0 : i32
      %dma_start3A_63 = tpu.memref_slice %arg2[%dma_start3A_61, %dma_start3A_62] : memref<10000x64xf32, #tpu.memory_space<hbm>> -> memref<10000x64xf32, #tpu.memory_space<hbm>>
      tpu.enqueue_indirect_dma source(%dma_start3A_63 : memref<10000x64xf32, #tpu.memory_space<hbm>>) target(%arg9 : memref<320x64xf32, #tpu.memory_space<vmem>>) offsets(%dma_start3A_60 : memref<320xi32, #tpu.memory_space<vmem>>) semaphore(%arg15 : memref<!tpu.dma_semaphore, #tpu.memory_space<semaphore_mem>>)
      %scan3A = arith.constant 0 : i32
      %scan3A_64 = arith.constant 0 : i32
      %scan3A_65 = arith.constant 11 : i32
      %scan3A_66 = arith.addi %scan3A_64, %scan3A_65 : i32
      %scan3A_67 = arith.constant 1 : i32
      scf.for %scan3A_84 = %scan3A_64 to %scan3A_66 step %scan3A_67  : i32 {
        %mul3A_85 = arith.constant 3 : i32
        %mul3A_86 = arith.muli %scan3A_84, %mul3A_85 : i32
        %add3A = arith.constant 0 : i32
        %add3A_87 = arith.addi %mul3A_86, %add3A : i32
        %lt3A_88 = arith.constant 31 : i32
        %lt3A_89 = arith.cmpi slt, %add3A_87, %lt3A_88 : i32
        %convert_element_type3A_90 = arith.extui %lt3A_89 : i1 to i32
        %cond3A_91 = arith.constant 0 : i32
        %cond3A_92 = arith.cmpi ne, %convert_element_type3A_90, %cond3A_91 : i32
        scf.if %cond3A_92 {
          %mul3A_132 = arith.constant 320 : i32
          %mul3A_133 = arith.muli %add3A_87, %mul3A_132 : i32
          %dma_wait3A_134 = tpu.memref_slice %arg6[%mul3A_133] : memref<10240xi32, #tpu.memory_space<vmem>> -> memref<320xi32, #tpu.memory_space<vmem>>
          %dma_wait3A_135 = arith.constant 0 : i32
          %dma_wait3A_136 = arith.constant 0 : i32
          %dma_wait3A_137 = tpu.memref_slice %arg2[%dma_wait3A_135, %dma_wait3A_136] : memref<10000x64xf32, #tpu.memory_space<hbm>> -> memref<10000x64xf32, #tpu.memory_space<hbm>>
          tpu.wait_indirect_dma semaphore(%arg14 : memref<!tpu.dma_semaphore, #tpu.memory_space<semaphore_mem>>) src(%dma_wait3A_137 : memref<10000x64xf32, #tpu.memory_space<hbm>>) dst(%arg8 : memref<320x64xf32, #tpu.memory_space<vmem>>)
          %mul3A_138 = arith.constant 320 : i32
          %mul3A_139 = arith.muli %add3A_87, %mul3A_138 : i32
          %dma_start3A_140 = tpu.memref_slice %arg7[%mul3A_139] : memref<10240xi32, #tpu.memory_space<vmem>> -> memref<320xi32, #tpu.memory_space<vmem>>
          %dma_start3A_141 = arith.constant 0 : i32
          %dma_start3A_142 = arith.constant 0 : i32
          %dma_start3A_143 = tpu.memref_slice %arg11[%dma_start3A_141, %dma_start3A_142] : memref<10112x64xf32, #tpu.memory_space<vmem_shared>> -> memref<10112x64xf32, #tpu.memory_space<vmem_shared>>
          tpu.enqueue_indirect_dma source(%arg8 : memref<320x64xf32, #tpu.memory_space<vmem>>) target(%dma_start3A_143 : memref<10112x64xf32, #tpu.memory_space<vmem_shared>>) offsets(%dma_start3A_140 : memref<320xi32, #tpu.memory_space<vmem>>) semaphore(%arg17 : memref<!tpu.dma_semaphore, #tpu.memory_space<semaphore_mem>>) {add = true}
        } else {
        }
        %add3A_93 = arith.constant 2 : i32
        %add3A_94 = arith.addi %add3A_87, %add3A_93 : i32
        %lt3A_95 = arith.constant 31 : i32
        %lt3A_96 = arith.cmpi slt, %add3A_94, %lt3A_95 : i32
        %convert_element_type3A_97 = arith.extui %lt3A_96 : i1 to i32
        %cond3A_98 = arith.constant 0 : i32
        %cond3A_99 = arith.cmpi ne, %convert_element_type3A_97, %cond3A_98 : i32
        scf.if %cond3A_99 {
          %ge3A_132 = arith.constant 1 : i32
          %ge3A_133 = arith.cmpi sge, %add3A_87, %ge3A_132 : i32
          %convert_element_type3A_134 = arith.extui %ge3A_133 : i1 to i32
          %cond3A_135 = arith.constant 0 : i32
          %cond3A_136 = arith.cmpi ne, %convert_element_type3A_134, %cond3A_135 : i32
          scf.if %cond3A_136 {
            %sub3A = arith.constant 1 : i32
            %sub3A_145 = arith.subi %add3A_87, %sub3A : i32
            %mul3A_146 = arith.constant 320 : i32
            %mul3A_147 = arith.muli %sub3A_145, %mul3A_146 : i32
            %dma_wait3A_148 = tpu.memref_slice %arg7[%mul3A_147] : memref<10240xi32, #tpu.memory_space<vmem>> -> memref<320xi32, #tpu.memory_space<vmem>>
            %dma_wait3A_149 = arith.constant 0 : i32
            %dma_wait3A_150 = arith.constant 0 : i32
            %dma_wait3A_151 = tpu.memref_slice %arg11[%dma_wait3A_149, %dma_wait3A_150] : memref<10112x64xf32, #tpu.memory_space<vmem_shared>> -> memref<10112x64xf32, #tpu.memory_space<vmem_shared>>
            tpu.wait_indirect_dma semaphore(%arg19 : memref<!tpu.dma_semaphore, #tpu.memory_space<semaphore_mem>>) src(%arg10 : memref<320x64xf32, #tpu.memory_space<vmem>>) dst(%dma_wait3A_151 : memref<10112x64xf32, #tpu.memory_space<vmem_shared>>)
          } else {
          }
          %add3A_137 = arith.constant 2 : i32
          %add3A_138 = arith.addi %add3A_87, %add3A_137 : i32
          %mul3A_139 = arith.constant 320 : i32
          %mul3A_140 = arith.muli %add3A_138, %mul3A_139 : i32
          %dma_start3A_141 = tpu.memref_slice %arg6[%mul3A_140] : memref<10240xi32, #tpu.memory_space<vmem>> -> memref<320xi32, #tpu.memory_space<vmem>>
          %dma_start3A_142 = arith.constant 0 : i32
          %dma_start3A_143 = arith.constant 0 : i32
          %dma_start3A_144 = tpu.memref_slice %arg2[%dma_start3A_142, %dma_start3A_143] : memref<10000x64xf32, #tpu.memory_space<hbm>> -> memref<10000x64xf32, #tpu.memory_space<hbm>>
          tpu.enqueue_indirect_dma source(%dma_start3A_144 : memref<10000x64xf32, #tpu.memory_space<hbm>>) target(%arg10 : memref<320x64xf32, #tpu.memory_space<vmem>>) offsets(%dma_start3A_141 : memref<320xi32, #tpu.memory_space<vmem>>) semaphore(%arg16 : memref<!tpu.dma_semaphore, #tpu.memory_space<semaphore_mem>>)
        } else {
        }
        %mul3A_100 = arith.constant 3 : i32
        %mul3A_101 = arith.muli %scan3A_84, %mul3A_100 : i32
        %add3A_102 = arith.constant 1 : i32
        %add3A_103 = arith.addi %mul3A_101, %add3A_102 : i32
        %lt3A_104 = arith.constant 31 : i32
        %lt3A_105 = arith.cmpi slt, %add3A_103, %lt3A_104 : i32
        %convert_element_type3A_106 = arith.extui %lt3A_105 : i1 to i32
        %cond3A_107 = arith.constant 0 : i32
        %cond3A_108 = arith.cmpi ne, %convert_element_type3A_106, %cond3A_107 : i32
        scf.if %cond3A_108 {
          %mul3A_132 = arith.constant 320 : i32
          %mul3A_133 = arith.muli %add3A_103, %mul3A_132 : i32
          %dma_wait3A_134 = tpu.memref_slice %arg6[%mul3A_133] : memref<10240xi32, #tpu.memory_space<vmem>> -> memref<320xi32, #tpu.memory_space<vmem>>
          %dma_wait3A_135 = arith.constant 0 : i32
          %dma_wait3A_136 = arith.constant 0 : i32
          %dma_wait3A_137 = tpu.memref_slice %arg2[%dma_wait3A_135, %dma_wait3A_136] : memref<10000x64xf32, #tpu.memory_space<hbm>> -> memref<10000x64xf32, #tpu.memory_space<hbm>>
          tpu.wait_indirect_dma semaphore(%arg15 : memref<!tpu.dma_semaphore, #tpu.memory_space<semaphore_mem>>) src(%dma_wait3A_137 : memref<10000x64xf32, #tpu.memory_space<hbm>>) dst(%arg9 : memref<320x64xf32, #tpu.memory_space<vmem>>)
          %mul3A_138 = arith.constant 320 : i32
          %mul3A_139 = arith.muli %add3A_103, %mul3A_138 : i32
          %dma_start3A_140 = tpu.memref_slice %arg7[%mul3A_139] : memref<10240xi32, #tpu.memory_space<vmem>> -> memref<320xi32, #tpu.memory_space<vmem>>
          %dma_start3A_141 = arith.constant 0 : i32
          %dma_start3A_142 = arith.constant 0 : i32
          %dma_start3A_143 = tpu.memref_slice %arg11[%dma_start3A_141, %dma_start3A_142] : memref<10112x64xf32, #tpu.memory_space<vmem_shared>> -> memref<10112x64xf32, #tpu.memory_space<vmem_shared>>
          tpu.enqueue_indirect_dma source(%arg9 : memref<320x64xf32, #tpu.memory_space<vmem>>) target(%dma_start3A_143 : memref<10112x64xf32, #tpu.memory_space<vmem_shared>>) offsets(%dma_start3A_140 : memref<320xi32, #tpu.memory_space<vmem>>) semaphore(%arg18 : memref<!tpu.dma_semaphore, #tpu.memory_space<semaphore_mem>>) {add = true}
        } else {
        }
        %add3A_109 = arith.constant 2 : i32
        %add3A_110 = arith.addi %add3A_103, %add3A_109 : i32
        %lt3A_111 = arith.constant 31 : i32
        %lt3A_112 = arith.cmpi slt, %add3A_110, %lt3A_111 : i32
        %convert_element_type3A_113 = arith.extui %lt3A_112 : i1 to i32
        %cond3A_114 = arith.constant 0 : i32
        %cond3A_115 = arith.cmpi ne, %convert_element_type3A_113, %cond3A_114 : i32
        scf.if %cond3A_115 {
          %ge3A_132 = arith.constant 1 : i32
          %ge3A_133 = arith.cmpi sge, %add3A_103, %ge3A_132 : i32
          %convert_element_type3A_134 = arith.extui %ge3A_133 : i1 to i32
          %cond3A_135 = arith.constant 0 : i32
          %cond3A_136 = arith.cmpi ne, %convert_element_type3A_134, %cond3A_135 : i32
          scf.if %cond3A_136 {
            %sub3A = arith.constant 1 : i32
            %sub3A_145 = arith.subi %add3A_103, %sub3A : i32
            %mul3A_146 = arith.constant 320 : i32
            %mul3A_147 = arith.muli %sub3A_145, %mul3A_146 : i32
            %dma_wait3A_148 = tpu.memref_slice %arg7[%mul3A_147] : memref<10240xi32, #tpu.memory_space<vmem>> -> memref<320xi32, #tpu.memory_space<vmem>>
            %dma_wait3A_149 = arith.constant 0 : i32
            %dma_wait3A_150 = arith.constant 0 : i32
            %dma_wait3A_151 = tpu.memref_slice %arg11[%dma_wait3A_149, %dma_wait3A_150] : memref<10112x64xf32, #tpu.memory_space<vmem_shared>> -> memref<10112x64xf32, #tpu.memory_space<vmem_shared>>
            tpu.wait_indirect_dma semaphore(%arg17 : memref<!tpu.dma_semaphore, #tpu.memory_space<semaphore_mem>>) src(%arg8 : memref<320x64xf32, #tpu.memory_space<vmem>>) dst(%dma_wait3A_151 : memref<10112x64xf32, #tpu.memory_space<vmem_shared>>)
          } else {
          }
          %add3A_137 = arith.constant 2 : i32
          %add3A_138 = arith.addi %add3A_103, %add3A_137 : i32
          %mul3A_139 = arith.constant 320 : i32
          %mul3A_140 = arith.muli %add3A_138, %mul3A_139 : i32
          %dma_start3A_141 = tpu.memref_slice %arg6[%mul3A_140] : memref<10240xi32, #tpu.memory_space<vmem>> -> memref<320xi32, #tpu.memory_space<vmem>>
          %dma_start3A_142 = arith.constant 0 : i32
          %dma_start3A_143 = arith.constant 0 : i32
          %dma_start3A_144 = tpu.memref_slice %arg2[%dma_start3A_142, %dma_start3A_143] : memref<10000x64xf32, #tpu.memory_space<hbm>> -> memref<10000x64xf32, #tpu.memory_space<hbm>>
          tpu.enqueue_indirect_dma source(%dma_start3A_144 : memref<10000x64xf32, #tpu.memory_space<hbm>>) target(%arg8 : memref<320x64xf32, #tpu.memory_space<vmem>>) offsets(%dma_start3A_141 : memref<320xi32, #tpu.memory_space<vmem>>) semaphore(%arg14 : memref<!tpu.dma_semaphore, #tpu.memory_space<semaphore_mem>>)
        } else {
        }
        %mul3A_116 = arith.constant 3 : i32
        %mul3A_117 = arith.muli %scan3A_84, %mul3A_116 : i32
        %add3A_118 = arith.constant 2 : i32
        %add3A_119 = arith.addi %mul3A_117, %add3A_118 : i32
        %lt3A_120 = arith.constant 31 : i32
        %lt3A_121 = arith.cmpi slt, %add3A_119, %lt3A_120 : i32
        %convert_element_type3A_122 = arith.extui %lt3A_121 : i1 to i32
        %cond3A_123 = arith.constant 0 : i32
        %cond3A_124 = arith.cmpi ne, %convert_element_type3A_122, %cond3A_123 : i32
        scf.if %cond3A_124 {
          %mul3A_132 = arith.constant 320 : i32
          %mul3A_133 = arith.muli %add3A_119, %mul3A_132 : i32
          %dma_wait3A_134 = tpu.memref_slice %arg6[%mul3A_133] : memref<10240xi32, #tpu.memory_space<vmem>> -> memref<320xi32, #tpu.memory_space<vmem>>
          %dma_wait3A_135 = arith.constant 0 : i32
          %dma_wait3A_136 = arith.constant 0 : i32
          %dma_wait3A_137 = tpu.memref_slice %arg2[%dma_wait3A_135, %dma_wait3A_136] : memref<10000x64xf32, #tpu.memory_space<hbm>> -> memref<10000x64xf32, #tpu.memory_space<hbm>>
          tpu.wait_indirect_dma semaphore(%arg16 : memref<!tpu.dma_semaphore, #tpu.memory_space<semaphore_mem>>) src(%dma_wait3A_137 : memref<10000x64xf32, #tpu.memory_space<hbm>>) dst(%arg10 : memref<320x64xf32, #tpu.memory_space<vmem>>)
          %mul3A_138 = arith.constant 320 : i32
          %mul3A_139 = arith.muli %add3A_119, %mul3A_138 : i32
          %dma_start3A_140 = tpu.memref_slice %arg7[%mul3A_139] : memref<10240xi32, #tpu.memory_space<vmem>> -> memref<320xi32, #tpu.memory_space<vmem>>
          %dma_start3A_141 = arith.constant 0 : i32
          %dma_start3A_142 = arith.constant 0 : i32
          %dma_start3A_143 = tpu.memref_slice %arg11[%dma_start3A_141, %dma_start3A_142] : memref<10112x64xf32, #tpu.memory_space<vmem_shared>> -> memref<10112x64xf32, #tpu.memory_space<vmem_shared>>
          tpu.enqueue_indirect_dma source(%arg10 : memref<320x64xf32, #tpu.memory_space<vmem>>) target(%dma_start3A_143 : memref<10112x64xf32, #tpu.memory_space<vmem_shared>>) offsets(%dma_start3A_140 : memref<320xi32, #tpu.memory_space<vmem>>) semaphore(%arg19 : memref<!tpu.dma_semaphore, #tpu.memory_space<semaphore_mem>>) {add = true}
        } else {
        }
        %add3A_125 = arith.constant 2 : i32
        %add3A_126 = arith.addi %add3A_119, %add3A_125 : i32
        %lt3A_127 = arith.constant 31 : i32
        %lt3A_128 = arith.cmpi slt, %add3A_126, %lt3A_127 : i32
        %convert_element_type3A_129 = arith.extui %lt3A_128 : i1 to i32
        %cond3A_130 = arith.constant 0 : i32
        %cond3A_131 = arith.cmpi ne, %convert_element_type3A_129, %cond3A_130 : i32
        scf.if %cond3A_131 {
          %ge3A_132 = arith.constant 1 : i32
          %ge3A_133 = arith.cmpi sge, %add3A_119, %ge3A_132 : i32
          %convert_element_type3A_134 = arith.extui %ge3A_133 : i1 to i32
          %cond3A_135 = arith.constant 0 : i32
          %cond3A_136 = arith.cmpi ne, %convert_element_type3A_134, %cond3A_135 : i32
          scf.if %cond3A_136 {
            %sub3A = arith.constant 1 : i32
            %sub3A_145 = arith.subi %add3A_119, %sub3A : i32
            %mul3A_146 = arith.constant 320 : i32
            %mul3A_147 = arith.muli %sub3A_145, %mul3A_146 : i32
            %dma_wait3A_148 = tpu.memref_slice %arg7[%mul3A_147] : memref<10240xi32, #tpu.memory_space<vmem>> -> memref<320xi32, #tpu.memory_space<vmem>>
            %dma_wait3A_149 = arith.constant 0 : i32
            %dma_wait3A_150 = arith.constant 0 : i32
            %dma_wait3A_151 = tpu.memref_slice %arg11[%dma_wait3A_149, %dma_wait3A_150] : memref<10112x64xf32, #tpu.memory_space<vmem_shared>> -> memref<10112x64xf32, #tpu.memory_space<vmem_shared>>
            tpu.wait_indirect_dma semaphore(%arg18 : memref<!tpu.dma_semaphore, #tpu.memory_space<semaphore_mem>>) src(%arg9 : memref<320x64xf32, #tpu.memory_space<vmem>>) dst(%dma_wait3A_151 : memref<10112x64xf32, #tpu.memory_space<vmem_shared>>)
          } else {
          }
          %add3A_137 = arith.constant 2 : i32
          %add3A_138 = arith.addi %add3A_119, %add3A_137 : i32
          %mul3A_139 = arith.constant 320 : i32
          %mul3A_140 = arith.muli %add3A_138, %mul3A_139 : i32
          %dma_start3A_141 = tpu.memref_slice %arg6[%mul3A_140] : memref<10240xi32, #tpu.memory_space<vmem>> -> memref<320xi32, #tpu.memory_space<vmem>>
          %dma_start3A_142 = arith.constant 0 : i32
          %dma_start3A_143 = arith.constant 0 : i32
          %dma_start3A_144 = tpu.memref_slice %arg2[%dma_start3A_142, %dma_start3A_143] : memref<10000x64xf32, #tpu.memory_space<hbm>> -> memref<10000x64xf32, #tpu.memory_space<hbm>>
          tpu.enqueue_indirect_dma source(%dma_start3A_144 : memref<10000x64xf32, #tpu.memory_space<hbm>>) target(%arg9 : memref<320x64xf32, #tpu.memory_space<vmem>>) offsets(%dma_start3A_141 : memref<320xi32, #tpu.memory_space<vmem>>) semaphore(%arg15 : memref<!tpu.dma_semaphore, #tpu.memory_space<semaphore_mem>>)
        } else {
        }
      }
      %scan3A_68 = arith.constant 11 : i32
      %dma_wait3A_69 = arith.constant 9600 : i32
      %dma_wait3A_70 = tpu.memref_slice %arg7[%dma_wait3A_69] : memref<10240xi32, #tpu.memory_space<vmem>> -> memref<320xi32, #tpu.memory_space<vmem>>
      %dma_wait3A_71 = arith.constant 0 : i32
      %dma_wait3A_72 = arith.constant 0 : i32
      %dma_wait3A_73 = tpu.memref_slice %arg11[%dma_wait3A_71, %dma_wait3A_72] : memref<10112x64xf32, #tpu.memory_space<vmem_shared>> -> memref<10112x64xf32, #tpu.memory_space<vmem_shared>>
      tpu.wait_indirect_dma semaphore(%arg17 : memref<!tpu.dma_semaphore, #tpu.memory_space<semaphore_mem>>) src(%arg8 : memref<320x64xf32, #tpu.memory_space<vmem>>) dst(%dma_wait3A_73 : memref<10112x64xf32, #tpu.memory_space<vmem_shared>>)
      %dma_wait3A_74 = arith.constant 9280 : i32
      %dma_wait3A_75 = tpu.memref_slice %arg7[%dma_wait3A_74] : memref<10240xi32, #tpu.memory_space<vmem>> -> memref<320xi32, #tpu.memory_space<vmem>>
      %dma_wait3A_76 = arith.constant 0 : i32
      %dma_wait3A_77 = arith.constant 0 : i32
      %dma_wait3A_78 = tpu.memref_slice %arg11[%dma_wait3A_76, %dma_wait3A_77] : memref<10112x64xf32, #tpu.memory_space<vmem_shared>> -> memref<10112x64xf32, #tpu.memory_space<vmem_shared>>
      tpu.wait_indirect_dma semaphore(%arg19 : memref<!tpu.dma_semaphore, #tpu.memory_space<semaphore_mem>>) src(%arg10 : memref<320x64xf32, #tpu.memory_space<vmem>>) dst(%dma_wait3A_78 : memref<10112x64xf32, #tpu.memory_space<vmem_shared>>)
      %dma_wait3A_79 = arith.constant 8960 : i32
      %dma_wait3A_80 = tpu.memref_slice %arg7[%dma_wait3A_79] : memref<10240xi32, #tpu.memory_space<vmem>> -> memref<320xi32, #tpu.memory_space<vmem>>
      %dma_wait3A_81 = arith.constant 0 : i32
      %dma_wait3A_82 = arith.constant 0 : i32
      %dma_wait3A_83 = tpu.memref_slice %arg11[%dma_wait3A_81, %dma_wait3A_82] : memref<10112x64xf32, #tpu.memory_space<vmem_shared>> -> memref<10112x64xf32, #tpu.memory_space<vmem_shared>>
      tpu.wait_indirect_dma semaphore(%arg18 : memref<!tpu.dma_semaphore, #tpu.memory_space<semaphore_mem>>) src(%arg9 : memref<320x64xf32, #tpu.memory_space<vmem>>) dst(%dma_wait3A_83 : memref<10112x64xf32, #tpu.memory_space<vmem_shared>>)
    } else {
    }
    %barrier3A_49 = arith.constant 0 : index
    tpu.barrier barrier_id(%barrier3A_49)
    %mul3A_50 = arith.constant 632 : i32
    %mul3A_51 = arith.muli %arg1, %mul3A_50 : i32
    %mul3A_52 = arith.constant 632 : i32
    %mul3A_53 = arith.muli %arg1, %mul3A_52 : i32
    "tpu.region"() ({
      %run_scoped3A = tpu.sem_alloc : memref<!tpu.dma_semaphore, #tpu.memory_space<semaphore_mem>>
      %dma_start3A_54 = arith.constant 0 : i32
      %dma_start3A_55 = tpu.memref_slice %arg5[%arg0, %mul3A_53, %dma_start3A_54] : memref<2x10112x64xf32, #tpu.memory_space<hbm>> -> memref<1x632x64xf32, #tpu.memory_space<hbm>>
      %dma_start3A_56 = tpu.memref_squeeze %dma_start3A_55 : memref<1x632x64xf32, #tpu.memory_space<hbm>> -> memref<632x64xf32, #tpu.memory_space<hbm>>
      %dma_start3A_57 = arith.constant 0 : i32
      %dma_start3A_58 = tpu.memref_slice %arg11[%mul3A_51, %dma_start3A_57] : memref<10112x64xf32, #tpu.memory_space<vmem_shared>> -> memref<632x64xf32, #tpu.memory_space<vmem_shared>>
      tpu.enqueue_dma source(%dma_start3A_58 : memref<632x64xf32, #tpu.memory_space<vmem_shared>>) target(%dma_start3A_56 : memref<632x64xf32, #tpu.memory_space<hbm>>) target_semaphore(%run_scoped3A : memref<!tpu.dma_semaphore, #tpu.memory_space<semaphore_mem>>)
      %dma_wait3A_59 = arith.constant 0 : i32
      %dma_wait3A_60 = tpu.memref_slice %arg5[%arg0, %mul3A_53, %dma_wait3A_59] : memref<2x10112x64xf32, #tpu.memory_space<hbm>> -> memref<1x632x64xf32, #tpu.memory_space<hbm>>
      %dma_wait3A_61 = tpu.memref_squeeze %dma_wait3A_60 : memref<1x632x64xf32, #tpu.memory_space<hbm>> -> memref<632x64xf32, #tpu.memory_space<hbm>>
      %dma_wait3A_62 = arith.constant 0 : i32
      %dma_wait3A_63 = tpu.memref_slice %arg11[%mul3A_51, %dma_wait3A_62] : memref<10112x64xf32, #tpu.memory_space<vmem_shared>> -> memref<632x64xf32, #tpu.memory_space<vmem_shared>>
      tpu.wait_dma2 semaphore(%run_scoped3A : memref<!tpu.dma_semaphore, #tpu.memory_space<semaphore_mem>>) src(%dma_wait3A_63 : memref<632x64xf32, #tpu.memory_space<vmem_shared>>) dst(%dma_wait3A_61 : memref<632x64xf32, #tpu.memory_space<hbm>>)
      tpu.yield
    }) : () -> ()
    return
  }
}

module attributes {stable_mosaic.version = 14 : i64} {
  func.func @_tc_mid_body(%arg0: i32, %arg1: memref<2x2000x8xf32, #tpu.memory_space<vmem>>, %arg2: memref<8x128xf32, #tpu.memory_space<vmem>>, %arg3: memref<128x128xf32, #tpu.memory_space<vmem>>, %arg4: memref<128x64xf32, #tpu.memory_space<vmem>>, %arg5: memref<2000x64xf32, #tpu.memory_space<vmem>>) attributes {dimension_semantics = [#tpu.dimension_semantics<arbitrary>], iteration_bounds = array<i64: 5>, scalar_prefetch = 0 : i64, scratch_operands = 0 : i64, tpu.core_type = #tpu.core_type<tc>, window_params = [{transform_indices = @transform_0, window_bounds = array<i64: 2, 2000, 8>}, {pipeline_mode = #tpu.pipeline_mode<synchronous>, transform_indices = @transform_1, window_bounds = array<i64: 8, 128>}, {pipeline_mode = #tpu.pipeline_mode<synchronous>, transform_indices = @transform_2, window_bounds = array<i64: 128, 128>}, {pipeline_mode = #tpu.pipeline_mode<synchronous>, transform_indices = @transform_3, window_bounds = array<i64: 128, 64>}, {transform_indices = @transform_4, window_bounds = array<i64: 2000, 64>}]} {
    %get3A = arith.constant 0 : index
    %get3A_0 = arith.constant 0 : index
    %get3A_1 = arith.constant 0 : index
    %get3A_2 = vector.load %arg1[%get3A, %get3A_0, %get3A_1] : memref<2x2000x8xf32, #tpu.memory_space<vmem>>, vector<1x2000x8xf32>
    %get3A_3 = vector.shape_cast %get3A_2 : vector<1x2000x8xf32> to vector<2000x8xf32>
    %get3A_4 = arith.constant 1 : index
    %get3A_5 = arith.constant 0 : index
    %get3A_6 = arith.constant 0 : index
    %get3A_7 = vector.load %arg1[%get3A_4, %get3A_5, %get3A_6] : memref<2x2000x8xf32, #tpu.memory_space<vmem>>, vector<1x2000x8xf32>
    %get3A_8 = vector.shape_cast %get3A_7 : vector<1x2000x8xf32> to vector<2000x8xf32>
    %add3A = arith.addf %get3A_3, %get3A_8 : vector<2000x8xf32>
    %get3A_9 = arith.constant 0 : index
    %get3A_10 = arith.constant 0 : index
    %get3A_11 = vector.load %arg2[%get3A_9, %get3A_10] : memref<8x128xf32, #tpu.memory_space<vmem>>, vector<8x128xf32>
    %get3A_12 = arith.constant 0 : index
    %get3A_13 = arith.constant 0 : index
    %get3A_14 = vector.load %arg3[%get3A_12, %get3A_13] : memref<128x128xf32, #tpu.memory_space<vmem>>, vector<128x128xf32>
    %dot_general3A = arith.constant dense<0.000000e+00> : vector<8x128xf32>
    %dot_general3A_15 = tpu.matmul %get3A_11, %get3A_14, %dot_general3A {dimension_numbers = #tpu.dot_dimension_numbers<[1], [0], [0], [1], [0, 0, 1, 1], [], []>, transpose_lhs_hint = false} : vector<8x128xf32>, vector<128x128xf32>, vector<8x128xf32> -> vector<8x128xf32>
    %dot_general3A_16 = arith.constant dense<0.000000e+00> : vector<2000x128xf32>
    %dot_general3A_17 = tpu.matmul %add3A, %dot_general3A_15, %dot_general3A_16 {dimension_numbers = #tpu.dot_dimension_numbers<[1], [0], [0], [1], [0, 0, 1, 1], [], []>, transpose_lhs_hint = false} : vector<2000x8xf32>, vector<8x128xf32>, vector<2000x128xf32> -> vector<2000x128xf32>
    %max3A = arith.constant 0.000000e+00 : f32
    %max3A_18 = vector.broadcast %max3A : f32 to vector<2000x128xf32>
    %max3A_19 = arith.maximumf %dot_general3A_17, %max3A_18 : vector<2000x128xf32>
    %get3A_20 = arith.constant 0 : index
    %get3A_21 = arith.constant 0 : index
    %get3A_22 = vector.load %arg4[%get3A_20, %get3A_21] : memref<128x64xf32, #tpu.memory_space<vmem>>, vector<128x64xf32>
    %dot_general3A_23 = arith.constant dense<0.000000e+00> : vector<2000x64xf32>
    %dot_general3A_24 = tpu.matmul %max3A_19, %get3A_22, %dot_general3A_23 {dimension_numbers = #tpu.dot_dimension_numbers<[1], [0], [0], [1], [0, 0, 1, 1], [], []>, transpose_lhs_hint = false} : vector<2000x128xf32>, vector<128x64xf32>, vector<2000x64xf32> -> vector<2000x64xf32>
    %swap3A = arith.constant 0 : index
    %swap3A_25 = arith.constant 0 : index
    %swap3A_26 = vector.load %arg5[%swap3A, %swap3A_25] : memref<2000x64xf32, #tpu.memory_space<vmem>>, vector<2000x64xf32>
    tpu.vector_store %arg5[%swap3A, %swap3A_25], %dot_general3A_24 {strides = array<i32>} : memref<2000x64xf32, #tpu.memory_space<vmem>>, vector<2000x64xf32>,
    return
  }
  func.func @transform_0(%arg0: i32) -> (i32, i32, i32) {
    %c0_i32 = arith.constant 0 : i32
    %c0_i32_0 = arith.constant 0 : i32
    %c0_i32_1 = arith.constant 0 : i32
    return %c0_i32, %arg0, %c0_i32_0 : i32, i32, i32
  }
  func.func @transform_1(%arg0: i32) -> (i32, i32) {
    %c0_i32 = arith.constant 0 : i32
    %c0_i32_0 = arith.constant 0 : i32
    %c0_i32_1 = arith.constant 0 : i32
    return %c0_i32, %c0_i32_0 : i32, i32
  }
  func.func @transform_2(%arg0: i32) -> (i32, i32) {
    %c0_i32 = arith.constant 0 : i32
    %c0_i32_0 = arith.constant 0 : i32
    %c0_i32_1 = arith.constant 0 : i32
    return %c0_i32, %c0_i32_0 : i32, i32
  }
  func.func @transform_3(%arg0: i32) -> (i32, i32) {
    %c0_i32 = arith.constant 0 : i32
    %c0_i32_0 = arith.constant 0 : i32
    %c0_i32_1 = arith.constant 0 : i32
    return %c0_i32, %c0_i32_0 : i32, i32
  }
  func.func @transform_4(%arg0: i32) -> (i32, i32) {
    %c0_i32 = arith.constant 0 : i32
    %c0_i32_0 = arith.constant 0 : i32
    return %arg0, %c0_i32 : i32, i32
  }
}

module attributes {stable_mosaic.version = 14 : i64} {
  func.func @_tc_add_body(%arg0: i32, %arg1: memref<2x1000x128xf32, #tpu.memory_space<vmem>>, %arg2: memref<1000x128xf32, #tpu.memory_space<vmem>>) attributes {dimension_semantics = [#tpu.dimension_semantics<arbitrary>], iteration_bounds = array<i64: 5>, scalar_prefetch = 0 : i64, scratch_operands = 0 : i64, tpu.core_type = #tpu.core_type<tc>, window_params = [{transform_indices = @transform_0, window_bounds = array<i64: 2, 1000, 128>}, {transform_indices = @transform_1, window_bounds = array<i64: 1000, 128>}]} {
    %get3A = arith.constant 0 : index
    %get3A_0 = arith.constant 0 : index
    %get3A_1 = arith.constant 0 : index
    %get3A_2 = vector.load %arg1[%get3A, %get3A_0, %get3A_1] : memref<2x1000x128xf32, #tpu.memory_space<vmem>>, vector<1x1000x128xf32>
    %get3A_3 = vector.shape_cast %get3A_2 : vector<1x1000x128xf32> to vector<1000x128xf32>
    %get3A_4 = arith.constant 1 : index
    %get3A_5 = arith.constant 0 : index
    %get3A_6 = arith.constant 0 : index
    %get3A_7 = vector.load %arg1[%get3A_4, %get3A_5, %get3A_6] : memref<2x1000x128xf32, #tpu.memory_space<vmem>>, vector<1x1000x128xf32>
    %get3A_8 = vector.shape_cast %get3A_7 : vector<1x1000x128xf32> to vector<1000x128xf32>
    %add3A = arith.addf %get3A_3, %get3A_8 : vector<1000x128xf32>
    %swap3A = arith.constant 0 : index
    %swap3A_9 = arith.constant 0 : index
    %swap3A_10 = vector.load %arg2[%swap3A, %swap3A_9] : memref<1000x128xf32, #tpu.memory_space<vmem>>, vector<1000x128xf32>
    tpu.vector_store %arg2[%swap3A, %swap3A_9], %add3A {strides = array<i32>} : memref<1000x128xf32, #tpu.memory_space<vmem>>, vector<1000x128xf32>,
    return
  }
  func.func @transform_0(%arg0: i32) -> (i32, i32, i32) {
    %c0_i32 = arith.constant 0 : i32
    %c0_i32_0 = arith.constant 0 : i32
    %c0_i32_1 = arith.constant 0 : i32
    return %c0_i32, %arg0, %c0_i32_0 : i32, i32, i32
  }
  func.func @transform_1(%arg0: i32) -> (i32, i32) {
    %c0_i32 = arith.constant 0 : i32
    %c0_i32_0 = arith.constant 0 : i32
    return %arg0, %c0_i32 : i32, i32
  }
}

</mosaic_0001>

<sc_bundles>
// kernel: kernel.6.cloned.1.call-start
scs
__scs_entry_jumppad:
0x0: {  	(pc) =	sbr.rel $0x88, $3  }
0x1: {  	(tag) =	ssettag $0x0;
	lr =	simm.s32 $0x1  }
0x2: {  	[smem:$0x3F9B] =	sst lr;
	_ =	strace $0xD0000000  }
0x3: {  	_ = 	snop  }
0x4: {  	_ = 	snop  }
0x5: {  	_ = 	snop  }
0x6: {  	_ = 	snop  }
0x7: {  	_ = 	snop  }
__scs_overlays_trampoline_lowered:
0x8: {  	[smem:$0x3FAA] =	sst s0  }
0x9: {  	[smem:$0x3FAB] =	sst s1  }
0xa: {  	[smem:$0x3FAC] =	sst s2  }
0xb: {  	[smem:$0x3FAD] =	sst s3  }
0xc: {  	[smem:$0x3FAE] =	sst s4  }
0xd: {  	[smem:$0x3FAF] =	sst s5  }
0xe: {  	[smem:$0x3FB0] =	sst s6  }
0xf: {  	[smem:$0x3FB1] =	sst s7  }
0x10: {  	[smem:$0x3FB2] =	sst s8  }
0x11: {  	[smem:$0x3FB3] =	sst s9;
	s0 =	simm.s32 @!p0 $0x0  }
0x12: {  	s1 =	sld [smem:$0x3F99];
	s0 =	simm.s32 @p0 $0x1  }
0x13: {  	[smem:$0x3FB4] =	sst s0;
	s0 =	simm.s32 @!p1 $0x0  }
0x14: {  	s2 =	sld [smem:$0x3F98];
	s0 =	simm.s32 @p1 $0x1  }
0x15: {  	[smem:$0x3FB5] =	sst s0;
	s0 =	simm.s32 @!p2 $0x0  }
0x16: {  	s3 =	sld [smem:$0x3FDB];
	s0 =	simm.s32 @p2 $0x1  }
0x17: {  	s4 =	simm.s32 $0x1BF5;
	[smem:$0x3FB7] =	sst s0  }
0x18: {  	s0 =	sld [smem:$0x3F9A];
	_ =	swait.ge [sflag:s4], $0x0  }
0x19: {  	s7 =	sld [smem:$0x3F9B]  }
0x1a: {  	s8 =	sadd.s32 $0xFFFFE003, lr  }
0x1b: {  	s9 =	sadd.s32 $0xFFFFFEF7, lr;
	s5 =	simm.s32 $0xFFFFFFFF;
	p2 =	slt.u32 s8, $0xFFFFF086  }
0x1c: {  	p1 =	slt.u32 s9, $0xF7A;
	s5 =	simm.s32 @!p2 $0x0  }
0x1d: {  	s5 =	simm.s32 @p1 $0x1;
	p0 =	seq.s32 s7, s2  }
0x1e: {  	s7 =	smul.u32 @!p0 $0xF7A, s2;
	p2 =	seq.s32 @!p0 s5, $0x0  }
0x1f: {  	s9 =	smul.u32 $0xF7A, s1;
	s8 =	simm.s32 @!p0 $0x1BF5;
	p2 =	por !p2, p0  }
0x20: {  	[sflag:s8] =	ssyncset.s32 @!p0 $0xFFFFF086;
	s6 =	sadd.s32 @!p0 s3, s7;
	s7 =	simm.s32 @!p0 $0x108  }
0x21: {  	s3 =	sadd.s32 s3, s9;
	s6 =	sadd.s32 @!p0 $0x88, s6;
	s7 =	simm.s32 @p2 $0x1082  }
0x22: {  	[simem:s7], [sflag:s8] =	dma.local @!p0 [hbm:s6], $0xF7A  }
0x23: {  	s9 =	sor.u32 $0xD0000000, s2;
	s6 =	simm.s32 $0x108;
	_ =	swait.ge @!p0 [sflag:s8], $0x0  }
0x24: {  	s3 =	sadd.s32 $0x88, s3;
	s6 =	simm.s32 @!p1 $0x1082;
	[sflag:s4] =	ssyncset.s32 $0xFFFFF086  }
0x25: {  	[simem:s6], [sflag:s4] =	dma.local [hbm:s3], $0xF7A  }
0x26: {  	[smem:$0x3F9B] =	sst s1;
	(tag) =	ssettag s2;
	_ =	strace s9  }
0x27: {  	s1 =	sld [smem:$0x3FAB]  }
0x28: {  	s2 =	sld [smem:$0x3FAC]  }
0x29: {  	s4 =	sld [smem:$0x3FAE]  }
0x2a: {  	p0 =	seq.s32 s5, $0x0;
	s5 =	sld [smem:$0x3FAF]  }
0x2b: {  	s6 =	sld [smem:$0x3FB0]  }
0x2c: {  	s7 =	sld [smem:$0x3FB1]  }
0x2d: {  	s3 =	simm.s32 $0x108;
	s8 =	sld [smem:$0x3FB2]  }
0x2e: {  	s3 =	simm.s32 @!p0 $0x1082;
	s9 =	sld [smem:$0x3FB3]  }
0x2f: {  	lr =	sadd.s32 s0, s3;
	s0 =	sld [smem:$0x3FAA]  }
0x30: {  	s3 =	sld [smem:$0x3FAD]  }
0x31: {  	[smem:$0x3FB6] =	sst s10  }
0x32: {  	s10 =	sld [smem:$0x3FB4];
	_ =	sdelay $0x3  }
0x33: {  	p0 =	seq.s32 s10, $0x1;
	s10 =	sld [smem:$0x3FB6];
	_ =	sdelay $0x3  }
0x34: {  	[smem:$0x3FB6] =	sst s10  }
0x35: {  	s10 =	sld [smem:$0x3FB5];
	_ =	sdelay $0x3  }
0x36: {  	p1 =	seq.s32 s10, $0x1;
	s10 =	sld [smem:$0x3FB6];
	_ =	sdelay $0x3  }
0x37: {  	[smem:$0x3FB6] =	sst s10  }
0x38: {  	s10 =	sld [smem:$0x3FB7]  }
0x39: {  	_ = 	snop;
	(pc) =	sbr.ind lr, $3  }
0x3a: {  	_ = 	snop  }
0x3b: {  	_ = 	snop  }
0x3c: {  	p2 =	seq.s32 s10, $0x1;
	s10 =	sld [smem:$0x3FB6]  }
0x3d: {  	_ =	shalt  }
0x3e: {  	_ =	shalt  }
0x3f: {  	_ =	shalt  }
0x40: {  	_ =	shalt  }
0x41: {  	_ =	shalt  }
0x42: {  	_ =	shalt  }
0x43: {  	_ =	shalt  }
0x44: {  	_ =	shalt  }
0x45: {  	_ =	shalt  }
0x46: {  	_ =	shalt  }
0x47: {  	_ =	shalt  }
0x48: {  	_ =	shalt  }
0x49: {  	_ =	shalt  }
0x4a: {  	_ =	shalt  }
0x4b: {  	_ =	shalt  }
0x4c: {  	_ =	shalt  }
0x4d: {  	_ =	shalt  }
0x4e: {  	_ =	shalt  }
0x4f: {  	_ =	shalt  }
0x50: {  	_ =	shalt  }
0x51: {  	_ =	shalt  }
0x52: {  	_ =	shalt  }
0x53: {  	_ =	shalt  }
0x54: {  	_ =	shalt  }
0x55: {  	_ =	shalt  }
0x56: {  	_ =	shalt  }
0x57: {  	_ =	shalt  }
0x58: {  	_ =	shalt  }
0x59: {  	_ =	shalt  }
0x5a: {  	_ =	shalt  }
0x5b: {  	_ =	shalt  }
0x5c: {  	_ =	shalt  }
0x5d: {  	_ =	shalt  }
0x5e: {  	_ =	shalt  }
0x5f: {  	_ =	shalt  }
0x60: {  	_ =	shalt  }
0x61: {  	_ =	shalt  }
0x62: {  	_ =	shalt  }
0x63: {  	_ =	shalt  }
0x64: {  	_ =	shalt  }
0x65: {  	_ =	shalt  }
0x66: {  	_ =	shalt  }
0x67: {  	_ =	shalt  }
0x68: {  	_ =	shalt  }
0x69: {  	_ =	shalt  }
0x6a: {  	_ =	shalt  }
0x6b: {  	_ =	shalt  }
0x6c: {  	_ =	shalt  }
0x6d: {  	_ =	shalt  }
0x6e: {  	_ =	shalt  }
0x6f: {  	_ =	shalt  }
0x70: {  	_ =	shalt  }
0x71: {  	_ =	shalt  }
0x72: {  	_ =	shalt  }
0x73: {  	_ =	shalt  }
0x74: {  	_ =	shalt  }
0x75: {  	_ =	shalt  }
0x76: {  	_ =	shalt  }
0x77: {  	_ =	shalt  }
0x78: {  	_ =	shalt  }
0x79: {  	_ =	shalt  }
0x7a: {  	_ =	shalt  }
0x7b: {  	_ =	shalt  }
0x7c: {  	_ =	shalt  }
0x7d: {  	_ =	shalt  }
0x7e: {  	_ =	shalt  }
0x7f: {  	_ =	shalt  }
0x80: {  	_ =	shalt  }
0x81: {  	_ =	shalt  }
0x82: {  	_ =	shalt  }
0x83: {  	_ =	shalt  }
0x84: {  	_ =	shalt  }
0x85: {  	_ =	shalt  }
0x86: {  	_ =	shalt  }
0x87: {  	_ =	shalt  }
.Lfunc_end0:
.L_simem_size_0:
called_computation_lowered:
.L_overlay_start_0:
0x88: {  	s2 =	sld [smem:$0x3FD9]  }
0x89: {  	s3 =	sld [smem:$0x3FFE];
	_ =	sdelay $0x1  }
0x8a: {  	s1 =	srdreg.scid  }
0x8b: {  	s0 =	sand.u32 $0x1, s1  }
0x8c: {  	s17 =	sshll.u32 s0, $0xA;
	s2 =	sadd.s32 s3, s2  }
0x8d: {  	s2 =	sadd.s32 s2, s17  }
0x8e: {  	[smem:$0x3FC2] =	sst s2  }
0x8f: {  	_ = 	snop  }
0x90: {  	s2 =	sld [smem:$0x3FD0];
	(tm) =	ssettm $0x1  }
0x91: {  	s18 =	sld [smem:$0x3FFB];
	_ =	sdelay $0x3  }
0x92: {  	_ =	strace s18  }
0x93: {  	s3 =	sld [smem:$0x3FFC];
	_ =	sdelay $0x3  }
0x94: {  	_ =	strace s3  }
0x95: {  	s3 =	sld [smem:$0x3FFD];
	_ =	sdelay $0x3  }
0x96: {  	_ =	strace s3  }
0x97: {  	_ =	strace $0x8FFFFFFF  }
0x98: {  	s19 =	sld [smem:$0x3FDB];
	_ =	sdelay $0x1  }
0x99: {  	s4 =	simm.s32 $_scs_section_size  }
0x9a: {  	s5 =	simm.s32 $_size__tile_overlayer_lowered;
	s6 =	simm.s32 $_tile_overlayer_lowered  }
0x9b: {  	s22 =	simm.s32 $0x1BFF;
	s21 =	sshll.u32 s6, $0x1;
	s3 =	sadd.s32 s4, s19  }
0x9c: {  	s7 =	simm.s32 $0x0;
	s20 =	sshll.u32 s5, $0x1;
	s5 =	sadd.s32 s21, s3  }
0x9d: {  	[timem:s7], [sflag:s22] =	dma.local [hbm:s5], s20  }
0x9e: {  	_ =	swait.ge [sflag:s22], s20  }
0x9f: {  	s4 =	ssub.s32 $0x0, s20;
	[sflag:s22] =	ssyncset.done $0x0  }
0xa0: {  	[sflag:s22] =	ssyncadd.s32 s4;
	_ =	sdelay $0x1  }
0xa1: {  	s23 =	simm.s32 $0x1B8B  }
0xa2: {  	_ =	swait.ge [sflag:s23], $0x1  }
0xa3: {  	[sflag:s23] =	ssyncset.done $0x0  }
0xa4: {  	s25 =	simm.s32 $0x1B8E;
	s24 =	sld [smem:$0x3FFE];
	[sflag:s23] =	ssyncadd.s32 $0xFFFFFFFF  }
0xa5: {  	s26 =	simm.s32 $execute0_lowered;
	[smem:$0x3FD2] =	sst s25  }
0xa6: {  	s5 =	sshll.u32 s26, $0x1;
	_ =	strace $0x80000046;
	[dreg:$0x1] =	wrdreg $0xFFFFFFFF  }
0xa7: {  	s28 =	simm.s32 $_size_execute0_lowered;
	s3 =	sadd.s32 s3, s5;
	[dreg:$0x0] =	wrdreg $0x0  }
0xa8: {  	s5 =	sshll.u32 s28, $0x1;
	[dreg:$0x2] =	wrdreg s3  }
0xa9: {  	[dreg:$0x3] =	wrdreg s5  }
0xaa: {  	[dreg:$0x4] =	wrdreg $0xC0  }
0xab: {  	_ =	task [dreg:s7], $0x5FFFF  }
0xac: {  	[dreg:$0x1] =	wrdreg $0xFFFFFFFF  }
0xad: {  	[dreg:$0x0] =	wrdreg $0x60  }
0xae: {  	[dreg:$0x2] =	wrdreg s24  }
0xaf: {  	[dreg:$0x3] =	wrdreg s2  }
0xb0: {  	[dreg:$0x4] =	wrdreg $0xABE00  }
0xb1: {  	[dreg:$0x5] =	wrdreg $0x9  }
0xb2: {  	_ =	task.clear_ibuf [dreg:s7], $0x6FFFF;
	_ =	strace $0x90000046  }
0xb3: {  	s29 =	simm.s32 $0x9;
	_ =	strace $0x80000048  }
0xb4: {  	_ =	swait.ge [sflag:s29], $0x1  }
0xb5: {  	[sflag:s29] =	ssyncadd.s32 $0xFFFFFFFF  }
0xb6: {  	_ =	strace $0x90000048  }
0xb7: {  	_ =	sfence  }
0xb8: {  	s30 =	sld [smem:$0x0];
	_ =	sdelay $0x2  }
0xb9: {  	s31 =	sshll.u32 s1, $0xD;
	s1 =	sshrl.u32 s1, $0x2  }
0xba: {  	s3 =	sand.u32 $0x4000, s31;
	s1 =	sadd.s32 s1, s30  }
0xbb: {  	s0 =	sor.u32 s3, s0;
	s1 =	sshll.u32 s1, $0x11  }
0xbc: {  	s0 =	sor.u32 s1, s0  }
0xbd: {  	s0 =	sadd.s32 $0x8F2B, s0  }
0xbe: {  	[sflag:s0] =	ssyncadd.remote.s32 $0x1  }
0xbf: {  	_ =	sfence.sel $0xFFFF  }
0xc0: {  	[dreg:$0x0] =	wrdreg $0xFFFFFFFF;
	(pc) =	sbr.abs _section_cstart, $3  }
0xc1: {  	[dreg:$0x1] =	wrdreg $0xFFFFFFFF  }
0xc2: {  	_ =	task.clear_ibuf [dreg:s7], $0x2FFFF;
	_ =	strace $0x9FFFFFFF  }
0xc3: {  	(tm) =	ssettm $0x7FFFFFFF  }
tec
execute0_lowered:
.L_overlay_start_1:
0x0: {  	(tag) =	ssettag $0x1  }
0x1: {  	s0 =	rddreg [dreg:$0x0]  }
0x2: {  	s1 =	rddreg [dreg:$0x1]  }
0x3: {  	s2 =	rddreg [dreg:$0x2]  }
0x4: {  	s31 =	rddreg [dreg:$0x3]  }
0x5: {  	s17 =	simm.s32 $0x0;
	s10 =	stileid.u32;
	s3 =	srdreg.scid  }
0x6: {  	s28 =	simm.s32 $0x2710;
	s30 =	simm.s32 $0x2;
	s29 =	simm.s32 $0x1  }
0x7: {  	s19 =	simm.s32 $0x7D0;
	s20 =	simm.s32 $0x2AF8;
	[smem:$0x7FF] =	sst s17  }
0x8: {  	s21 =	simm.s32 $0xBB8;
	_ =	strace $0x80000047;
	[dreg:$0x9] =	wrdreg s19  }
0x9: {  	s22 =	simm.s32 $0x2EE0;
	s23 =	simm.s32 $0xFA0;
	[dreg:$0xa] =	wrdreg s20  }
0xa: {  	s24 =	simm.s32 $0x32C8;
	s25 =	simm.s32 $0x1388;
	[dreg:$0xb] =	wrdreg s21  }
0xb: {  	s26 =	simm.s32 $0x36B0;
	s5 =	smul.u32 $0x13C0, s10;
	[dreg:$0xc] =	wrdreg s22  }
0xc: {  	s6 =	sand.u32 $0x1, s3;
	s4 =	sadd.s32 $0x1400, s0;
	[dreg:$0xd] =	wrdreg s23  }
0xd: {  	s9 =	sadd.s32 $0x3C00, s0;
	s3 =	ssub.s32 $0x2, s6;
	[dreg:$0xe] =	wrdreg s24  }
0xe: {  	s14 =	smul.u32 $0x13C00, s6;
	p0 =	seq.s32 s6, $0x0;
	[dreg:$0xf] =	wrdreg s25  }
0xf: {  	s6 =	simm.s32 $0x4E200;
	[dreg:$0x10] =	wrdreg s26;
	s26 =	simm.s32 $0x1770  }
0x10: {  	s25 =	simm.s32 $0x3A98;
	s24 =	simm.s32 $0x1B58;
	s23 =	simm.s32 $0x3E80  }
0x11: {  	s21 =	simm.s32 $0x1F40;
	s22 =	simm.s32 $0x4268;
	s20 =	simm.s32 $0x2328  }
0x12: {  	s19 =	simm.s32 $0x4650;
	s7 =	sshrl.u32 s5, $0x3;
	s8 =	sshrl.u32 s3, $0x1  }
0x13: {  	s11 =	sadd.s32 s5, s2;
	s6 =	simm.s32 @!p0 $0x75300;
	s0 =	sadd.s32 s7, s0  }
0x14: {  	s12 =	ssub.s32 s3, s8;
	s3 =	sshll.u32 s10, $0x6;
	s8 =	smul.u32 $0x2710, s10  }
0x15: {  	s5 =	sadd.s32 s5, s14;
	s7 =	simm.s32 $0x4E20;
	s0 =	sadd.s32 $0x17600, s0  }
0x16: {  	s14 =	simm.s32 $0x5;
	s13 =	sor.u32 $0x1C01, s3;
	[dreg:$0x4] =	wrdreg s0  }
0x17: {  	s10 =	simm.s32 $0x7;
	s5 =	sshrl.u32 s5, $0x3;
	[dreg:$0x5] =	wrdreg s13  }
0x18: {  	s0 =	sadd.s32 $0x27100, s8;
	s1 =	sadd.s32 s1, s5;
	s15 =	sadd.s32 s6, s8  }
0x19: {  	s5 =	sshrl.u32 s11, $0x3;
	s6 =	simm.s32 $0x3E8;
	s11 =	simm.s32 $0x8CA0  }
0x1a: {  	s13 =	simm.s32 $0x8;
	s16 =	sshrl.u32 s15, $0x3;
	s15 =	smax.u32 s12, $0x1  }
0x1b: {  	s0 =	smov.u32 @p0 s8;
	[dreg:$0x6] =	wrdreg s1;
	p1 =	sne.s32 s15, $0x1  }
.Ltmp0:
0x1c: {  	s12 =	simm.s32 $0x6D60;
	s8 =	simm.s32 $0x3;
	(pc) =	sbr.rel @!p1 .LBB2_5-.Ltmp0, $4  }
0x1d: {  	p0 =	por $0x0, $0x0;
	s1 =	rddreg [dreg:$0x4];
	s0 =	sshrl.u32 s0, $0x3  }
0x1e: {  	s18 =	sadd.s32 s9, s16;
	s16 =	simm.s32 $0x4;
	s0 =	sadd.s32 s9, s0  }
0x1f: {  	[dreg:$0x8] =	wrdreg s18;
	s9 =	simm.s32 $0x6;
	s18 =	simm.s32 $0x4A38  }
0x20: {  	[dreg:$0x7] =	wrdreg s0;
	s0 =	sadd.s32 $0xFFFFFFFF, s15;
	s15 =	simm.s32 $0x9  }
0x21: {  	s31 =	rddreg [dreg:$0x5]  }
0x22: {  	[spmem:s5], [sflag:s31] =	dma.local [hbm:s1], $0x278  }
0x23: {  	s1 =	rddreg [dreg:$0x7]  }
0x24: {  	[tilespmem:s17], [sflag:$0x2] =	stream.linear.gather [hbm4b:s1+s17], $0x2710, $0x38;
	[tilespmem:$0xBFA0] =	vst v63  }
0x25: {  	s31 =	rddreg [dreg:$0x8]  }
0x26: {  	[tilespmem:s28], [sflag:$0x2] =	stream.linear.gather [hbm4b:s31+s17], $0x2710, $0x38;
	[tilespmem:$0xBFA0] =	vst v63  }
0x27: {  	_ =	swait.ge [sflag:s30], $0x2710  }
0x28: {  	[sflag:s30] =	ssyncset.done $0x0  }
0x29: {  	[sflag:s30] =	ssyncadd.s32 $0xFFFFD8F0  }
0x2a: {  	_ =	swait.ge [sflag:s30], $0x2710  }
0x2b: {  	[sflag:s30] =	ssyncset.done $0x0  }
0x2c: {  	[sflag:s30] =	ssyncadd.s32 $0xFFFFD8F0  }
0x2d: {  	_ =	swait.ge [sflag:s29], $0x278  }
0x2e: {  	[sflag:s29] =	ssyncset.done $0x0  }
0x2f: {  	[sflag:s29] =	ssyncadd.s32 $0xFFFFFD88  }
0x30: {  	[bflag:$0x0] =	sbarrier.arrive $0xFFFF  }
0x31: {  	[tilespmem:s7], [sflag:$0x3] =	stream.indirect.gather [hbm4b:s4+s6], $0x8, s17, s6, $0xb8;
	[tilespmem:$0xBFA0] =	vst v63  }
0x32: {  	_ = 	snop  }
0x33: {  	[tilespmem:s12], [sflag:$0x4] =	stream.indirect.gather [hbm4b:s4+s6], $0x8, s6, s6, $0xb8;
	[tilespmem:$0xBFA0] =	vst v63  }
0x34: {  	_ =	swait.ge [sflag:s8], $0x1F40  }
0x35: {  	[sflag:s8] =	ssyncset.done $0x0  }
0x36: {  	[sflag:s8] =	ssyncadd.s32 $0xFFFFE0C0  }
0x37: {  	[spmem:s2] =	stream.indirect.scatter.add.f32 [tilespmem:s7], [sflag:$0x6], $0x8, s28, s6, $0xb8;
	[tilespmem:$0xBFA0] =	vst v63  }
0x38: {  	s1 =	rddreg [dreg:$0x9]  }
0x39: {  	[tilespmem:s11], [sflag:$0x5] =	stream.indirect.gather [hbm4b:s4+s6], $0x8, s1, s6, $0xb8;
	[tilespmem:$0xBFA0] =	vst v63  }
0x3a: {  	_ =	swait.ge [sflag:s16], $0x1F40  }
0x3b: {  	[sflag:s16] =	ssyncset.done $0x0  }
0x3c: {  	s1 =	rddreg [dreg:$0xa];
	[sflag:s16] =	ssyncadd.s32 $0xFFFFE0C0  }
0x3d: {  	[spmem:s2] =	stream.indirect.scatter.add.f32 [tilespmem:s12], [sflag:$0x7], $0x8, s1, s6, $0xb8;
	[tilespmem:$0xBFA0] =	vst v63  }
0x3e: {  	_ =	swait.ge [sflag:s9], $0x1F40  }
0x3f: {  	[sflag:s9] =	ssyncset.done $0x0  }
0x40: {  	s1 =	rddreg [dreg:$0xb];
	[sflag:s9] =	ssyncadd.s32 $0xFFFFE0C0  }
0x41: {  	[tilespmem:s7], [sflag:$0x3] =	stream.indirect.gather [hbm4b:s4+s6], $0x8, s1, s6, $0xb8;
	[tilespmem:$0xBFA0] =	vst v63  }
0x42: {  	_ =	swait.ge [sflag:s14], $0x1F40  }
0x43: {  	[sflag:s14] =	ssyncset.done $0x0  }
0x44: {  	s1 =	rddreg [dreg:$0xc];
	[sflag:s14] =	ssyncadd.s32 $0xFFFFE0C0  }
0x45: {  	[spmem:s2] =	stream.indirect.scatter.add.f32 [tilespmem:s11], [sflag:$0x8], $0x8, s1, s6, $0xb8;
	[tilespmem:$0xBFA0] =	vst v63  }
0x46: {  	_ =	swait.ge [sflag:s10], $0x1F40  }
0x47: {  	[sflag:s10] =	ssyncset.done $0x0  }
0x48: {  	s1 =	rddreg [dreg:$0xd];
	[sflag:s10] =	ssyncadd.s32 $0xFFFFE0C0  }
0x49: {  	[tilespmem:s12], [sflag:$0x4] =	stream.indirect.gather [hbm4b:s4+s6], $0x8, s1, s6, $0xb8;
	[tilespmem:$0xBFA0] =	vst v63  }
0x4a: {  	_ =	swait.ge [sflag:s8], $0x1F40  }
0x4b: {  	[sflag:s8] =	ssyncset.done $0x0  }
0x4c: {  	s1 =	rddreg [dreg:$0xe];
	[sflag:s8] =	ssyncadd.s32 $0xFFFFE0C0  }
0x4d: {  	[spmem:s2] =	stream.indirect.scatter.add.f32 [tilespmem:s7], [sflag:$0x6], $0x8, s1, s6, $0xb8;
	[tilespmem:$0xBFA0] =	vst v63  }
0x4e: {  	_ =	swait.ge [sflag:s13], $0x1F40  }
0x4f: {  	[sflag:s13] =	ssyncset.done $0x0  }
0x50: {  	s1 =	rddreg [dreg:$0xf];
	[sflag:s13] =	ssyncadd.s32 $0xFFFFE0C0  }
0x51: {  	[tilespmem:s11], [sflag:$0x5] =	stream.indirect.gather [hbm4b:s4+s6], $0x8, s1, s6, $0xb8;
	[tilespmem:$0xBFA0] =	vst v63  }
0x52: {  	_ =	swait.ge [sflag:s16], $0x1F40  }
0x53: {  	[sflag:s16] =	ssyncset.done $0x0  }
0x54: {  	s1 =	rddreg [dreg:$0x10];
	[sflag:s16] =	ssyncadd.s32 $0xFFFFE0C0  }
0x55: {  	[spmem:s2] =	stream.indirect.scatter.add.f32 [tilespmem:s12], [sflag:$0x7], $0x8, s1, s6, $0xb8;
	[tilespmem:$0xBFA0] =	vst v63  }
0x56: {  	_ =	swait.ge [sflag:s9], $0x1F40  }
0x57: {  	[sflag:s9] =	ssyncset.done $0x0  }
0x58: {  	[sflag:s9] =	ssyncadd.s32 $0xFFFFE0C0  }
0x59: {  	[tilespmem:s7], [sflag:$0x3] =	stream.indirect.gather [hbm4b:s4+s6], $0x8, s26, s6, $0xb8;
	[tilespmem:$0xBFA0] =	vst v63  }
0x5a: {  	_ =	swait.ge [sflag:s14], $0x1F40  }
0x5b: {  	[sflag:s14] =	ssyncset.done $0x0  }
0x5c: {  	[sflag:s14] =	ssyncadd.s32 $0xFFFFE0C0  }
0x5d: {  	[spmem:s2] =	stream.indirect.scatter.add.f32 [tilespmem:s11], [sflag:$0x8], $0x8, s25, s6, $0xb8;
	[tilespmem:$0xBFA0] =	vst v63  }
0x5e: {  	_ =	swait.ge [sflag:s10], $0x1F40  }
0x5f: {  	[sflag:s10] =	ssyncset.done $0x0  }
0x60: {  	[sflag:s10] =	ssyncadd.s32 $0xFFFFE0C0  }
0x61: {  	[tilespmem:s12], [sflag:$0x4] =	stream.indirect.gather [hbm4b:s4+s6], $0x8, s24, s6, $0xb8;
	[tilespmem:$0xBFA0] =	vst v63  }
0x62: {  	_ =	swait.ge [sflag:s8], $0x1F40  }
0x63: {  	[sflag:s8] =	ssyncset.done $0x0  }
0x64: {  	[sflag:s8] =	ssyncadd.s32 $0xFFFFE0C0  }
0x65: {  	[spmem:s2] =	stream.indirect.scatter.add.f32 [tilespmem:s7], [sflag:$0x6], $0x8, s23, s6, $0xb8;
	[tilespmem:$0xBFA0] =	vst v63  }
0x66: {  	_ =	swait.ge [sflag:s13], $0x1F40  }
0x67: {  	[sflag:s13] =	ssyncset.done $0x0  }
0x68: {  	[sflag:s13] =	ssyncadd.s32 $0xFFFFE0C0  }
0x69: {  	[tilespmem:s11], [sflag:$0x5] =	stream.indirect.gather [hbm4b:s4+s6], $0x8, s21, s6, $0xb8;
	[tilespmem:$0xBFA0] =	vst v63  }
0x6a: {  	_ =	swait.ge [sflag:s16], $0x1F40  }
0x6b: {  	[sflag:s16] =	ssyncset.done $0x0  }
0x6c: {  	[sflag:s16] =	ssyncadd.s32 $0xFFFFE0C0  }
0x6d: {  	[spmem:s2] =	stream.indirect.scatter.add.f32 [tilespmem:s12], [sflag:$0x7], $0x8, s22, s6, $0xb8;
	[tilespmem:$0xBFA0] =	vst v63  }
0x6e: {  	_ =	swait.ge [sflag:s9], $0x1F40  }
0x6f: {  	[sflag:s9] =	ssyncset.done $0x0  }
0x70: {  	[sflag:s9] =	ssyncadd.s32 $0xFFFFE0C0  }
0x71: {  	[tilespmem:s7], [sflag:$0x3] =	stream.indirect.gather [hbm4b:s4+s6], $0x8, s20, s6, $0xb8;
	[tilespmem:$0xBFA0] =	vst v63  }
0x72: {  	_ =	swait.ge [sflag:s14], $0x1F40  }
0x73: {  	[sflag:s14] =	ssyncset.done $0x0  }
0x74: {  	[sflag:s14] =	ssyncadd.s32 $0xFFFFE0C0  }
0x75: {  	[spmem:s2] =	stream.indirect.scatter.add.f32 [tilespmem:s11], [sflag:$0x8], $0x8, s19, s6, $0xb8;
	[tilespmem:$0xBFA0] =	vst v63  }
0x76: {  	_ =	swait.ge [sflag:s8], $0x1F40  }
0x77: {  	[sflag:s8] =	ssyncset.done $0x0  }
0x78: {  	[sflag:s8] =	ssyncadd.s32 $0xFFFFE0C0  }
0x79: {  	[spmem:s2] =	stream.indirect.scatter.add.f32 [tilespmem:s7], [sflag:$0x6], $0x8, s18, s6, $0xb8;
	[tilespmem:$0xBFA0] =	vst v63  }
0x7a: {  	_ =	swait.ge [sflag:s9], $0x1F40  }
0x7b: {  	[sflag:s9] =	ssyncset.done $0x0  }
0x7c: {  	[sflag:s9] =	ssyncadd.s32 $0xFFFFE0C0  }
0x7d: {  	_ =	swait.ge [sflag:s13], $0x1F40  }
0x7e: {  	[sflag:s13] =	ssyncset.done $0x0  }
0x7f: {  	[sflag:s13] =	ssyncadd.s32 $0xFFFFE0C0  }
0x80: {  	_ =	swait.ge [sflag:s10], $0x1F40  }
0x81: {  	[sflag:s10] =	ssyncset.done $0x0  }
0x82: {  	[sflag:s10] =	ssyncadd.s32 $0xFFFFE0C0  }
0x83: {  	p1 =	sne.s32 s0, $0x1;
	[bflag:$0x0] =	sbarrier.arrive $0xFFFF  }
.Ltmp1:
0x84: {  	s1 =	rddreg [dreg:$0x6];
	(pc) =	sbr.rel @!p1 .LBB2_2-.Ltmp1, $4  }
0x85: {  	s31 =	sor.u32 $0x1C09, s3;
	[dreg:$0x11] =	wrdreg s3  }
0x86: {  	[hbm:s1], [sflag:s31] =	dma.local [spmem:s5], $0x278  }
0x87: {  	s0 =	sadd.s32 $0xFFFFFFFF, s0;
	_ =	swait.ge [sflag:s15], $0x278  }
0x88: {  	p0 =	por $0x1, $0x1;
	s1 =	rddreg [dreg:$0x4];
	[sflag:s15] =	ssyncset.done $0x0  }
.LBB2_3:
0x89: {  	s3 =	rddreg [dreg:$0x5];
	[sflag:s15] =	ssyncadd.s32 $0xFFFFFD88  }
0x8a: {  	[spmem:s5], [sflag:s3] =	dma.local [hbm:s1], $0x278  }
0x8b: {  	s1 =	rddreg [dreg:$0x7]  }
0x8c: {  	[tilespmem:s17], [sflag:$0x2] =	stream.linear.gather [hbm4b:s1+s17], $0x2710, $0x38;
	[tilespmem:$0xBFA0] =	vst v63  }
0x8d: {  	s3 =	rddreg [dreg:$0x8]  }
0x8e: {  	[tilespmem:s28], [sflag:$0x2] =	stream.linear.gather [hbm4b:s3+s17], $0x2710, $0x38;
	[tilespmem:$0xBFA0] =	vst v63  }
0x8f: {  	_ =	swait.ge [sflag:s30], $0x2710  }
0x90: {  	[sflag:s30] =	ssyncset.done $0x0  }
0x91: {  	[sflag:s30] =	ssyncadd.s32 $0xFFFFD8F0  }
0x92: {  	_ =	swait.ge [sflag:s30], $0x2710  }
0x93: {  	[sflag:s30] =	ssyncset.done $0x0  }
0x94: {  	[sflag:s30] =	ssyncadd.s32 $0xFFFFD8F0  }
0x95: {  	_ =	swait.ge [sflag:s29], $0x278  }
0x96: {  	[sflag:s29] =	ssyncset.done $0x0  }
0x97: {  	[sflag:s29] =	ssyncadd.s32 $0xFFFFFD88  }
0x98: {  	[bflag:$0x0] =	sbarrier.arrive $0xFFFF  }
0x99: {  	[tilespmem:s7], [sflag:$0x3] =	stream.indirect.gather [hbm4b:s4+s6], $0x8, s17, s6, $0xb8;
	[tilespmem:$0xBFA0] =	vst v63  }
0x9a: {  	_ = 	snop  }
0x9b: {  	[tilespmem:s12], [sflag:$0x4] =	stream.indirect.gather [hbm4b:s4+s6], $0x8, s6, s6, $0xb8;
	[tilespmem:$0xBFA0] =	vst v63  }
0x9c: {  	_ =	swait.ge [sflag:s8], $0x1F40  }
0x9d: {  	[sflag:s8] =	ssyncset.done $0x0  }
0x9e: {  	[sflag:s8] =	ssyncadd.s32 $0xFFFFE0C0  }
0x9f: {  	[spmem:s2] =	stream.indirect.scatter.add.f32 [tilespmem:s7], [sflag:$0x6], $0x8, s28, s6, $0xb8;
	[tilespmem:$0xBFA0] =	vst v63  }
0xa0: {  	s3 =	rddreg [dreg:$0x9]  }
0xa1: {  	[tilespmem:s11], [sflag:$0x5] =	stream.indirect.gather [hbm4b:s4+s6], $0x8, s3, s6, $0xb8;
	[tilespmem:$0xBFA0] =	vst v63  }
0xa2: {  	_ =	swait.ge [sflag:s16], $0x1F40  }
0xa3: {  	[sflag:s16] =	ssyncset.done $0x0  }
0xa4: {  	s3 =	rddreg [dreg:$0xa];
	[sflag:s16] =	ssyncadd.s32 $0xFFFFE0C0  }
0xa5: {  	[spmem:s2] =	stream.indirect.scatter.add.f32 [tilespmem:s12], [sflag:$0x7], $0x8, s3, s6, $0xb8;
	[tilespmem:$0xBFA0] =	vst v63  }
0xa6: {  	_ =	swait.ge [sflag:s9], $0x1F40  }
0xa7: {  	[sflag:s9] =	ssyncset.done $0x0  }
0xa8: {  	s3 =	rddreg [dreg:$0xb];
	[sflag:s9] =	ssyncadd.s32 $0xFFFFE0C0  }
0xa9: {  	[tilespmem:s7], [sflag:$0x3] =	stream.indirect.gather [hbm4b:s4+s6], $0x8, s3, s6, $0xb8;
	[tilespmem:$0xBFA0] =	vst v63  }
0xaa: {  	_ =	swait.ge [sflag:s14], $0x1F40  }
0xab: {  	[sflag:s14] =	ssyncset.done $0x0  }
0xac: {  	s3 =	rddreg [dreg:$0xc];
	[sflag:s14] =	ssyncadd.s32 $0xFFFFE0C0  }
0xad: {  	[spmem:s2] =	stream.indirect.scatter.add.f32 [tilespmem:s11], [sflag:$0x8], $0x8, s3, s6, $0xb8;
	[tilespmem:$0xBFA0] =	vst v63  }
0xae: {  	_ =	swait.ge [sflag:s10], $0x1F40  }
0xaf: {  	[sflag:s10] =	ssyncset.done $0x0  }
0xb0: {  	s3 =	rddreg [dreg:$0xd];
	[sflag:s10] =	ssyncadd.s32 $0xFFFFE0C0  }
0xb1: {  	[tilespmem:s12], [sflag:$0x4] =	stream.indirect.gather [hbm4b:s4+s6], $0x8, s3, s6, $0xb8;
	[tilespmem:$0xBFA0] =	vst v63  }
0xb2: {  	_ =	swait.ge [sflag:s8], $0x1F40  }
0xb3: {  	[sflag:s8] =	ssyncset.done $0x0  }
0xb4: {  	s3 =	rddreg [dreg:$0xe];
	[sflag:s8] =	ssyncadd.s32 $0xFFFFE0C0  }
0xb5: {  	[spmem:s2] =	stream.indirect.scatter.add.f32 [tilespmem:s7], [sflag:$0x6], $0x8, s3, s6, $0xb8;
	[tilespmem:$0xBFA0] =	vst v63  }
0xb6: {  	_ =	swait.ge [sflag:s13], $0x1F40  }
0xb7: {  	[sflag:s13] =	ssyncset.done $0x0  }
0xb8: {  	s3 =	rddreg [dreg:$0xf];
	[sflag:s13] =	ssyncadd.s32 $0xFFFFE0C0  }
0xb9: {  	[tilespmem:s11], [sflag:$0x5] =	stream.indirect.gather [hbm4b:s4+s6], $0x8, s3, s6, $0xb8;
	[tilespmem:$0xBFA0] =	vst v63  }
0xba: {  	_ =	swait.ge [sflag:s16], $0x1F40  }
0xbb: {  	[sflag:s16] =	ssyncset.done $0x0  }
0xbc: {  	s3 =	rddreg [dreg:$0x10];
	[sflag:s16] =	ssyncadd.s32 $0xFFFFE0C0  }
0xbd: {  	[spmem:s2] =	stream.indirect.scatter.add.f32 [tilespmem:s12], [sflag:$0x7], $0x8, s3, s6, $0xb8;
	[tilespmem:$0xBFA0] =	vst v63  }
0xbe: {  	_ =	swait.ge [sflag:s9], $0x1F40  }
0xbf: {  	[sflag:s9] =	ssyncset.done $0x0  }
0xc0: {  	[sflag:s9] =	ssyncadd.s32 $0xFFFFE0C0  }
0xc1: {  	[tilespmem:s7], [sflag:$0x3] =	stream.indirect.gather [hbm4b:s4+s6], $0x8, s26, s6, $0xb8;
	[tilespmem:$0xBFA0] =	vst v63  }
0xc2: {  	_ =	swait.ge [sflag:s14], $0x1F40  }
0xc3: {  	[sflag:s14] =	ssyncset.done $0x0  }
0xc4: {  	[sflag:s14] =	ssyncadd.s32 $0xFFFFE0C0  }
0xc5: {  	[spmem:s2] =	stream.indirect.scatter.add.f32 [tilespmem:s11], [sflag:$0x8], $0x8, s25, s6, $0xb8;
	[tilespmem:$0xBFA0] =	vst v63  }
0xc6: {  	_ =	swait.ge [sflag:s10], $0x1F40  }
0xc7: {  	[sflag:s10] =	ssyncset.done $0x0  }
0xc8: {  	[sflag:s10] =	ssyncadd.s32 $0xFFFFE0C0  }
0xc9: {  	[tilespmem:s12], [sflag:$0x4] =	stream.indirect.gather [hbm4b:s4+s6], $0x8, s24, s6, $0xb8;
	[tilespmem:$0xBFA0] =	vst v63  }
0xca: {  	_ =	swait.ge [sflag:s8], $0x1F40  }
0xcb: {  	[sflag:s8] =	ssyncset.done $0x0  }
0xcc: {  	[sflag:s8] =	ssyncadd.s32 $0xFFFFE0C0  }
0xcd: {  	[spmem:s2] =	stream.indirect.scatter.add.f32 [tilespmem:s7], [sflag:$0x6], $0x8, s23, s6, $0xb8;
	[tilespmem:$0xBFA0] =	vst v63  }
0xce: {  	_ =	swait.ge [sflag:s13], $0x1F40  }
0xcf: {  	[sflag:s13] =	ssyncset.done $0x0  }
0xd0: {  	[sflag:s13] =	ssyncadd.s32 $0xFFFFE0C0  }
0xd1: {  	[tilespmem:s11], [sflag:$0x5] =	stream.indirect.gather [hbm4b:s4+s6], $0x8, s21, s6, $0xb8;
	[tilespmem:$0xBFA0] =	vst v63  }
0xd2: {  	_ =	swait.ge [sflag:s16], $0x1F40  }
0xd3: {  	[sflag:s16] =	ssyncset.done $0x0  }
0xd4: {  	[sflag:s16] =	ssyncadd.s32 $0xFFFFE0C0  }
0xd5: {  	[spmem:s2] =	stream.indirect.scatter.add.f32 [tilespmem:s12], [sflag:$0x7], $0x8, s22, s6, $0xb8;
	[tilespmem:$0xBFA0] =	vst v63  }
0xd6: {  	_ =	swait.ge [sflag:s9], $0x1F40  }
0xd7: {  	[sflag:s9] =	ssyncset.done $0x0  }
0xd8: {  	[sflag:s9] =	ssyncadd.s32 $0xFFFFE0C0  }
0xd9: {  	[tilespmem:s7], [sflag:$0x3] =	stream.indirect.gather [hbm4b:s4+s6], $0x8, s20, s6, $0xb8;
	[tilespmem:$0xBFA0] =	vst v63  }
0xda: {  	_ =	swait.ge [sflag:s14], $0x1F40  }
0xdb: {  	[sflag:s14] =	ssyncset.done $0x0  }
0xdc: {  	[sflag:s14] =	ssyncadd.s32 $0xFFFFE0C0  }
0xdd: {  	[spmem:s2] =	stream.indirect.scatter.add.f32 [tilespmem:s11], [sflag:$0x8], $0x8, s19, s6, $0xb8;
	[tilespmem:$0xBFA0] =	vst v63  }
0xde: {  	_ =	swait.ge [sflag:s8], $0x1F40  }
0xdf: {  	[sflag:s8] =	ssyncset.done $0x0  }
0xe0: {  	[sflag:s8] =	ssyncadd.s32 $0xFFFFE0C0  }
0xe1: {  	[spmem:s2] =	stream.indirect.scatter.add.f32 [tilespmem:s7], [sflag:$0x6], $0x8, s18, s6, $0xb8;
	[tilespmem:$0xBFA0] =	vst v63  }
0xe2: {  	_ =	swait.ge [sflag:s9], $0x1F40  }
0xe3: {  	[sflag:s9] =	ssyncset.done $0x0  }
0xe4: {  	[sflag:s9] =	ssyncadd.s32 $0xFFFFE0C0  }
0xe5: {  	_ =	swait.ge [sflag:s13], $0x1F40  }
0xe6: {  	[sflag:s13] =	ssyncset.done $0x0  }
0xe7: {  	[sflag:s13] =	ssyncadd.s32 $0xFFFFE0C0  }
0xe8: {  	_ =	swait.ge [sflag:s10], $0x1F40  }
0xe9: {  	[sflag:s10] =	ssyncset.done $0x0  }
0xea: {  	p1 =	sne.s32 s0, $0x1;
	[sflag:s10] =	ssyncadd.s32 $0xFFFFE0C0  }
.Ltmp2:
0xeb: {  	[bflag:$0x0] =	sbarrier.arrive $0xFFFF;
	(pc) =	sbr.rel @p1 .LBB2_3-.Ltmp2, $4  }
0xec: {  	s3 =	rddreg [dreg:$0x6]  }
0xed: {  	[hbm:s3], [sflag:s31] =	dma.local [spmem:s5], $0x278  }
0xee: {  	_ =	swait.ge [sflag:s15], $0x278  }
0xef: {  	s0 =	sadd.s32 $0xFFFFFFFF, s0;
	s1 =	rddreg [dreg:$0x4];
	[sflag:s15] =	ssyncset.done $0x0  }
0xf0: {  	s31 =	rddreg [dreg:$0x3]  }
0xf1: {  	s3 =	rddreg [dreg:$0x11]  }
.LBB2_5:
0xf2: {  	s0 =	rddreg [dreg:$0x5];
	[sflag:s15] =	ssyncadd.s32 @p0 $0xFFFFFD88  }
0xf3: {  	[spmem:s5], [sflag:s0] =	dma.local [hbm:s1], $0x278  }
0xf4: {  	s0 =	rddreg [dreg:$0x7]  }
0xf5: {  	[tilespmem:s17], [sflag:$0x2] =	stream.linear.gather [hbm4b:s0+s17], $0x2710, $0x38;
	[tilespmem:$0xBFA0] =	vst v63  }
0xf6: {  	s1 =	rddreg [dreg:$0x8]  }
0xf7: {  	[tilespmem:s28], [sflag:$0x2] =	stream.linear.gather [hbm4b:s1+s17], $0x2710, $0x38;
	[tilespmem:$0xBFA0] =	vst v63  }
0xf8: {  	_ =	swait.ge [sflag:s30], $0x2710  }
0xf9: {  	[sflag:s30] =	ssyncset.done $0x0  }
0xfa: {  	[sflag:s30] =	ssyncadd.s32 $0xFFFFD8F0  }
0xfb: {  	_ =	swait.ge [sflag:s30], $0x2710  }
0xfc: {  	[sflag:s30] =	ssyncset.done $0x0  }
0xfd: {  	[sflag:s30] =	ssyncadd.s32 $0xFFFFD8F0  }
0xfe: {  	_ =	swait.ge [sflag:s29], $0x278  }
0xff: {  	[sflag:s29] =	ssyncset.done $0x0  }
0x100: {  	[sflag:s29] =	ssyncadd.s32 $0xFFFFFD88  }
0x101: {  	[bflag:$0x0] =	sbarrier.arrive $0xFFFF  }
0x102: {  	[tilespmem:s7], [sflag:$0x3] =	stream.indirect.gather [hbm4b:s4+s6], $0x8, s17, s6, $0xb8;
	[tilespmem:$0xBFA0] =	vst v63  }
0x103: {  	_ = 	snop  }
0x104: {  	[tilespmem:s12], [sflag:$0x4] =	stream.indirect.gather [hbm4b:s4+s6], $0x8, s6, s6, $0xb8;
	[tilespmem:$0xBFA0] =	vst v63  }
0x105: {  	_ =	swait.ge [sflag:s8], $0x1F40  }
0x106: {  	[sflag:s8] =	ssyncset.done $0x0  }
0x107: {  	[sflag:s8] =	ssyncadd.s32 $0xFFFFE0C0  }
0x108: {  	[spmem:s2] =	stream.indirect.scatter.add.f32 [tilespmem:s7], [sflag:$0x6], $0x8, s28, s6, $0xb8;
	[tilespmem:$0xBFA0] =	vst v63  }
0x109: {  	s30 =	rddreg [dreg:$0x9]  }
0x10a: {  	[tilespmem:s11], [sflag:$0x5] =	stream.indirect.gather [hbm4b:s4+s6], $0x8, s30, s6, $0xb8;
	[tilespmem:$0xBFA0] =	vst v63  }
0x10b: {  	_ =	swait.ge [sflag:s16], $0x1F40  }
0x10c: {  	[sflag:s16] =	ssyncset.done $0x0  }
0x10d: {  	s1 =	rddreg [dreg:$0xa];
	[sflag:s16] =	ssyncadd.s32 $0xFFFFE0C0  }
0x10e: {  	[spmem:s2] =	stream.indirect.scatter.add.f32 [tilespmem:s12], [sflag:$0x7], $0x8, s1, s6, $0xb8;
	[tilespmem:$0xBFA0] =	vst v63  }
0x10f: {  	_ =	swait.ge [sflag:s9], $0x1F40  }
0x110: {  	[sflag:s9] =	ssyncset.done $0x0  }
0x111: {  	s17 =	rddreg [dreg:$0xb];
	[sflag:s9] =	ssyncadd.s32 $0xFFFFE0C0  }
0x112: {  	[tilespmem:s7], [sflag:$0x3] =	stream.indirect.gather [hbm4b:s4+s6], $0x8, s17, s6, $0xb8;
	[tilespmem:$0xBFA0] =	vst v63  }
0x113: {  	_ =	swait.ge [sflag:s14], $0x1F40  }
0x114: {  	[sflag:s14] =	ssyncset.done $0x0  }
0x115: {  	s28 =	rddreg [dreg:$0xc];
	[sflag:s14] =	ssyncadd.s32 $0xFFFFE0C0  }
0x116: {  	[spmem:s2] =	stream.indirect.scatter.add.f32 [tilespmem:s11], [sflag:$0x8], $0x8, s28, s6, $0xb8;
	[tilespmem:$0xBFA0] =	vst v63  }
0x117: {  	_ =	swait.ge [sflag:s10], $0x1F40  }
0x118: {  	[sflag:s10] =	ssyncset.done $0x0  }
0x119: {  	s29 =	rddreg [dreg:$0xd];
	[sflag:s10] =	ssyncadd.s32 $0xFFFFE0C0  }
0x11a: {  	[tilespmem:s12], [sflag:$0x4] =	stream.indirect.gather [hbm4b:s4+s6], $0x8, s29, s6, $0xb8;
	[tilespmem:$0xBFA0] =	vst v63  }
0x11b: {  	_ =	swait.ge [sflag:s8], $0x1F40  }
0x11c: {  	[sflag:s8] =	ssyncset.done $0x0  }
0x11d: {  	s30 =	rddreg [dreg:$0xe];
	[sflag:s8] =	ssyncadd.s32 $0xFFFFE0C0  }
0x11e: {  	[spmem:s2] =	stream.indirect.scatter.add.f32 [tilespmem:s7], [sflag:$0x6], $0x8, s30, s6, $0xb8;
	[tilespmem:$0xBFA0] =	vst v63  }
0x11f: {  	_ =	swait.ge [sflag:s13], $0x1F40  }
0x120: {  	[sflag:s13] =	ssyncset.done $0x0  }
0x121: {  	s1 =	rddreg [dreg:$0xf];
	[sflag:s13] =	ssyncadd.s32 $0xFFFFE0C0  }
0x122: {  	[tilespmem:s11], [sflag:$0x5] =	stream.indirect.gather [hbm4b:s4+s6], $0x8, s1, s6, $0xb8;
	[tilespmem:$0xBFA0] =	vst v63  }
0x123: {  	_ =	swait.ge [sflag:s16], $0x1F40  }
0x124: {  	[sflag:s16] =	ssyncset.done $0x0  }
0x125: {  	s17 =	rddreg [dreg:$0x10];
	[sflag:s16] =	ssyncadd.s32 $0xFFFFE0C0  }
0x126: {  	[spmem:s2] =	stream.indirect.scatter.add.f32 [tilespmem:s12], [sflag:$0x7], $0x8, s17, s6, $0xb8;
	[tilespmem:$0xBFA0] =	vst v63  }
0x127: {  	_ =	swait.ge [sflag:s9], $0x1F40  }
0x128: {  	[sflag:s9] =	ssyncset.done $0x0  }
0x129: {  	[sflag:s9] =	ssyncadd.s32 $0xFFFFE0C0  }
0x12a: {  	[tilespmem:s7], [sflag:$0x3] =	stream.indirect.gather [hbm4b:s4+s6], $0x8, s26, s6, $0xb8;
	[tilespmem:$0xBFA0] =	vst v63  }
0x12b: {  	_ =	swait.ge [sflag:s14], $0x1F40  }
0x12c: {  	[sflag:s14] =	ssyncset.done $0x0  }
0x12d: {  	[sflag:s14] =	ssyncadd.s32 $0xFFFFE0C0  }
0x12e: {  	[spmem:s2] =	stream.indirect.scatter.add.f32 [tilespmem:s11], [sflag:$0x8], $0x8, s25, s6, $0xb8;
	[tilespmem:$0xBFA0] =	vst v63  }
0x12f: {  	_ =	swait.ge [sflag:s10], $0x1F40  }
0x130: {  	[sflag:s10] =	ssyncset.done $0x0  }
0x131: {  	[sflag:s10] =	ssyncadd.s32 $0xFFFFE0C0  }
0x132: {  	[tilespmem:s12], [sflag:$0x4] =	stream.indirect.gather [hbm4b:s4+s6], $0x8, s24, s6, $0xb8;
	[tilespmem:$0xBFA0] =	vst v63  }
0x133: {  	_ =	swait.ge [sflag:s8], $0x1F40  }
0x134: {  	[sflag:s8] =	ssyncset.done $0x0  }
0x135: {  	[sflag:s8] =	ssyncadd.s32 $0xFFFFE0C0  }
0x136: {  	[spmem:s2] =	stream.indirect.scatter.add.f32 [tilespmem:s7], [sflag:$0x6], $0x8, s23, s6, $0xb8;
	[tilespmem:$0xBFA0] =	vst v63  }
0x137: {  	_ =	swait.ge [sflag:s13], $0x1F40  }
0x138: {  	[sflag:s13] =	ssyncset.done $0x0  }
0x139: {  	[sflag:s13] =	ssyncadd.s32 $0xFFFFE0C0  }
0x13a: {  	[tilespmem:s11], [sflag:$0x5] =	stream.indirect.gather [hbm4b:s4+s6], $0x8, s21, s6, $0xb8;
	[tilespmem:$0xBFA0] =	vst v63  }
0x13b: {  	_ =	swait.ge [sflag:s16], $0x1F40  }
0x13c: {  	[sflag:s16] =	ssyncset.done $0x0  }
0x13d: {  	[sflag:s16] =	ssyncadd.s32 $0xFFFFE0C0  }
0x13e: {  	[spmem:s2] =	stream.indirect.scatter.add.f32 [tilespmem:s12], [sflag:$0x7], $0x8, s22, s6, $0xb8;
	[tilespmem:$0xBFA0] =	vst v63  }
0x13f: {  	_ =	swait.ge [sflag:s9], $0x1F40  }
0x140: {  	[sflag:s9] =	ssyncset.done $0x0  }
0x141: {  	[sflag:s9] =	ssyncadd.s32 $0xFFFFE0C0  }
0x142: {  	[tilespmem:s7], [sflag:$0x3] =	stream.indirect.gather [hbm4b:s4+s6], $0x8, s20, s6, $0xb8;
	[tilespmem:$0xBFA0] =	vst v63  }
0x143: {  	_ =	swait.ge [sflag:s14], $0x1F40  }
0x144: {  	[sflag:s14] =	ssyncset.done $0x0  }
0x145: {  	[sflag:s14] =	ssyncadd.s32 $0xFFFFE0C0  }
0x146: {  	[spmem:s2] =	stream.indirect.scatter.add.f32 [tilespmem:s11], [sflag:$0x8], $0x8, s19, s6, $0xb8;
	[tilespmem:$0xBFA0] =	vst v63  }
0x147: {  	_ =	swait.ge [sflag:s8], $0x1F40  }
0x148: {  	[sflag:s8] =	ssyncset.done $0x0  }
0x149: {  	[sflag:s8] =	ssyncadd.s32 $0xFFFFE0C0  }
0x14a: {  	[spmem:s2] =	stream.indirect.scatter.add.f32 [tilespmem:s7], [sflag:$0x6], $0x8, s18, s6, $0xb8;
	[tilespmem:$0xBFA0] =	vst v63  }
0x14b: {  	_ =	swait.ge [sflag:s9], $0x1F40  }
0x14c: {  	[sflag:s9] =	ssyncset.done $0x0  }
0x14d: {  	[sflag:s9] =	ssyncadd.s32 $0xFFFFE0C0  }
0x14e: {  	_ =	swait.ge [sflag:s13], $0x1F40  }
0x14f: {  	[sflag:s13] =	ssyncset.done $0x0  }
0x150: {  	[sflag:s13] =	ssyncadd.s32 $0xFFFFE0C0  }
0x151: {  	_ =	swait.ge [sflag:s10], $0x1F40  }
0x152: {  	[sflag:s10] =	ssyncset.done $0x0  }
0x153: {  	[sflag:s10] =	ssyncadd.s32 $0xFFFFE0C0  }
0x154: {  	[bflag:$0x0] =	sbarrier.arrive $0xFFFF  }
0x155: {  	s29 =	sor.u32 $0x1C09, s3;
	s28 =	rddreg [dreg:$0x6]  }
0x156: {  	[hbm:s28], [sflag:s29] =	dma.local [spmem:s5], $0x278  }
0x157: {  	_ =	swait.ge [sflag:s15], $0x278  }
0x158: {  	[sflag:s15] =	ssyncset.done $0x0  }
0x159: {  	[sflag:s15] =	ssyncadd.s32 $0xFFFFFD88  }
0x15a: {  	_ =	sfence.sel $0x180000  }
0x15b: {  	s30 =	stileid.u32;
	[bflag:$0x0] =	sbarrier.arrive $0xFFFF  }
0x15c: {  	p0 =	sne.s32 s30, $0x0;
	_ =	strace $0x90000047  }
0x15d: {  	s0 =	sadd.s32 @!p0 $0x100000, s31;
	[bflag:$0x2] =	sbarrier.arrive $0xFFFF  }
0x15e: {  	[sflag:s0] =	ssyncadd.tile.s32 @!p0 $0x1;
	_ =	shalt  }
.LBB2_2:
.Ltmp3:
0x15f: {  	(pc) =	sbr.rel .LBB2_5-.Ltmp3, $3  }
0x160: {  	_ =	sdelay $0x1  }
0x161: {  	s31 =	rddreg [dreg:$0x3]  }
0x162: {  	s3 =	rddreg [dreg:$0x11]  }
.Lfunc_end2:
_tile_overlayer_lowered:
.L_overlay_start_2:
0x163: {  	(tag) =	ssettag $0x2  }
0x164: {  	s0 =	rddreg [dreg:$0x0];
	s2 =	stileid.u32  }
0x165: {  	s1 =	rddreg [dreg:$0x1];
	p0 =	sne.s32 s2, $0x0  }
0x166: {  	s3 =	rddreg [dreg:$0x2];
	[bflag:$0x3] =	sbarrier.arrive $0xFFFF;
	s2 =	simm.s32 @!p0 $0x1C09  }
0x167: {  	[timem:s3], [sflag:s2] =	dma.local @!p0 [hbm:s0], s1  }
0x168: {  	s0 =	simm.s32 @!p0 $0x9  }
0x169: {  	_ =	swait.ge @!p0 [sflag:s0], s1  }
0x16a: {  	s1 =	ssub.s32 @!p0 $0x0, s1;
	[sflag:s0] =	ssyncset.done @!p0 $0x0  }
0x16b: {  	[sflag:s0] =	ssyncadd.s32 @!p0 s1  }
0x16c: {  	[bflag:$0x3] =	sbarrier.arrive $0xFFFF  }
0x16d: {  	_ =	shalt  }

// kernel: kernel.9.cloned.1.call-start
scs
__scs_entry_jumppad:
0x0: {  	(pc) =	sbr.rel $0x88, $3  }
0x1: {  	(tag) =	ssettag $0x0;
	lr =	simm.s32 $0x1  }
0x2: {  	[smem:$0x3F9B] =	sst lr;
	_ =	strace $0xD0000000  }
0x3: {  	_ = 	snop  }
0x4: {  	_ = 	snop  }
0x5: {  	_ = 	snop  }
0x6: {  	_ = 	snop  }
0x7: {  	_ = 	snop  }
__scs_overlays_trampoline_lowered:
0x8: {  	[smem:$0x3FAA] =	sst s0  }
0x9: {  	[smem:$0x3FAB] =	sst s1  }
0xa: {  	[smem:$0x3FAC] =	sst s2  }
0xb: {  	[smem:$0x3FAD] =	sst s3  }
0xc: {  	[smem:$0x3FAE] =	sst s4  }
0xd: {  	[smem:$0x3FAF] =	sst s5  }
0xe: {  	[smem:$0x3FB0] =	sst s6  }
0xf: {  	[smem:$0x3FB1] =	sst s7  }
0x10: {  	[smem:$0x3FB2] =	sst s8  }
0x11: {  	[smem:$0x3FB3] =	sst s9;
	s0 =	simm.s32 @!p0 $0x0  }
0x12: {  	s1 =	sld [smem:$0x3F99];
	s0 =	simm.s32 @p0 $0x1  }
0x13: {  	[smem:$0x3FB4] =	sst s0;
	s0 =	simm.s32 @!p1 $0x0  }
0x14: {  	s2 =	sld [smem:$0x3F98];
	s0 =	simm.s32 @p1 $0x1  }
0x15: {  	[smem:$0x3FB5] =	sst s0;
	s0 =	simm.s32 @!p2 $0x0  }
0x16: {  	s3 =	sld [smem:$0x3FDB];
	s0 =	simm.s32 @p2 $0x1  }
0x17: {  	s4 =	simm.s32 $0x1BF5;
	[smem:$0x3FB7] =	sst s0  }
0x18: {  	s0 =	sld [smem:$0x3F9A];
	_ =	swait.ge [sflag:s4], $0x0  }
0x19: {  	s7 =	sld [smem:$0x3F9B]  }
0x1a: {  	s8 =	sadd.s32 $0xFFFFE003, lr  }
0x1b: {  	s9 =	sadd.s32 $0xFFFFFEF7, lr;
	s5 =	simm.s32 $0xFFFFFFFF;
	p2 =	slt.u32 s8, $0xFFFFF086  }
0x1c: {  	p1 =	slt.u32 s9, $0xF7A;
	s5 =	simm.s32 @!p2 $0x0  }
0x1d: {  	s5 =	simm.s32 @p1 $0x1;
	p0 =	seq.s32 s7, s2  }
0x1e: {  	s7 =	smul.u32 @!p0 $0xF7A, s2;
	p2 =	seq.s32 @!p0 s5, $0x0  }
0x1f: {  	s9 =	smul.u32 $0xF7A, s1;
	s8 =	simm.s32 @!p0 $0x1BF5;
	p2 =	por !p2, p0  }
0x20: {  	[sflag:s8] =	ssyncset.s32 @!p0 $0xFFFFF086;
	s6 =	sadd.s32 @!p0 s3, s7;
	s7 =	simm.s32 @!p0 $0x108  }
0x21: {  	s3 =	sadd.s32 s3, s9;
	s6 =	sadd.s32 @!p0 $0x88, s6;
	s7 =	simm.s32 @p2 $0x1082  }
0x22: {  	[simem:s7], [sflag:s8] =	dma.local @!p0 [hbm:s6], $0xF7A  }
0x23: {  	s9 =	sor.u32 $0xD0000000, s2;
	s6 =	simm.s32 $0x108;
	_ =	swait.ge @!p0 [sflag:s8], $0x0  }
0x24: {  	s3 =	sadd.s32 $0x88, s3;
	s6 =	simm.s32 @!p1 $0x1082;
	[sflag:s4] =	ssyncset.s32 $0xFFFFF086  }
0x25: {  	[simem:s6], [sflag:s4] =	dma.local [hbm:s3], $0xF7A  }
0x26: {  	[smem:$0x3F9B] =	sst s1;
	(tag) =	ssettag s2;
	_ =	strace s9  }
0x27: {  	s1 =	sld [smem:$0x3FAB]  }
0x28: {  	s2 =	sld [smem:$0x3FAC]  }
0x29: {  	s4 =	sld [smem:$0x3FAE]  }
0x2a: {  	p0 =	seq.s32 s5, $0x0;
	s5 =	sld [smem:$0x3FAF]  }
0x2b: {  	s6 =	sld [smem:$0x3FB0]  }
0x2c: {  	s7 =	sld [smem:$0x3FB1]  }
0x2d: {  	s3 =	simm.s32 $0x108;
	s8 =	sld [smem:$0x3FB2]  }
0x2e: {  	s3 =	simm.s32 @!p0 $0x1082;
	s9 =	sld [smem:$0x3FB3]  }
0x2f: {  	lr =	sadd.s32 s0, s3;
	s0 =	sld [smem:$0x3FAA]  }
0x30: {  	s3 =	sld [smem:$0x3FAD]  }
0x31: {  	[smem:$0x3FB6] =	sst s10  }
0x32: {  	s10 =	sld [smem:$0x3FB4];
	_ =	sdelay $0x3  }
0x33: {  	p0 =	seq.s32 s10, $0x1;
	s10 =	sld [smem:$0x3FB6];
	_ =	sdelay $0x3  }
0x34: {  	[smem:$0x3FB6] =	sst s10  }
0x35: {  	s10 =	sld [smem:$0x3FB5];
	_ =	sdelay $0x3  }
0x36: {  	p1 =	seq.s32 s10, $0x1;
	s10 =	sld [smem:$0x3FB6];
	_ =	sdelay $0x3  }
0x37: {  	[smem:$0x3FB6] =	sst s10  }
0x38: {  	s10 =	sld [smem:$0x3FB7]  }
0x39: {  	_ = 	snop;
	(pc) =	sbr.ind lr, $3  }
0x3a: {  	_ = 	snop  }
0x3b: {  	_ = 	snop  }
0x3c: {  	p2 =	seq.s32 s10, $0x1;
	s10 =	sld [smem:$0x3FB6]  }
0x3d: {  	_ =	shalt  }
0x3e: {  	_ =	shalt  }
0x3f: {  	_ =	shalt  }
0x40: {  	_ =	shalt  }
0x41: {  	_ =	shalt  }
0x42: {  	_ =	shalt  }
0x43: {  	_ =	shalt  }
0x44: {  	_ =	shalt  }
0x45: {  	_ =	shalt  }
0x46: {  	_ =	shalt  }
0x47: {  	_ =	shalt  }
0x48: {  	_ =	shalt  }
0x49: {  	_ =	shalt  }
0x4a: {  	_ =	shalt  }
0x4b: {  	_ =	shalt  }
0x4c: {  	_ =	shalt  }
0x4d: {  	_ =	shalt  }
0x4e: {  	_ =	shalt  }
0x4f: {  	_ =	shalt  }
0x50: {  	_ =	shalt  }
0x51: {  	_ =	shalt  }
0x52: {  	_ =	shalt  }
0x53: {  	_ =	shalt  }
0x54: {  	_ =	shalt  }
0x55: {  	_ =	shalt  }
0x56: {  	_ =	shalt  }
0x57: {  	_ =	shalt  }
0x58: {  	_ =	shalt  }
0x59: {  	_ =	shalt  }
0x5a: {  	_ =	shalt  }
0x5b: {  	_ =	shalt  }
0x5c: {  	_ =	shalt  }
0x5d: {  	_ =	shalt  }
0x5e: {  	_ =	shalt  }
0x5f: {  	_ =	shalt  }
0x60: {  	_ =	shalt  }
0x61: {  	_ =	shalt  }
0x62: {  	_ =	shalt  }
0x63: {  	_ =	shalt  }
0x64: {  	_ =	shalt  }
0x65: {  	_ =	shalt  }
0x66: {  	_ =	shalt  }
0x67: {  	_ =	shalt  }
0x68: {  	_ =	shalt  }
0x69: {  	_ =	shalt  }
0x6a: {  	_ =	shalt  }
0x6b: {  	_ =	shalt  }
0x6c: {  	_ =	shalt  }
0x6d: {  	_ =	shalt  }
0x6e: {  	_ =	shalt  }
0x6f: {  	_ =	shalt  }
0x70: {  	_ =	shalt  }
0x71: {  	_ =	shalt  }
0x72: {  	_ =	shalt  }
0x73: {  	_ =	shalt  }
0x74: {  	_ =	shalt  }
0x75: {  	_ =	shalt  }
0x76: {  	_ =	shalt  }
0x77: {  	_ =	shalt  }
0x78: {  	_ =	shalt  }
0x79: {  	_ =	shalt  }
0x7a: {  	_ =	shalt  }
0x7b: {  	_ =	shalt  }
0x7c: {  	_ =	shalt  }
0x7d: {  	_ =	shalt  }
0x7e: {  	_ =	shalt  }
0x7f: {  	_ =	shalt  }
0x80: {  	_ =	shalt  }
0x81: {  	_ =	shalt  }
0x82: {  	_ =	shalt  }
0x83: {  	_ =	shalt  }
0x84: {  	_ =	shalt  }
0x85: {  	_ =	shalt  }
0x86: {  	_ =	shalt  }
0x87: {  	_ =	shalt  }
.Lfunc_end0:
.L_simem_size_0:
called_computation.1_lowered:
.L_overlay_start_0:
0x88: {  	s2 =	sld [smem:$0x3FD9]  }
0x89: {  	s3 =	sld [smem:$0x3FFE];
	_ =	sdelay $0x1  }
0x8a: {  	s1 =	srdreg.scid  }
0x8b: {  	s0 =	sand.u32 $0x1, s1  }
0x8c: {  	s17 =	sshll.u32 s0, $0xA;
	s2 =	sadd.s32 s3, s2  }
0x8d: {  	s2 =	sadd.s32 s2, s17  }
0x8e: {  	[smem:$0x3FC2] =	sst s2  }
0x8f: {  	_ = 	snop  }
0x90: {  	s2 =	sld [smem:$0x3FD0];
	(tm) =	ssettm $0x1  }
0x91: {  	s18 =	sld [smem:$0x3FFB];
	_ =	sdelay $0x3  }
0x92: {  	_ =	strace s18  }
0x93: {  	s3 =	sld [smem:$0x3FFC];
	_ =	sdelay $0x3  }
0x94: {  	_ =	strace s3  }
0x95: {  	s3 =	sld [smem:$0x3FFD];
	_ =	sdelay $0x3  }
0x96: {  	_ =	strace s3  }
0x97: {  	_ =	strace $0x8FFFFFFF  }
0x98: {  	s19 =	sld [smem:$0x3FDB];
	_ =	sdelay $0x1  }
0x99: {  	s4 =	simm.s32 $_scs_section_size  }
0x9a: {  	s5 =	simm.s32 $_size__tile_overlayer_lowered;
	s6 =	simm.s32 $_tile_overlayer_lowered  }
0x9b: {  	s22 =	simm.s32 $0x1BFF;
	s21 =	sshll.u32 s6, $0x1;
	s3 =	sadd.s32 s4, s19  }
0x9c: {  	s7 =	simm.s32 $0x0;
	s20 =	sshll.u32 s5, $0x1;
	s5 =	sadd.s32 s21, s3  }
0x9d: {  	[timem:s7], [sflag:s22] =	dma.local [hbm:s5], s20  }
0x9e: {  	_ =	swait.ge [sflag:s22], s20  }
0x9f: {  	s4 =	ssub.s32 $0x0, s20;
	[sflag:s22] =	ssyncset.done $0x0  }
0xa0: {  	[sflag:s22] =	ssyncadd.s32 s4;
	_ =	sdelay $0x1  }
0xa1: {  	s23 =	simm.s32 $0x1B8B  }
0xa2: {  	_ =	swait.ge [sflag:s23], $0x1  }
0xa3: {  	[sflag:s23] =	ssyncset.done $0x0  }
0xa4: {  	s25 =	simm.s32 $0x1B8E;
	s24 =	sld [smem:$0x3FFE];
	[sflag:s23] =	ssyncadd.s32 $0xFFFFFFFF  }
0xa5: {  	s26 =	simm.s32 $execute0_lowered;
	[smem:$0x3FD2] =	sst s25  }
0xa6: {  	s5 =	sshll.u32 s26, $0x1;
	_ =	strace $0x80000049;
	[dreg:$0x1] =	wrdreg $0xFFFFFFFF  }
0xa7: {  	s28 =	simm.s32 $_size_execute0_lowered;
	s3 =	sadd.s32 s3, s5;
	[dreg:$0x0] =	wrdreg $0x0  }
0xa8: {  	s5 =	sshll.u32 s28, $0x1;
	[dreg:$0x2] =	wrdreg s3  }
0xa9: {  	[dreg:$0x3] =	wrdreg s5  }
0xaa: {  	[dreg:$0x4] =	wrdreg $0xC0  }
0xab: {  	_ =	task [dreg:s7], $0x5FFFF  }
0xac: {  	[dreg:$0x1] =	wrdreg $0xFFFFFFFF  }
0xad: {  	[dreg:$0x0] =	wrdreg $0x60  }
0xae: {  	[dreg:$0x2] =	wrdreg s24  }
0xaf: {  	[dreg:$0x3] =	wrdreg s2  }
0xb0: {  	[dreg:$0x4] =	wrdreg $0x140000  }
0xb1: {  	[dreg:$0x5] =	wrdreg $0x9  }
0xb2: {  	_ =	task.clear_ibuf [dreg:s7], $0x6FFFF;
	_ =	strace $0x90000049  }
0xb3: {  	s29 =	simm.s32 $0x9;
	_ =	strace $0x8000004B  }
0xb4: {  	_ =	swait.ge [sflag:s29], $0x1  }
0xb5: {  	[sflag:s29] =	ssyncadd.s32 $0xFFFFFFFF  }
0xb6: {  	_ =	strace $0x9000004B  }
0xb7: {  	_ =	sfence  }
0xb8: {  	s30 =	sld [smem:$0x0];
	_ =	sdelay $0x2  }
0xb9: {  	s31 =	sshll.u32 s1, $0xD;
	s1 =	sshrl.u32 s1, $0x2  }
0xba: {  	s3 =	sand.u32 $0x4000, s31;
	s1 =	sadd.s32 s1, s30  }
0xbb: {  	s0 =	sor.u32 s3, s0;
	s1 =	sshll.u32 s1, $0x11  }
0xbc: {  	s0 =	sor.u32 s1, s0  }
0xbd: {  	s0 =	sadd.s32 $0x8F2B, s0  }
0xbe: {  	[sflag:s0] =	ssyncadd.remote.s32 $0x1  }
0xbf: {  	_ =	sfence.sel $0xFFFF  }
0xc0: {  	[dreg:$0x0] =	wrdreg $0xFFFFFFFF;
	(pc) =	sbr.abs _section_cstart, $3  }
0xc1: {  	[dreg:$0x1] =	wrdreg $0xFFFFFFFF  }
0xc2: {  	_ =	task.clear_ibuf [dreg:s7], $0x2FFFF;
	_ =	strace $0x9FFFFFFF  }
0xc3: {  	(tm) =	ssettm $0x7FFFFFFF  }
tec
execute0_lowered:
.L_overlay_start_1:
0x0: {  	(tag) =	ssettag $0x1  }
0x1: {  	s0 =	rddreg [dreg:$0x0]  }
0x2: {  	s5 =	rddreg [dreg:$0x1]  }
0x3: {  	s2 =	rddreg [dreg:$0x2];
	s4 =	srdreg.scid  }
0x4: {  	s1 =	stileid.u32;
	s3 =	simm.s32 $0x0;
	s18 =	simm.s32 $0x140  }
0x5: {  	s19 =	simm.s32 $0x5000;
	s20 =	simm.s32 $0xA000;
	s21 =	simm.s32 $0x3  }
0x6: {  	s22 =	simm.s32 $0xF000;
	s23 =	simm.s32 $0x4;
	s24 =	simm.s32 $0x6  }
0x7: {  	s25 =	simm.s32 $0x5;
	s26 =	simm.s32 $0x8;
	s28 =	simm.s32 $0x7  }
0x8: {  	s29 =	simm.s32 $0x9;
	s16 =	sand.u32 $0x1, s4;
	s6 =	smul.u32 $0x9E00, s1  }
0x9: {  	[smem:$0x7FF] =	sst s3;
	s4 =	sadd.s32 $0x17600, s0;
	s10 =	smul.u32 $0x26C0, s1  }
0xa: {  	s11 =	sadd.s32 $0x3C00, s0;
	s31 =	smul.u32 $0x2800, s1;
	p1 =	slt.u32 s1, $0x8  }
0xb: {  	p2 =	sgt.u32 s1, $0x7;
	s7 =	smul.u32 $0x9E000, s16;
	s8 =	ssub.s32 $0x2, s16  }
0xc: {  	_ =	strace $0x8000004A;
	p0 =	seq.s32 s16, $0x1;
	s9 =	sshrl.u32 s8, $0x1  }
0xd: {  	s17 =	sadd.s32 s6, s2;
	s30 =	sshrl.u32 s10, $0x3;
	p1 =	por !p1, !p0  }
0xe: {  	p2 =	por !p2, !p0;
	s10 =	sshrl.u32 s31, $0x3;
	s7 =	sadd.s32 s6, s7  }
0xf: {  	s15 =	ssub.s32 s8, s9;
	s6 =	sshrl.u32 s6, $0x3;
	p0 =	por !p1, !p1  }
0x10: {  	p2 =	por !p2, !p2;
	s13 =	sadd.s32 s11, s10;
	p1 =	sne.s32 s16, $0x0  }
0x11: {  	s16 =	sshrl.u32 s17, $0x3;
	s17 =	simm.s32 $0x1;
	s7 =	sshrl.u32 s7, $0x3  }
.Ltmp0:
0x12: {  	s5 =	sadd.s32 s5, s6;
	s6 =	sshll.u32 s1, $0x6;
	(pc) =	sbr.rel .LBB2_1-.Ltmp0, $4  }
0x13: {  	s12 =	sadd.s32 $0x4D80, s13;
	s13 =	sadd.s32 $0xE9C0, s13;
	s15 =	smax.u32 s15, $0x1  }
0x14: {  	p2 =	por !p2, p0;
	s0 =	sadd.s32 s7, s0;
	s7 =	sadd.s32 s11, s30  }
0x15: {  	[dreg:$0x4] =	wrdreg s5;
	s8 =	sor.u32 $0x1C01, s6;
	s9 =	sadd.s32 $0x9C40, s7  }
0x16: {  	s10 =	sadd.s32 $0x4EC0, s7;
	s11 =	sadd.s32 $0xEB00, s7;
	s14 =	sadd.s32 $0x2B000, s0  }
.LBB2_21:
0x17: {  	_ =	swait.ge [sflag:s24], $0x5000  }
0x18: {  	[sflag:s24] =	ssyncset.done $0x0  }
0x19: {  	[sflag:s24] =	ssyncadd.s32 $0xFFFFB000  }
0x1a: {  	_ =	swait.ge [sflag:s26], $0x5000  }
0x1b: {  	[sflag:s26] =	ssyncset.done $0x0  }
0x1c: {  	[sflag:s26] =	ssyncadd.s32 $0xFFFFB000  }
0x1d: {  	_ =	swait.ge [sflag:s28], $0x5000  }
0x1e: {  	[sflag:s28] =	ssyncset.done $0x0  }
0x1f: {  	[sflag:s28] =	ssyncadd.s32 $0xFFFFB000  }
.LBB2_22:
0x20: {  	s3 =	sadd.s32 $0x1, s3  }
0x21: {  	p3 =	sne.s32 s3, s15  }
.Ltmp1:
0x22: {  	[bflag:$0x0] =	sbarrier.arrive $0xFFFF;
	s0 =	sor.u32 $0x1C09, s6;
	(pc) =	sbr.rel @!p3 .LBB2_23-.Ltmp1, $4  }
0x23: {  	[hbm:s14], [sflag:s0] =	dma.local [spmem:s16], $0x13C0  }
0x24: {  	_ =	swait.ge [sflag:s29], $0x13C0  }
0x25: {  	[sflag:s29] =	ssyncset.done $0x0  }
0x26: {  	[sflag:s29] =	ssyncadd.s32 $0xFFFFEC40  }
.LBB2_1:
0x27: {  	s0 =	rddreg [dreg:$0x4]  }
0x28: {  	[spmem:s16], [sflag:s8] =	dma.local [hbm:s0], $0x13C0  }
0x29: {  	s0 =	simm.s32 @!p1 $0x0  }
0x2a: {  	[tilespmem:s0], [sflag:$0x2] =	stream.linear.gather @!p1 [hbm4b:s7+s0], $0x26C0, $0x38;
	[tilespmem:$0x1DE00] =	vst v63  }
0x2b: {  	s30 =	simm.s32 @!p1 $0x2800  }
0x2c: {  	[tilespmem:s30], [sflag:$0x2] =	stream.linear.gather @!p1 [hbm4b:s9+s0], $0x26C0, $0x38;
	[tilespmem:$0x1DE00] =	vst v63  }
0x2d: {  	s0 =	simm.s32 @!p1 $0x2  }
0x2e: {  	_ =	swait.ge @!p1 [sflag:s0], $0x26C0  }
0x2f: {  	[sflag:s0] =	ssyncset.done @!p1 $0x0  }
0x30: {  	[sflag:s0] =	ssyncadd.s32 @!p1 $0xFFFFD940  }
0x31: {  	_ =	swait.ge @!p1 [sflag:s0], $0x26C0  }
0x32: {  	[sflag:s0] =	ssyncset.done @!p1 $0x0  }
0x33: {  	[sflag:s0] =	ssyncadd.s32 @!p1 $0xFFFFD940;
	s0 =	simm.s32 @!p2 $0x0  }
0x34: {  	[tilespmem:s0], [sflag:$0x2] =	stream.linear.gather @!p2 [hbm4b:s10+s0], $0x26C0, $0x38;
	[tilespmem:$0x1DE00] =	vst v63  }
0x35: {  	s30 =	simm.s32 @!p2 $0x2800  }
0x36: {  	[tilespmem:s30], [sflag:$0x2] =	stream.linear.gather @!p2 [hbm4b:s11+s0], $0x26C0, $0x38;
	[tilespmem:$0x1DE00] =	vst v63  }
0x37: {  	s0 =	simm.s32 @!p2 $0x2  }
0x38: {  	_ =	swait.ge @!p2 [sflag:s0], $0x26C0  }
0x39: {  	[sflag:s0] =	ssyncset.done @!p2 $0x0  }
0x3a: {  	[sflag:s0] =	ssyncadd.s32 @!p2 $0xFFFFD940  }
0x3b: {  	_ =	swait.ge @!p2 [sflag:s0], $0x26C0  }
0x3c: {  	[sflag:s0] =	ssyncset.done @!p2 $0x0  }
0x3d: {  	[sflag:s0] =	ssyncadd.s32 @!p2 $0xFFFFD940;
	s0 =	simm.s32 @p0 $0x0  }
0x3e: {  	[tilespmem:s0], [sflag:$0x2] =	stream.linear.gather @p0 [hbm4b:s12+s0], $0x2800, $0x38;
	[tilespmem:$0x1DE00] =	vst v63  }
0x3f: {  	s30 =	simm.s32 @p0 $0x2800  }
0x40: {  	[tilespmem:s30], [sflag:$0x2] =	stream.linear.gather @p0 [hbm4b:s13+s0], $0x2800, $0x38;
	[tilespmem:$0x1DE00] =	vst v63  }
0x41: {  	s0 =	simm.s32 @p0 $0x2  }
0x42: {  	_ =	swait.ge @p0 [sflag:s0], $0x2800  }
0x43: {  	[sflag:s0] =	ssyncset.done @p0 $0x0  }
0x44: {  	[sflag:s0] =	ssyncadd.s32 @p0 $0xFFFFD800  }
0x45: {  	_ =	swait.ge @p0 [sflag:s0], $0x2800  }
0x46: {  	[sflag:s0] =	ssyncset.done @p0 $0x0  }
0x47: {  	[sflag:s0] =	ssyncadd.s32 @p0 $0xFFFFD800  }
.Ltmp2:
0x48: {  	_ =	swait.ge [sflag:s17], $0x13C0;
	(pc) =	sbr.rel @p1 .LBB2_8-.Ltmp2, $3  }
0x49: {  	[sflag:s17] =	ssyncset.done $0x0  }
0x4a: {  	[sflag:s17] =	ssyncadd.s32 $0xFFFFEC40  }
0x4b: {  	[bflag:$0x0] =	sbarrier.arrive $0xFFFF;
	_ =	sdelay $0x1  }
.Ltmp3:
0x4c: {  	(pc) =	sbr.rel .LBB2_3-.Ltmp3, $4  }
0x4d: {  	s30 =	simm.s32 $0x0  }
0x4e: {  	[tilespmem:s19], [sflag:$0x3] =	stream.indirect.gather [hbm4b:s4+s18], $0x40, s30, s18, $0xb8;
	[tilespmem:$0x1DE00] =	vst v63  }
0x4f: {  	s31 =	simm.s32 $0x0  }
0x50: {  	[tilespmem:s20], [sflag:$0x4] =	stream.indirect.gather [hbm4b:s4+s18], $0x40, s18, s18, $0xb8;
	[tilespmem:$0x1DE00] =	vst v63  }
.LBB2_6:
0x51: {  	s1 =	sadd.s32 $0x280, s0  }
0x52: {  	[tilespmem:s22], [sflag:$0x5] =	stream.indirect.gather [hbm4b:s4+s18], $0x40, s1, s18, $0xb8;
	[tilespmem:$0x1DE00] =	vst v63  }
0x53: {  	_ =	swait.ge [sflag:s23], $0x5000  }
0x54: {  	[sflag:s23] =	ssyncset.done $0x0  }
0x55: {  	s5 =	sadd.s32 $0x2940, s0;
	[sflag:s23] =	ssyncadd.s32 $0xFFFFB000  }
0x56: {  	[spmem:s2] =	stream.indirect.scatter.add.f32 [tilespmem:s20], [sflag:$0x7], $0x40, s5, s18, $0xb8;
	[tilespmem:$0x1DE00] =	vst v63  }
0x57: {  	_ =	swait.ge [sflag:s24], $0x5000  }
0x58: {  	[sflag:s24] =	ssyncset.done $0x0  }
0x59: {  	s5 =	sadd.s32 $0x3C0, s0;
	[sflag:s24] =	ssyncadd.s32 $0xFFFFB000  }
0x5a: {  	[tilespmem:s19], [sflag:$0x3] =	stream.indirect.gather [hbm4b:s4+s18], $0x40, s5, s18, $0xb8;
	[tilespmem:$0x1DE00] =	vst v63  }
0x5b: {  	_ =	swait.ge [sflag:s25], $0x5000  }
0x5c: {  	p3 =	sgt.u32 s31, $0x8;
	[sflag:s25] =	ssyncset.done $0x0  }
0x5d: {  	s5 =	sadd.s32 $0x2A80, s0;
	s0 =	simm.s32 @!p3 $0x7;
	[sflag:s25] =	ssyncadd.s32 $0xFFFFB000  }
0x5e: {  	[spmem:s2] =	stream.indirect.scatter.add.f32 [tilespmem:s22], [sflag:$0x8], $0x40, s5, s18, $0xb8;
	[tilespmem:$0x1DE00] =	vst v63  }
0x5f: {  	_ =	swait.ge @!p3 [sflag:s0], $0x5000  }
0x60: {  	[sflag:s0] =	ssyncset.done @!p3 $0x0  }
0x61: {  	s1 =	simm.s32 @!p3 $0x140;
	[sflag:s0] =	ssyncadd.s32 @!p3 $0xFFFFB000;
	s0 =	sshra.s32 @!p3 s30, $0x2  }
0x62: {  	s5 =	simm.s32 @!p3 $0xA000;
	s30 =	sadd.s32 $0xF00, s30;
	s0 =	sadd.s32 @!p3 $0x500, s0  }
0x63: {  	[tilespmem:s5], [sflag:$0x4] =	stream.indirect.gather @!p3 [hbm4b:s4+s1], $0x40, s0, s1, $0xb8;
	[tilespmem:$0x1DE00] =	vst v63  }
0x64: {  	p3 =	sne.s32 s30, $0xA500  }
.Ltmp4:
0x65: {  	_ = 	snop;
	(pc) =	sbr.rel @!p3 .LBB2_7-.Ltmp4, $2  }
0x66: {  	_ =	sdelay $0x2  }
0x67: {  	s31 =	sadd.s32 $0x1, s31  }
.LBB2_3:
0x68: {  	p3 =	seq.s32 s31, $0x0  }
.Ltmp5:
0x69: {  	_ = 	snop;
	(pc) =	sbr.rel @p3 .LBB2_6-.Ltmp5, $4  }
0x6a: {  	_ =	swait.ge [sflag:s21], $0x5000  }
0x6b: {  	s0 =	sshra.s32 s30, $0x2;
	[sflag:s21] =	ssyncset.done $0x0  }
0x6c: {  	s1 =	sadd.s32 $0x2800, s0;
	[sflag:s21] =	ssyncadd.s32 $0xFFFFB000  }
0x6d: {  	[spmem:s2] =	stream.indirect.scatter.add.f32 [tilespmem:s19], [sflag:$0x6], $0x40, s1, s18, $0xb8;
	[tilespmem:$0x1DE00] =	vst v63  }
0x6e: {  	p3 =	seq.s32 s31, $0xA  }
.Ltmp6:
0x6f: {  	_ = 	snop;
	(pc) =	sbr.rel @p3 .LBB2_7-.Ltmp6, $1  }
0x70: {  	_ =	sdelay $0x3  }
.Ltmp7:
0x71: {  	(pc) =	sbr.rel .LBB2_6-.Ltmp7, $4  }
0x72: {  	_ = 	snop  }
0x73: {  	_ =	swait.ge [sflag:s26], $0x5000  }
0x74: {  	[sflag:s26] =	ssyncset.done $0x0  }
0x75: {  	[sflag:s26] =	ssyncadd.s32 $0xFFFFB000  }
.LBB2_7:
0x76: {  	_ =	swait.ge [sflag:s24], $0x5000  }
0x77: {  	[sflag:s24] =	ssyncset.done $0x0  }
0x78: {  	[sflag:s24] =	ssyncadd.s32 $0xFFFFB000  }
0x79: {  	_ =	swait.ge [sflag:s26], $0x5000  }
0x7a: {  	[sflag:s26] =	ssyncset.done $0x0  }
0x7b: {  	[sflag:s26] =	ssyncadd.s32 $0xFFFFB000  }
0x7c: {  	_ =	swait.ge [sflag:s28], $0x5000  }
0x7d: {  	[sflag:s28] =	ssyncset.done $0x0  }
0x7e: {  	[sflag:s28] =	ssyncadd.s32 $0xFFFFB000  }
.LBB2_8:
.Ltmp8:
0x7f: {  	(pc) =	sbr.rel @!p0 .LBB2_15-.Ltmp8, $1  }
0x80: {  	_ =	sdelay $0x3  }
.Ltmp9:
0x81: {  	(pc) =	sbr.rel .LBB2_10-.Ltmp9, $4  }
0x82: {  	s30 =	simm.s32 $0x0  }
0x83: {  	[tilespmem:s19], [sflag:$0x3] =	stream.indirect.gather [hbm4b:s4+s18], $0x40, s30, s18, $0xb8;
	[tilespmem:$0x1DE00] =	vst v63  }
0x84: {  	s31 =	simm.s32 $0x0  }
0x85: {  	[tilespmem:s20], [sflag:$0x4] =	stream.indirect.gather [hbm4b:s4+s18], $0x40, s18, s18, $0xb8;
	[tilespmem:$0x1DE00] =	vst v63  }
.LBB2_13:
0x86: {  	s1 =	sadd.s32 $0x280, s0  }
0x87: {  	[tilespmem:s22], [sflag:$0x5] =	stream.indirect.gather [hbm4b:s4+s18], $0x40, s1, s18, $0xb8;
	[tilespmem:$0x1DE00] =	vst v63  }
0x88: {  	_ =	swait.ge [sflag:s23], $0x5000  }
0x89: {  	[sflag:s23] =	ssyncset.done $0x0  }
0x8a: {  	s5 =	sadd.s32 $0x2940, s0;
	[sflag:s23] =	ssyncadd.s32 $0xFFFFB000  }
0x8b: {  	[spmem:s2] =	stream.indirect.scatter.add.f32 [tilespmem:s20], [sflag:$0x7], $0x40, s5, s18, $0xb8;
	[tilespmem:$0x1DE00] =	vst v63  }
0x8c: {  	_ =	swait.ge [sflag:s24], $0x5000  }
0x8d: {  	[sflag:s24] =	ssyncset.done $0x0  }
0x8e: {  	s5 =	sadd.s32 $0x3C0, s0;
	[sflag:s24] =	ssyncadd.s32 $0xFFFFB000  }
0x8f: {  	[tilespmem:s19], [sflag:$0x3] =	stream.indirect.gather [hbm4b:s4+s18], $0x40, s5, s18, $0xb8;
	[tilespmem:$0x1DE00] =	vst v63  }
0x90: {  	_ =	swait.ge [sflag:s25], $0x5000  }
0x91: {  	s30 =	sadd.s32 $0xF00, s30;
	[sflag:s25] =	ssyncset.done $0x0  }
0x92: {  	p3 =	sne.s32 s30, $0xA500;
	s5 =	sadd.s32 $0x2A80, s0;
	[sflag:s25] =	ssyncadd.s32 $0xFFFFB000  }
0x93: {  	[spmem:s2] =	stream.indirect.scatter.add.f32 [tilespmem:s22], [sflag:$0x8], $0x40, s5, s18, $0xb8;
	[tilespmem:$0x1DE00] =	vst v63  }
.Ltmp10:
0x94: {  	_ = 	snop;
	(pc) =	sbr.rel @!p3 .LBB2_14-.Ltmp10, $4  }
0x95: {  	_ =	swait.ge [sflag:s28], $0x5000  }
0x96: {  	[sflag:s28] =	ssyncset.done $0x0  }
0x97: {  	s31 =	sadd.s32 $0x1, s31;
	s5 =	sadd.s32 $0x500, s0;
	[sflag:s28] =	ssyncadd.s32 $0xFFFFB000  }
0x98: {  	[tilespmem:s20], [sflag:$0x4] =	stream.indirect.gather [hbm4b:s4+s18], $0x40, s5, s18, $0xb8;
	[tilespmem:$0x1DE00] =	vst v63  }
.LBB2_10:
0x99: {  	p3 =	seq.s32 s31, $0x0  }
.Ltmp11:
0x9a: {  	_ = 	snop;
	(pc) =	sbr.rel @p3 .LBB2_13-.Ltmp11, $4  }
0x9b: {  	_ =	swait.ge [sflag:s21], $0x5000  }
0x9c: {  	s0 =	sshra.s32 s30, $0x2;
	[sflag:s21] =	ssyncset.done $0x0  }
0x9d: {  	s1 =	sadd.s32 $0x2800, s0;
	[sflag:s21] =	ssyncadd.s32 $0xFFFFB000  }
0x9e: {  	[spmem:s2] =	stream.indirect.scatter.add.f32 [tilespmem:s19], [sflag:$0x6], $0x40, s1, s18, $0xb8;
	[tilespmem:$0x1DE00] =	vst v63  }
0x9f: {  	p3 =	seq.s32 s31, $0xA  }
.Ltmp12:
0xa0: {  	_ = 	snop;
	(pc) =	sbr.rel @p3 .LBB2_24-.Ltmp12, $1  }
0xa1: {  	_ =	sdelay $0x3  }
.Ltmp13:
0xa2: {  	(pc) =	sbr.rel .LBB2_13-.Ltmp13, $4  }
0xa3: {  	_ = 	snop  }
0xa4: {  	_ =	swait.ge [sflag:s26], $0x5000  }
0xa5: {  	[sflag:s26] =	ssyncset.done $0x0  }
0xa6: {  	[sflag:s26] =	ssyncadd.s32 $0xFFFFB000  }
.LBB2_24:
0xa7: {  	_ =	swait.ge [sflag:s23], $0x5000  }
0xa8: {  	[sflag:s23] =	ssyncset.done $0x0  }
0xa9: {  	s0 =	sadd.s32 $0x2940, s0;
	[sflag:s23] =	ssyncadd.s32 $0xFFFFB000  }
0xaa: {  	[spmem:s2] =	stream.indirect.scatter.add.f32 [tilespmem:s20], [sflag:$0x7], $0x40, s0, s18, $0xb8;
	[tilespmem:$0x1DE00] =	vst v63  }
.LBB2_14:
0xab: {  	_ =	swait.ge [sflag:s28], $0x5000  }
0xac: {  	[sflag:s28] =	ssyncset.done $0x0  }
0xad: {  	[sflag:s28] =	ssyncadd.s32 $0xFFFFB000  }
0xae: {  	_ =	swait.ge [sflag:s24], $0x5000  }
0xaf: {  	[sflag:s24] =	ssyncset.done $0x0  }
0xb0: {  	[sflag:s24] =	ssyncadd.s32 $0xFFFFB000  }
0xb1: {  	_ =	swait.ge [sflag:s26], $0x5000  }
0xb2: {  	[sflag:s26] =	ssyncset.done $0x0  }
0xb3: {  	[sflag:s26] =	ssyncadd.s32 $0xFFFFB000  }
.LBB2_15:
0xb4: {  	p3 =	por @!p0 $0x0, $0x0;
	p4 =	por @!p2 $0x1, $0x1  }
0xb5: {  	p3 =	por @!p2 p4, p4;
	p4 =	por @p0 $0x0, $0x0  }
0xb6: {  	p4 =	por @!p0 p3, p3  }
.Ltmp14:
0xb7: {  	_ = 	snop;
	(pc) =	sbr.rel @!p4 .LBB2_22-.Ltmp14, $1  }
0xb8: {  	_ =	sdelay $0x3  }
.Ltmp15:
0xb9: {  	(pc) =	sbr.rel .LBB2_17-.Ltmp15, $4  }
0xba: {  	s30 =	simm.s32 $0x0  }
0xbb: {  	[tilespmem:s19], [sflag:$0x3] =	stream.indirect.gather [hbm4b:s4+s18], $0x40, s30, s18, $0xb8;
	[tilespmem:$0x1DE00] =	vst v63  }
0xbc: {  	s31 =	simm.s32 $0x0  }
0xbd: {  	[tilespmem:s20], [sflag:$0x4] =	stream.indirect.gather [hbm4b:s4+s18], $0x40, s18, s18, $0xb8;
	[tilespmem:$0x1DE00] =	vst v63  }
.LBB2_20:
0xbe: {  	s1 =	sadd.s32 $0x280, s0  }
0xbf: {  	[tilespmem:s22], [sflag:$0x5] =	stream.indirect.gather [hbm4b:s4+s18], $0x40, s1, s18, $0xb8;
	[tilespmem:$0x1DE00] =	vst v63  }
0xc0: {  	_ =	swait.ge [sflag:s23], $0x5000  }
0xc1: {  	[sflag:s23] =	ssyncset.done $0x0  }
0xc2: {  	s5 =	sadd.s32 $0x2940, s0;
	[sflag:s23] =	ssyncadd.s32 $0xFFFFB000  }
0xc3: {  	[spmem:s2] =	stream.indirect.scatter.add.f32 [tilespmem:s20], [sflag:$0x7], $0x40, s5, s18, $0xb8;
	[tilespmem:$0x1DE00] =	vst v63  }
0xc4: {  	_ =	swait.ge [sflag:s24], $0x5000  }
0xc5: {  	[sflag:s24] =	ssyncset.done $0x0  }
0xc6: {  	s5 =	sadd.s32 $0x3C0, s0;
	[sflag:s24] =	ssyncadd.s32 $0xFFFFB000  }
0xc7: {  	[tilespmem:s19], [sflag:$0x3] =	stream.indirect.gather [hbm4b:s4+s18], $0x40, s5, s18, $0xb8;
	[tilespmem:$0x1DE00] =	vst v63  }
0xc8: {  	_ =	swait.ge [sflag:s25], $0x5000  }
0xc9: {  	p3 =	sgt.u32 s31, $0x8;
	[sflag:s25] =	ssyncset.done $0x0  }
0xca: {  	s5 =	sadd.s32 $0x2A80, s0;
	s0 =	simm.s32 @!p3 $0x7;
	[sflag:s25] =	ssyncadd.s32 $0xFFFFB000  }
0xcb: {  	[spmem:s2] =	stream.indirect.scatter.add.f32 [tilespmem:s22], [sflag:$0x8], $0x40, s5, s18, $0xb8;
	[tilespmem:$0x1DE00] =	vst v63  }
0xcc: {  	_ =	swait.ge @!p3 [sflag:s0], $0x5000  }
0xcd: {  	[sflag:s0] =	ssyncset.done @!p3 $0x0  }
0xce: {  	s1 =	simm.s32 @!p3 $0x140;
	[sflag:s0] =	ssyncadd.s32 @!p3 $0xFFFFB000;
	s0 =	sshra.s32 @!p3 s30, $0x2  }
0xcf: {  	s5 =	simm.s32 @!p3 $0xA000;
	s30 =	sadd.s32 $0xF00, s30;
	s0 =	sadd.s32 @!p3 $0x500, s0  }
0xd0: {  	[tilespmem:s5], [sflag:$0x4] =	stream.indirect.gather @!p3 [hbm4b:s4+s1], $0x40, s0, s1, $0xb8;
	[tilespmem:$0x1DE00] =	vst v63  }
0xd1: {  	p3 =	sne.s32 s30, $0xA500  }
.Ltmp16:
0xd2: {  	_ = 	snop;
	(pc) =	sbr.rel @!p3 .LBB2_21-.Ltmp16, $2  }
0xd3: {  	_ =	sdelay $0x2  }
0xd4: {  	s31 =	sadd.s32 $0x1, s31  }
.LBB2_17:
0xd5: {  	p3 =	seq.s32 s31, $0x0  }
.Ltmp17:
0xd6: {  	_ = 	snop;
	(pc) =	sbr.rel @p3 .LBB2_20-.Ltmp17, $4  }
0xd7: {  	_ =	swait.ge [sflag:s21], $0x5000  }
0xd8: {  	s0 =	sshra.s32 s30, $0x2;
	[sflag:s21] =	ssyncset.done $0x0  }
0xd9: {  	s1 =	sadd.s32 $0x2800, s0;
	[sflag:s21] =	ssyncadd.s32 $0xFFFFB000  }
0xda: {  	[spmem:s2] =	stream.indirect.scatter.add.f32 [tilespmem:s19], [sflag:$0x6], $0x40, s1, s18, $0xb8;
	[tilespmem:$0x1DE00] =	vst v63  }
0xdb: {  	p3 =	seq.s32 s31, $0xA  }
.Ltmp18:
0xdc: {  	_ = 	snop;
	(pc) =	sbr.rel @p3 .LBB2_21-.Ltmp18, $1  }
0xdd: {  	_ =	sdelay $0x3  }
.Ltmp19:
0xde: {  	(pc) =	sbr.rel .LBB2_20-.Ltmp19, $4  }
0xdf: {  	_ = 	snop  }
0xe0: {  	_ =	swait.ge [sflag:s26], $0x5000  }
0xe1: {  	[sflag:s26] =	ssyncset.done $0x0  }
0xe2: {  	[sflag:s26] =	ssyncadd.s32 $0xFFFFB000  }
.LBB2_23:
0xe3: {  	_ =	sfence.sel $0x180000  }
0xe4: {  	[bflag:$0x0] =	sbarrier.arrive $0xFFFF  }
0xe5: {  	_ =	strace $0x9000004A  }
0xe6: {  	s0 =	stileid.u32;
	[bflag:$0x2] =	sbarrier.arrive $0xFFFF  }
0xe7: {  	p0 =	sne.s32 s0, $0x0;
	s0 =	rddreg [dreg:$0x3]  }
0xe8: {  	s0 =	sadd.s32 @!p0 $0x100000, s0  }
0xe9: {  	[sflag:s0] =	ssyncadd.tile.s32 @!p0 $0x1;
	_ =	shalt  }
.Lfunc_end2:
_tile_overlayer_lowered:
.L_overlay_start_2:
0xea: {  	(tag) =	ssettag $0x2  }
0xeb: {  	s0 =	rddreg [dreg:$0x0];
	s2 =	stileid.u32  }
0xec: {  	s1 =	rddreg [dreg:$0x1];
	p0 =	sne.s32 s2, $0x0  }
0xed: {  	s3 =	rddreg [dreg:$0x2];
	[bflag:$0x3] =	sbarrier.arrive $0xFFFF;
	s2 =	simm.s32 @!p0 $0x1C09  }
0xee: {  	[timem:s3], [sflag:s2] =	dma.local @!p0 [hbm:s0], s1  }
0xef: {  	s0 =	simm.s32 @!p0 $0x9  }
0xf0: {  	_ =	swait.ge @!p0 [sflag:s0], s1  }
0xf1: {  	s1 =	ssub.s32 @!p0 $0x0, s1;
	[sflag:s0] =	ssyncset.done @!p0 $0x0  }
0xf2: {  	[sflag:s0] =	ssyncadd.s32 @!p0 s1  }
0xf3: {  	[bflag:$0x3] =	sbarrier.arrive $0xFFFF  }
0xf4: {  	_ =	shalt  }

</sc_bundles>
